<compile_context>
chip_gen: v7x
topology: tpu7x:2x2x1
jax: 0.10.2.dev20260603
libtpu: 0.0.44.dev20260713+nightly
codegen_flags: <defaults>
</compile_context>

<pallas_src>
import functools

import numpy as np
import jax
import jax.numpy as jnp
from jax import lax
from jax.experimental import pallas as pl
from jax.experimental.pallas import tpu as pltpu
from jax.experimental.pallas import tpu_sc as plsc

H, W = 32, 64
N = H * W
NPAD = 2176
RB = 1088
NRB = NPAD // RB
BT = 8
FOV_UP_DEG, FOV_DOWN_DEG = 3.0, -25.0
MASK_THRESHOLD = 0.5
SENT = 1000.0


def _dirs_np():
    fov_up = FOV_UP_DEG * np.pi / 180.0
    fov_down = FOV_DOWN_DEG * np.pi / 180.0
    fov = abs(fov_up) + abs(fov_down)
    proj_y = (np.arange(H, dtype=np.float32) + 0.5) / H
    proj_x = (np.arange(W, dtype=np.float32) + 0.5) / W
    pitch = (1.0 - proj_y) * fov - abs(fov_down)
    yaw = (2.0 * proj_x - 1.0) * np.pi
    pitch = pitch[:, None]
    yaw = yaw[None, :]
    dx = np.cos(pitch) * np.cos(yaw)
    dy = np.cos(pitch) * np.sin(yaw)
    dz = np.sin(pitch) * np.ones_like(yaw)
    dirs = np.stack([np.broadcast_to(dx, (H, W)),
                     np.broadcast_to(dy, (H, W)),
                     np.broadcast_to(dz, (H, W))], axis=-1).astype(np.float32)
    return dirs.reshape(N, 3)


_DIRS = _dirs_np()


def _build_body(out_ref, mask_ref, tr_ref, tx_ref, ty_ref, tz_ref,
                dx_ref, dy_ref, dz_ref,
                ax_ref, ay_ref, az_ref, bx_ref, by_ref, bz_ref):
    r = jnp.where(mask_ref[...] > MASK_THRESHOLD, out_ref[...], -1.0)
    valid = r > 0.0
    ax = jnp.where(valid, r * dx_ref[...], SENT)
    ay = jnp.where(valid, r * dy_ref[...], SENT)
    az = jnp.where(valid, r * dz_ref[...], SENT)
    tvalid = tr_ref[...] >= 0.0
    bx = jnp.where(tvalid, tx_ref[...], SENT)
    by = jnp.where(tvalid, ty_ref[...], SENT)
    bz = jnp.where(tvalid, tz_ref[...], SENT)
    for dst, src in ((ax_ref, ax), (ay_ref, ay), (az_ref, az),
                     (bx_ref, bx), (by_ref, by), (bz_ref, bz)):
        dst[:, :N] = src
        dst[:, N:] = jnp.full((BT, NPAD - N), SENT, jnp.float32)


def _pair_body(axc, ayc, azc, bxr, byr, bzr, out_ref, colmin, acc):
    rb = pl.program_id(1)
    a_x = axc[0]
    a_y = ayc[0]
    a_z = azc[0]
    b_x = bxr[0]
    b_y = byr[0]
    b_z = bzr[0]
    dx = a_x - b_x
    dy = a_y - b_y
    dz = a_z - b_z
    d = dx * dx + dy * dy + dz * dz
    rmin = jnp.min(d, axis=1)
    s1 = jnp.sum(rmin)
    c1 = jnp.sum((rmin > 0.0).astype(jnp.float32))
    cm = jnp.min(d, axis=0, keepdims=True)

    @pl.when(rb == 0)
    def _():
        colmin[...] = cm
        acc[0] = s1
        acc[1] = c1

    @pl.when(rb > 0)
    def _():
        colmin[...] = jnp.minimum(colmin[...], cm)
        acc[0] = acc[0] + s1
        acc[1] = acc[1] + c1

    @pl.when(rb == NRB - 1)
    def _():
        cmf = colmin[...]
        s2 = jnp.sum(cmf)
        c2 = jnp.sum((cmf > 0.0).astype(jnp.float32))
        out_ref[...] = jnp.full((1, 1, 1), acc[0] / acc[1] + s2 / c2,
                                jnp.float32)


def _build_points(out2, mask2, tr, tx, ty, tz):
    dx = _DIRS[:, 0].reshape(1, N)
    dy = _DIRS[:, 1].reshape(1, N)
    dz = _DIRS[:, 2].reshape(1, N)
    plane = jax.ShapeDtypeStruct((BT, NPAD), jnp.float32)
    return pl.pallas_call(
        _build_body,
        out_shape=(plane,) * 6,
    )(out2, mask2, tr, tx, ty, tz,
      jnp.asarray(dx), jnp.asarray(dy), jnp.asarray(dz))


def _pairwise(ax, ay, az, bx, by, bz):
    nf = BT - _NSC
    a_spec = pl.BlockSpec((1, RB, 1), lambda f, rb: (f + _NSC, rb, 0))
    b_spec = pl.BlockSpec((1, 1, NPAD), lambda f, rb: (f + _NSC, 0, 0))
    return pl.pallas_call(
        _pair_body,
        grid=(nf, NRB),
        in_specs=[a_spec, a_spec, a_spec, b_spec, b_spec, b_spec],
        out_specs=pl.BlockSpec((1, 1, 1), lambda f, rb: (f, 0, 0)),
        out_shape=jax.ShapeDtypeStruct((nf, 1, 1), jnp.float32),
        scratch_shapes=[
            pltpu.VMEM((1, NPAD), jnp.float32),
            pltpu.SMEM((2,), jnp.float32),
        ],
    )(ax.reshape(BT, NPAD, 1), ay.reshape(BT, NPAD, 1),
      az.reshape(BT, NPAD, 1),
      bx.reshape(BT, 1, NPAD), by.reshape(BT, 1, NPAD),
      bz.reshape(BT, 1, NPAD))


_NSC = 8
_CPF = 32 // _NSC
_CH = {8: 528, 4: 272, 2: 144, 1: 80}[_NSC]
_NPAD_SC = _CPF * _CH
_UB = {8: 3, 4: 1, 2: 3, 1: 5}[_NSC]
_NBLK = _CH // (16 * _UB)
_NBV = _NPAD_SC // 16


_GDN = lax.GatherDimensionNumbers(
    offset_dims=(), collapsed_slice_dims=(0,), start_index_map=(0,))


def _lane_splat(v, l):
    idx = jnp.full((16, 1), l, jnp.int32)
    return lax.gather(v, idx, _GDN, (1,),
                      mode=lax.GatherScatterMode.PROMISE_IN_BOUNDS)


def _sc_pass(cx, cy, cz, fx, fy, fz):
    big = jnp.full((16,), 1e30, jnp.float32)

    def outer(blk, carry):
        sacc, cacc = carry
        base = blk * (16 * _UB)
        avs = [(cx[pl.ds(base + 16 * u, 16)],
                cy[pl.ds(base + 16 * u, 16)],
                cz[pl.ds(base + 16 * u, 16)]) for u in range(_UB)]

        def inner(j16, ms):
            jb = j16 * 16
            bxv = fx[pl.ds(jb, 16)]
            byv = fy[pl.ds(jb, 16)]
            bzv = fz[pl.ds(jb, 16)]
            out = list(ms)
            for l in range(16):
                bxs = _lane_splat(bxv, l)
                bys = _lane_splat(byv, l)
                bzs = _lane_splat(bzv, l)
                for u in range(_UB):
                    ddx = avs[u][0] - bxs
                    ddy = avs[u][1] - bys
                    ddz = avs[u][2] - bzs
                    dd = ddx * ddx + ddy * ddy + ddz * ddz
                    out[u] = jnp.minimum(out[u], dd)
            return tuple(out)

        ms = lax.fori_loop(0, _NBV, inner, (big,) * _UB)
        for u in range(_UB):
            sacc = sacc + ms[u]
            cacc = cacc + jnp.sign(ms[u])
        return sacc, cacc

    zero = jnp.zeros((16,), jnp.float32)
    return lax.fori_loop(0, _NBLK, outer, (zero, zero))


def _sc_body(ax_h, ay_h, az_h, bx_h, by_h, bz_h, out_h,
             cx, cy, cz, fx, fy, fz, ost):
    c = lax.axis_index("c")
    s = lax.axis_index("s")
    w = s * 2 + c
    f = w // _CPF
    q = w % _CPF
    frow = f * _NPAD_SC
    coff = frow + q * _CH
    pltpu.sync_copy(ax_h.at[pl.ds(coff, _CH)], cx)
    pltpu.sync_copy(ay_h.at[pl.ds(coff, _CH)], cy)
    pltpu.sync_copy(az_h.at[pl.ds(coff, _CH)], cz)
    pltpu.sync_copy(bx_h.at[pl.ds(frow, _NPAD_SC)], fx)
    pltpu.sync_copy(by_h.at[pl.ds(frow, _NPAD_SC)], fy)
    pltpu.sync_copy(bz_h.at[pl.ds(frow, _NPAD_SC)], fz)
    s1, c1 = _sc_pass(cx, cy, cz, fx, fy, fz)
    pltpu.sync_copy(bx_h.at[pl.ds(coff, _CH)], cx)
    pltpu.sync_copy(by_h.at[pl.ds(coff, _CH)], cy)
    pltpu.sync_copy(bz_h.at[pl.ds(coff, _CH)], cz)
    pltpu.sync_copy(ax_h.at[pl.ds(frow, _NPAD_SC)], fx)
    pltpu.sync_copy(ay_h.at[pl.ds(frow, _NPAD_SC)], fy)
    pltpu.sync_copy(az_h.at[pl.ds(frow, _NPAD_SC)], fz)
    s2, c2 = _sc_pass(cx, cy, cz, fx, fy, fz)
    ost[pl.ds(0, 16)] = s1
    ost[pl.ds(16, 16)] = c1
    ost[pl.ds(32, 16)] = s2
    ost[pl.ds(48, 16)] = c2
    pltpu.sync_copy(ost, out_h.at[pl.ds(w * 64, 64)])


def _sc_chamfer(ax, ay, az, bx, by, bz):
    mesh = plsc.VectorSubcoreMesh(core_axis_name="c", subcore_axis_name="s")
    run = functools.partial(
        pl.kernel,
        out_type=jax.ShapeDtypeStruct((32 * 64,), jnp.float32),
        mesh=mesh,
        scratch_types=[
            pltpu.VMEM((_CH,), jnp.float32),
            pltpu.VMEM((_CH,), jnp.float32),
            pltpu.VMEM((_CH,), jnp.float32),
            pltpu.VMEM((_NPAD_SC,), jnp.float32),
            pltpu.VMEM((_NPAD_SC,), jnp.float32),
            pltpu.VMEM((_NPAD_SC,), jnp.float32),
            pltpu.VMEM((64,), jnp.float32),
        ],
    )(_sc_body)
    partials = run(ax.reshape(-1), ay.reshape(-1), az.reshape(-1),
                   bx.reshape(-1), by.reshape(-1), bz.reshape(-1))
    p = partials.reshape(_NSC, _CPF, 4, 16).sum(axis=(1, 3))
    return p[:, 0] / p[:, 1] + p[:, 2] / p[:, 3]


def _sc_planes(plane):
    sub = plane[:_NSC]
    if _NPAD_SC <= NPAD:
        return sub[:, :_NPAD_SC]
    return jnp.pad(sub, ((0, 0), (0, _NPAD_SC - NPAD)),
                   constant_values=SENT)


def kernel(output, mask, target):
    B, T = output.shape[0], output.shape[1]
    out2 = output.reshape(BT, N)
    mask2 = mask.reshape(BT, N)
    tr = target[:, :, 0].reshape(BT, N)
    tx = target[:, :, 1].reshape(BT, N)
    ty = target[:, :, 2].reshape(BT, N)
    tz = target[:, :, 3].reshape(BT, N)
    ax, ay, az, bx, by, bz = _build_points(out2, mask2, tr, tx, ty, tz)
    parts = []
    if _NSC > 0:
        parts.append(_sc_chamfer(*(_sc_planes(p)
                                   for p in (ax, ay, az, bx, by, bz))))
    if _NSC < BT:
        parts.append(_pairwise(ax, ay, az, bx, by, bz).reshape(BT - _NSC))
    dc = jnp.concatenate(parts) if len(parts) > 1 else parts[0]
    ct = dc.reshape(T, B)
    return (jnp.mean(ct, axis=1), ct)

# --- scband reference (transcript-rebuilt; emitter-appended) ---
"""Pipeline reference for scband-cham-dist-67577015435956 (READ-ONLY COPY).

The authoritative reference and input builder live on the scoring server;
editing this copy changes nothing except your own understanding.
"""

import jax, jax.numpy as jnp
import numpy as np

H, W = 32, 64
FOV_UP_DEG, FOV_DOWN_DEG = 3.0, -25.0
MASK_THRESHOLD = 0.5


def _ray_dirs():
    # Inverse spherical (KITTI-style) projection: per-pixel unit ray directions.
    fov_up = FOV_UP_DEG * np.pi / 180.0
    fov_down = FOV_DOWN_DEG * np.pi / 180.0
    fov = abs(fov_up) + abs(fov_down)
    proj_y = (np.arange(H, dtype=np.float32) + 0.5) / H  # [H]
    proj_x = (np.arange(W, dtype=np.float32) + 0.5) / W  # [W]
    pitch = (1.0 - proj_y) * fov - abs(fov_down)         # [H]
    yaw = (2.0 * proj_x - 1.0) * np.pi                   # [W]
    pitch = pitch[:, None]                                # [H,1]
    yaw = yaw[None, :]                                    # [1,W]
    dx = np.cos(pitch) * np.cos(yaw)
    dy = np.cos(pitch) * np.sin(yaw)
    dz = np.sin(pitch) * np.ones_like(yaw)
    dirs = np.stack([np.broadcast_to(dx, (H, W)),
                     np.broadcast_to(dy, (H, W)),
                     np.broadcast_to(dz, (H, W))], axis=-1)
    return jnp.asarray(dirs, dtype=jnp.float32)  # [H,W,3]


def setup_inputs(seed: int = 0) -> dict:
    key = jax.random.key(seed)
    k1, k2, k3 = jax.random.split(key, 3)
    output = jax.random.uniform(k1, (2, 4, 32, 64), dtype=jnp.float32) * 50.0
    mask = jax.random.uniform(k2, (2, 4, 32, 64), dtype=jnp.float32)
    target = jax.random.normal(k3, (2, 4, 5, 32, 64), dtype=jnp.float32) * 10.0
    return {"output": output, "mask": mask, "target": target}


def _chamfer_pair(ab):
    a, b = ab  # a: [N1,3], b: [N2,3]
    diff = a[:, None, :] - b[None, :, :]        # [N1,N2,3]
    d = jnp.sum(diff * diff, axis=-1)           # [N1,N2] squared distances
    return jnp.min(d, axis=1), jnp.min(d, axis=0)


def reference(output, mask, target):
    B, T, Hh, Ww = output.shape
    dirs = _ray_dirs()  # [H,W,3]
    # projection.get_masked_range_view: keep range where mask prob > threshold, else invalid (-1)
    masked = jnp.where(mask > MASK_THRESHOLD, output, -1.0)
    r = masked.reshape(B * T, Hh, Ww)
    # get_valid_points_from_range_view: back-project, invalid ranges -> far sentinel [1000,1000,1000]
    pts = jnp.where((r > 0.0)[..., None], r[..., None] * dirs[None], 1000.0)
    output_points = pts.reshape(B * T, -1, 3)
    # target: channel 0 = validity/range, channels 1:4 = xyz
    tp = jnp.transpose(target[:, :, 1:4, :, :], (0, 1, 3, 4, 2))  # [B,T,H,W,3]
    valid = target[:, :, 0, :, :] >= 0.0
    tp = jnp.where(valid[..., None], tp, 1000.0)
    target_points = tp.reshape(B * T, -1, 3)
    pad = jnp.full((B * T, 1, 3), 1000.0, dtype=jnp.float32)
    op = jnp.concatenate([output_points, pad], axis=1)
    tg = jnp.concatenate([target_points, pad], axis=1)
    dist1, dist2 = jax.lax.map(_chamfer_pair, (op, tg))  # [BT,N1],[BT,N2]
    positive1 = jnp.sum(dist1 > 0, axis=1).astype(jnp.float32)
    positive2 = jnp.sum(dist2 > 0, axis=1).astype(jnp.float32)
    dist_combined = jnp.sum(dist1, axis=1) / positive1 + jnp.sum(dist2, axis=1) / positive2
    chamfer_distances_tensor = dist_combined.reshape(T, B)
    chamf_dist_t = jnp.mean(chamfer_distances_tensor, axis=1)
    return (chamf_dist_t, chamfer_distances_tensor)

if __name__ == "__main__":
    import jax
    _d = setup_inputs()
    print(jax.jit(kernel)(*tuple(_d.values())))

</pallas_src>

<mosaic_0001>
#map = affine_map<(d0, d1) -> (0)>
module attributes {stable_mosaic.version = 14 : i64} {
  func.func @_sc_body(%arg0: i32, %arg1: i32, %arg2: memref<16896xf32, #tpu.memory_space<hbm>>, %arg3: memref<16896xf32, #tpu.memory_space<hbm>>, %arg4: memref<16896xf32, #tpu.memory_space<hbm>>, %arg5: memref<16896xf32, #tpu.memory_space<hbm>>, %arg6: memref<16896xf32, #tpu.memory_space<hbm>>, %arg7: memref<16896xf32, #tpu.memory_space<hbm>>, %arg8: memref<2048xf32, #tpu.memory_space<hbm>>, %arg9: memref<528xf32, #tpu.memory_space<vmem>>, %arg10: memref<528xf32, #tpu.memory_space<vmem>>, %arg11: memref<528xf32, #tpu.memory_space<vmem>>, %arg12: memref<2112xf32, #tpu.memory_space<vmem>>, %arg13: memref<2112xf32, #tpu.memory_space<vmem>>, %arg14: memref<2112xf32, #tpu.memory_space<vmem>>, %arg15: memref<64xf32, #tpu.memory_space<vmem>>) attributes {dimension_semantics = [#tpu.dimension_semantics<core_parallel>, #tpu.dimension_semantics<subcore_parallel>], iteration_bounds = array<i64: 2, 16>, scalar_prefetch = 0 : i64, scratch_operands = 7 : i64, tpu.core_type = #tpu.core_type<sc_vector_subcore>, window_params = [{transform_indices = #map}, {transform_indices = #map}, {transform_indices = #map}, {transform_indices = #map}, {transform_indices = #map}, {transform_indices = #map}, {transform_indices = #map}]} {
    %mul3A = arith.constant 2 : i32
    %mul3A_0 = arith.muli %arg1, %mul3A : i32
    %add3A = arith.addi %mul3A_0, %arg0 : i32
    %jit3A = arith.constant 4 : i32
    %div3A = arith.divsi %add3A, %jit3A : i32
    %sign3A = arith.constant 0 : i32
    %sign3A_1 = arith.cmpi sgt, %add3A, %sign3A : i32
    %sign3A_2 = arith.extui %sign3A_1 : i1 to i32
    %sign3A_3 = arith.constant 0 : i32
    %sign3A_4 = arith.cmpi slt, %add3A, %sign3A_3 : i32
    %sign3A_5 = arith.extui %sign3A_4 : i1 to i32
    %sign3A_6 = arith.subi %sign3A_2, %sign3A_5 : i32
    %sign3A_7 = arith.constant 0 : i32
    %sign3A_8 = arith.cmpi sgt, %jit3A, %sign3A_7 : i32
    %sign3A_9 = arith.extui %sign3A_8 : i1 to i32
    %sign3A_10 = arith.constant 0 : i32
    %sign3A_11 = arith.cmpi slt, %jit3A, %sign3A_10 : i32
    %sign3A_12 = arith.extui %sign3A_11 : i1 to i32
    %sign3A_13 = arith.subi %sign3A_9, %sign3A_12 : i32
    %ne3A = arith.cmpi ne, %sign3A_6, %sign3A_13 : i32
    %rem3A = arith.remsi %add3A, %jit3A : i32
    %ne3A_14 = arith.constant 0 : i32
    %ne3A_15 = arith.cmpi ne, %rem3A, %ne3A_14 : i32
    %and3A = arith.andi %ne3A, %ne3A_15 : i1
    %sub3A = arith.constant 1 : i32
    %sub3A_16 = arith.subi %div3A, %sub3A : i32
    %select_n3A = arith.select %and3A, %sub3A_16, %div3A : i32
    %jit3A_17 = arith.constant 4 : i32
    %eq3A = arith.constant 0 : i32
    %eq3A_18 = arith.cmpi eq, %jit3A_17, %eq3A : i32
    %jit3A_19 = arith.constant 1 : i32
    %select_n3A_20 = arith.select %eq3A_18, %jit3A_19, %jit3A_17 : i32
    %rem3A_21 = arith.remsi %add3A, %select_n3A_20 : i32
    %ne3A_22 = arith.constant 0 : i32
    %ne3A_23 = arith.cmpi ne, %rem3A_21, %ne3A_22 : i32
    %lt3A = arith.constant 0 : i32
    %lt3A_24 = arith.cmpi slt, %rem3A_21, %lt3A : i32
    %lt3A_25 = arith.constant 0 : i32
    %lt3A_26 = arith.cmpi slt, %select_n3A_20, %lt3A_25 : i32
    %ne3A_27 = arith.xori %lt3A_24, %lt3A_26 : i1
    %and3A_28 = arith.andi %ne3A_27, %ne3A_23 : i1
    %add3A_29 = arith.addi %rem3A_21, %select_n3A_20 : i32
    %select_n3A_30 = arith.select %and3A_28, %add3A_29, %rem3A_21 : i32
    %mul3A_31 = arith.constant 2112 : i32
    %mul3A_32 = arith.muli %select_n3A, %mul3A_31 : i32
    %mul3A_33 = arith.constant 528 : i32
    %mul3A_34 = arith.muli %select_n3A_30, %mul3A_33 : i32
    %add3A_35 = arith.addi %mul3A_32, %mul3A_34 : i32
    "tpu.region"() ({
      %run_scoped3A = tpu.sem_alloc : memref<!tpu.dma_semaphore, #tpu.memory_space<semaphore_mem>>
      %dma_start3A = tpu.memref_slice %arg2[%add3A_35] : memref<16896xf32, #tpu.memory_space<hbm>> -> memref<528xf32, #tpu.memory_space<hbm>>
      %dma_start3A_71 = tpu.memref_slice %arg2[%add3A_35] : memref<16896xf32, #tpu.memory_space<hbm>> -> memref<528xf32, #tpu.memory_space<hbm>>
      tpu.enqueue_dma source(%dma_start3A_71 : memref<528xf32, #tpu.memory_space<hbm>>) target(%arg9 : memref<528xf32, #tpu.memory_space<vmem>>) target_semaphore(%run_scoped3A : memref<!tpu.dma_semaphore, #tpu.memory_space<semaphore_mem>>)
      %dma_wait3A = tpu.memref_slice %arg2[%add3A_35] : memref<16896xf32, #tpu.memory_space<hbm>> -> memref<528xf32, #tpu.memory_space<hbm>>
      %dma_wait3A_72 = tpu.memref_slice %arg2[%add3A_35] : memref<16896xf32, #tpu.memory_space<hbm>> -> memref<528xf32, #tpu.memory_space<hbm>>
      tpu.wait_dma2 semaphore(%run_scoped3A : memref<!tpu.dma_semaphore, #tpu.memory_space<semaphore_mem>>) src(%dma_wait3A_72 : memref<528xf32, #tpu.memory_space<hbm>>) dst(%arg9 : memref<528xf32, #tpu.memory_space<vmem>>)
      tpu.yield
    }) : () -> ()
    "tpu.region"() ({
      %run_scoped3A = tpu.sem_alloc : memref<!tpu.dma_semaphore, #tpu.memory_space<semaphore_mem>>
      %dma_start3A = tpu.memref_slice %arg3[%add3A_35] : memref<16896xf32, #tpu.memory_space<hbm>> -> memref<528xf32, #tpu.memory_space<hbm>>
      %dma_start3A_71 = tpu.memref_slice %arg3[%add3A_35] : memref<16896xf32, #tpu.memory_space<hbm>> -> memref<528xf32, #tpu.memory_space<hbm>>
      tpu.enqueue_dma source(%dma_start3A_71 : memref<528xf32, #tpu.memory_space<hbm>>) target(%arg10 : memref<528xf32, #tpu.memory_space<vmem>>) target_semaphore(%run_scoped3A : memref<!tpu.dma_semaphore, #tpu.memory_space<semaphore_mem>>)
      %dma_wait3A = tpu.memref_slice %arg3[%add3A_35] : memref<16896xf32, #tpu.memory_space<hbm>> -> memref<528xf32, #tpu.memory_space<hbm>>
      %dma_wait3A_72 = tpu.memref_slice %arg3[%add3A_35] : memref<16896xf32, #tpu.memory_space<hbm>> -> memref<528xf32, #tpu.memory_space<hbm>>
      tpu.wait_dma2 semaphore(%run_scoped3A : memref<!tpu.dma_semaphore, #tpu.memory_space<semaphore_mem>>) src(%dma_wait3A_72 : memref<528xf32, #tpu.memory_space<hbm>>) dst(%arg10 : memref<528xf32, #tpu.memory_space<vmem>>)
      tpu.yield
    }) : () -> ()
    "tpu.region"() ({
      %run_scoped3A = tpu.sem_alloc : memref<!tpu.dma_semaphore, #tpu.memory_space<semaphore_mem>>
      %dma_start3A = tpu.memref_slice %arg4[%add3A_35] : memref<16896xf32, #tpu.memory_space<hbm>> -> memref<528xf32, #tpu.memory_space<hbm>>
      %dma_start3A_71 = tpu.memref_slice %arg4[%add3A_35] : memref<16896xf32, #tpu.memory_space<hbm>> -> memref<528xf32, #tpu.memory_space<hbm>>
      tpu.enqueue_dma source(%dma_start3A_71 : memref<528xf32, #tpu.memory_space<hbm>>) target(%arg11 : memref<528xf32, #tpu.memory_space<vmem>>) target_semaphore(%run_scoped3A : memref<!tpu.dma_semaphore, #tpu.memory_space<semaphore_mem>>)
      %dma_wait3A = tpu.memref_slice %arg4[%add3A_35] : memref<16896xf32, #tpu.memory_space<hbm>> -> memref<528xf32, #tpu.memory_space<hbm>>
      %dma_wait3A_72 = tpu.memref_slice %arg4[%add3A_35] : memref<16896xf32, #tpu.memory_space<hbm>> -> memref<528xf32, #tpu.memory_space<hbm>>
      tpu.wait_dma2 semaphore(%run_scoped3A : memref<!tpu.dma_semaphore, #tpu.memory_space<semaphore_mem>>) src(%dma_wait3A_72 : memref<528xf32, #tpu.memory_space<hbm>>) dst(%arg11 : memref<528xf32, #tpu.memory_space<vmem>>)
      tpu.yield
    }) : () -> ()
    "tpu.region"() ({
      %run_scoped3A = tpu.sem_alloc : memref<!tpu.dma_semaphore, #tpu.memory_space<semaphore_mem>>
      %dma_start3A = tpu.memref_slice %arg5[%mul3A_32] : memref<16896xf32, #tpu.memory_space<hbm>> -> memref<2112xf32, #tpu.memory_space<hbm>>
      %dma_start3A_71 = tpu.memref_slice %arg5[%mul3A_32] : memref<16896xf32, #tpu.memory_space<hbm>> -> memref<2112xf32, #tpu.memory_space<hbm>>
      tpu.enqueue_dma source(%dma_start3A_71 : memref<2112xf32, #tpu.memory_space<hbm>>) target(%arg12 : memref<2112xf32, #tpu.memory_space<vmem>>) target_semaphore(%run_scoped3A : memref<!tpu.dma_semaphore, #tpu.memory_space<semaphore_mem>>)
      %dma_wait3A = tpu.memref_slice %arg5[%mul3A_32] : memref<16896xf32, #tpu.memory_space<hbm>> -> memref<2112xf32, #tpu.memory_space<hbm>>
      %dma_wait3A_72 = tpu.memref_slice %arg5[%mul3A_32] : memref<16896xf32, #tpu.memory_space<hbm>> -> memref<2112xf32, #tpu.memory_space<hbm>>
      tpu.wait_dma2 semaphore(%run_scoped3A : memref<!tpu.dma_semaphore, #tpu.memory_space<semaphore_mem>>) src(%dma_wait3A_72 : memref<2112xf32, #tpu.memory_space<hbm>>) dst(%arg12 : memref<2112xf32, #tpu.memory_space<vmem>>)
      tpu.yield
    }) : () -> ()
    "tpu.region"() ({
      %run_scoped3A = tpu.sem_alloc : memref<!tpu.dma_semaphore, #tpu.memory_space<semaphore_mem>>
      %dma_start3A = tpu.memref_slice %arg6[%mul3A_32] : memref<16896xf32, #tpu.memory_space<hbm>> -> memref<2112xf32, #tpu.memory_space<hbm>>
      %dma_start3A_71 = tpu.memref_slice %arg6[%mul3A_32] : memref<16896xf32, #tpu.memory_space<hbm>> -> memref<2112xf32, #tpu.memory_space<hbm>>
      tpu.enqueue_dma source(%dma_start3A_71 : memref<2112xf32, #tpu.memory_space<hbm>>) target(%arg13 : memref<2112xf32, #tpu.memory_space<vmem>>) target_semaphore(%run_scoped3A : memref<!tpu.dma_semaphore, #tpu.memory_space<semaphore_mem>>)
      %dma_wait3A = tpu.memref_slice %arg6[%mul3A_32] : memref<16896xf32, #tpu.memory_space<hbm>> -> memref<2112xf32, #tpu.memory_space<hbm>>
      %dma_wait3A_72 = tpu.memref_slice %arg6[%mul3A_32] : memref<16896xf32, #tpu.memory_space<hbm>> -> memref<2112xf32, #tpu.memory_space<hbm>>
      tpu.wait_dma2 semaphore(%run_scoped3A : memref<!tpu.dma_semaphore, #tpu.memory_space<semaphore_mem>>) src(%dma_wait3A_72 : memref<2112xf32, #tpu.memory_space<hbm>>) dst(%arg13 : memref<2112xf32, #tpu.memory_space<vmem>>)
      tpu.yield
    }) : () -> ()
    "tpu.region"() ({
      %run_scoped3A = tpu.sem_alloc : memref<!tpu.dma_semaphore, #tpu.memory_space<semaphore_mem>>
      %dma_start3A = tpu.memref_slice %arg7[%mul3A_32] : memref<16896xf32, #tpu.memory_space<hbm>> -> memref<2112xf32, #tpu.memory_space<hbm>>
      %dma_start3A_71 = tpu.memref_slice %arg7[%mul3A_32] : memref<16896xf32, #tpu.memory_space<hbm>> -> memref<2112xf32, #tpu.memory_space<hbm>>
      tpu.enqueue_dma source(%dma_start3A_71 : memref<2112xf32, #tpu.memory_space<hbm>>) target(%arg14 : memref<2112xf32, #tpu.memory_space<vmem>>) target_semaphore(%run_scoped3A : memref<!tpu.dma_semaphore, #tpu.memory_space<semaphore_mem>>)
      %dma_wait3A = tpu.memref_slice %arg7[%mul3A_32] : memref<16896xf32, #tpu.memory_space<hbm>> -> memref<2112xf32, #tpu.memory_space<hbm>>
      %dma_wait3A_72 = tpu.memref_slice %arg7[%mul3A_32] : memref<16896xf32, #tpu.memory_space<hbm>> -> memref<2112xf32, #tpu.memory_space<hbm>>
      tpu.wait_dma2 semaphore(%run_scoped3A : memref<!tpu.dma_semaphore, #tpu.memory_space<semaphore_mem>>) src(%dma_wait3A_72 : memref<2112xf32, #tpu.memory_space<hbm>>) dst(%arg14 : memref<2112xf32, #tpu.memory_space<vmem>>)
      tpu.yield
    }) : () -> ()
    %broadcast_in_dim3A = arith.constant 1.000000e+30 : f32
    %broadcast_in_dim3A_36 = vector.broadcast %broadcast_in_dim3A : f32 to vector<16xf32>
    %broadcast_in_dim3A_37 = arith.constant 0.000000e+00 : f32
    %broadcast_in_dim3A_38 = vector.broadcast %broadcast_in_dim3A_37 : f32 to vector<16xf32>
    %scan3A = arith.constant 0 : i32
    %scan3A_39 = arith.constant 11 : i32
    %scan3A_40 = arith.addi %scan3A, %scan3A_39 : i32
    %scan3A_41 = arith.constant 1 : i32
    %scan3A_42:2 = scf.for %scan3A_71 = %scan3A to %scan3A_40 step %scan3A_41 iter_args(%scan3A_72 = %broadcast_in_dim3A_38, %scan3A_73 = %broadcast_in_dim3A_38) -> (vector<16xf32>, vector<16xf32>)  : i32 {
      %mul3A_74 = arith.constant 48 : i32
      %mul3A_75 = arith.muli %scan3A_71, %mul3A_74 : i32
      %add3A_76 = arith.constant 0 : i32
      %add3A_77 = arith.addi %mul3A_75, %add3A_76 : i32
      %get3A = arith.index_cast %add3A_77 : i32 to index
      %get3A_78 = tpu.vector_load %arg9[%get3A] {strides = array<i32>} : memref<528xf32, #tpu.memory_space<vmem>>, vector<16xf32>,
      %get3A_79 = vector.shape_cast %get3A_78 : vector<16xf32> to vector<16xf32>
      %add3A_80 = arith.constant 0 : i32
      %add3A_81 = arith.addi %mul3A_75, %add3A_80 : i32
      %get3A_82 = arith.index_cast %add3A_81 : i32 to index
      %get3A_83 = tpu.vector_load %arg10[%get3A_82] {strides = array<i32>} : memref<528xf32, #tpu.memory_space<vmem>>, vector<16xf32>,
      %get3A_84 = vector.shape_cast %get3A_83 : vector<16xf32> to vector<16xf32>
      %add3A_85 = arith.constant 0 : i32
      %add3A_86 = arith.addi %mul3A_75, %add3A_85 : i32
      %get3A_87 = arith.index_cast %add3A_86 : i32 to index
      %get3A_88 = tpu.vector_load %arg11[%get3A_87] {strides = array<i32>} : memref<528xf32, #tpu.memory_space<vmem>>, vector<16xf32>,
      %get3A_89 = vector.shape_cast %get3A_88 : vector<16xf32> to vector<16xf32>
      %add3A_90 = arith.constant 16 : i32
      %add3A_91 = arith.addi %mul3A_75, %add3A_90 : i32
      %get3A_92 = arith.index_cast %add3A_91 : i32 to index
      %get3A_93 = tpu.vector_load %arg9[%get3A_92] {strides = array<i32>} : memref<528xf32, #tpu.memory_space<vmem>>, vector<16xf32>,
      %get3A_94 = vector.shape_cast %get3A_93 : vector<16xf32> to vector<16xf32>
      %add3A_95 = arith.constant 16 : i32
      %add3A_96 = arith.addi %mul3A_75, %add3A_95 : i32
      %get3A_97 = arith.index_cast %add3A_96 : i32 to index
      %get3A_98 = tpu.vector_load %arg10[%get3A_97] {strides = array<i32>} : memref<528xf32, #tpu.memory_space<vmem>>, vector<16xf32>,
      %get3A_99 = vector.shape_cast %get3A_98 : vector<16xf32> to vector<16xf32>
      %add3A_100 = arith.constant 16 : i32
      %add3A_101 = arith.addi %mul3A_75, %add3A_100 : i32
      %get3A_102 = arith.index_cast %add3A_101 : i32 to index
      %get3A_103 = tpu.vector_load %arg11[%get3A_102] {strides = array<i32>} : memref<528xf32, #tpu.memory_space<vmem>>, vector<16xf32>,
      %get3A_104 = vector.shape_cast %get3A_103 : vector<16xf32> to vector<16xf32>
      %add3A_105 = arith.constant 32 : i32
      %add3A_106 = arith.addi %mul3A_75, %add3A_105 : i32
      %get3A_107 = arith.index_cast %add3A_106 : i32 to index
      %get3A_108 = tpu.vector_load %arg9[%get3A_107] {strides = array<i32>} : memref<528xf32, #tpu.memory_space<vmem>>, vector<16xf32>,
      %get3A_109 = vector.shape_cast %get3A_108 : vector<16xf32> to vector<16xf32>
      %add3A_110 = arith.constant 32 : i32
      %add3A_111 = arith.addi %mul3A_75, %add3A_110 : i32
      %get3A_112 = arith.index_cast %add3A_111 : i32 to index
      %get3A_113 = tpu.vector_load %arg10[%get3A_112] {strides = array<i32>} : memref<528xf32, #tpu.memory_space<vmem>>, vector<16xf32>,
      %get3A_114 = vector.shape_cast %get3A_113 : vector<16xf32> to vector<16xf32>
      %add3A_115 = arith.constant 32 : i32
      %add3A_116 = arith.addi %mul3A_75, %add3A_115 : i32
      %get3A_117 = arith.index_cast %add3A_116 : i32 to index
      %get3A_118 = tpu.vector_load %arg11[%get3A_117] {strides = array<i32>} : memref<528xf32, #tpu.memory_space<vmem>>, vector<16xf32>,
      %get3A_119 = vector.shape_cast %get3A_118 : vector<16xf32> to vector<16xf32>
      %scan3A_120 = arith.constant 0 : i32
      %scan3A_121 = arith.constant 132 : i32
      %scan3A_122 = arith.addi %scan3A_120, %scan3A_121 : i32
      %scan3A_123 = arith.constant 1 : i32
      %scan3A_124:3 = scf.for %scan3A_171 = %scan3A_120 to %scan3A_122 step %scan3A_123 iter_args(%scan3A_172 = %broadcast_in_dim3A_36, %scan3A_173 = %broadcast_in_dim3A_36, %scan3A_174 = %broadcast_in_dim3A_36) -> (vector<16xf32>, vector<16xf32>, vector<16xf32>)  : i32 {
        %mul3A_175 = arith.constant 16 : i32
        %mul3A_176 = arith.muli %scan3A_171, %mul3A_175 : i32
        %get3A_177 = arith.index_cast %mul3A_176 : i32 to index
        %get3A_178 = tpu.vector_load %arg12[%get3A_177] {strides = array<i32>} : memref<2112xf32, #tpu.memory_space<vmem>>, vector<16xf32>,
        %get3A_179 = vector.shape_cast %get3A_178 : vector<16xf32> to vector<16xf32>
        %get3A_180 = arith.index_cast %mul3A_176 : i32 to index
        %get3A_181 = tpu.vector_load %arg13[%get3A_180] {strides = array<i32>} : memref<2112xf32, #tpu.memory_space<vmem>>, vector<16xf32>,
        %get3A_182 = vector.shape_cast %get3A_181 : vector<16xf32> to vector<16xf32>
        %get3A_183 = arith.index_cast %mul3A_176 : i32 to index
        %get3A_184 = tpu.vector_load %arg14[%get3A_183] {strides = array<i32>} : memref<2112xf32, #tpu.memory_space<vmem>>, vector<16xf32>,
        %get3A_185 = vector.shape_cast %get3A_184 : vector<16xf32> to vector<16xf32>
        %broadcast_in_dim3A_186 = arith.constant 0 : i32
        %broadcast_in_dim3A_187 = vector.broadcast %broadcast_in_dim3A_186 : i32 to vector<16x1xi32>
        %gather3A = vector.shape_cast %broadcast_in_dim3A_187 : vector<16x1xi32> to vector<16xi32>
        %gather3A_188 = tpu.dynamic_gather %get3A_179[%gather3A] in [0] : vector<16xf32>, vector<16xi32> -> vector<16xf32>
        %broadcast_in_dim3A_189 = arith.constant 0 : i32
        %broadcast_in_dim3A_190 = vector.broadcast %broadcast_in_dim3A_189 : i32 to vector<16x1xi32>
        %gather3A_191 = vector.shape_cast %broadcast_in_dim3A_190 : vector<16x1xi32> to vector<16xi32>
        %gather3A_192 = tpu.dynamic_gather %get3A_182[%gather3A_191] in [0] : vector<16xf32>, vector<16xi32> -> vector<16xf32>
        %broadcast_in_dim3A_193 = arith.constant 0 : i32
        %broadcast_in_dim3A_194 = vector.broadcast %broadcast_in_dim3A_193 : i32 to vector<16x1xi32>
        %gather3A_195 = vector.shape_cast %broadcast_in_dim3A_194 : vector<16x1xi32> to vector<16xi32>
        %gather3A_196 = tpu.dynamic_gather %get3A_185[%gather3A_195] in [0] : vector<16xf32>, vector<16xi32> -> vector<16xf32>
        %sub3A_197 = arith.subf %get3A_79, %gather3A_188 : vector<16xf32>
        %sub3A_198 = arith.subf %get3A_84, %gather3A_192 : vector<16xf32>
        %sub3A_199 = arith.subf %get3A_89, %gather3A_196 : vector<16xf32>
        %mul3A_200 = arith.mulf %sub3A_197, %sub3A_197 : vector<16xf32>
        %mul3A_201 = arith.mulf %sub3A_198, %sub3A_198 : vector<16xf32>
        %add3A_202 = arith.addf %mul3A_200, %mul3A_201 : vector<16xf32>
        %mul3A_203 = arith.mulf %sub3A_199, %sub3A_199 : vector<16xf32>
        %add3A_204 = arith.addf %add3A_202, %mul3A_203 : vector<16xf32>
        %min3A = arith.minimumf %scan3A_172, %add3A_204 : vector<16xf32>
        %sub3A_205 = arith.subf %get3A_94, %gather3A_188 : vector<16xf32>
        %sub3A_206 = arith.subf %get3A_99, %gather3A_192 : vector<16xf32>
        %sub3A_207 = arith.subf %get3A_104, %gather3A_196 : vector<16xf32>
        %mul3A_208 = arith.mulf %sub3A_205, %sub3A_205 : vector<16xf32>
        %mul3A_209 = arith.mulf %sub3A_206, %sub3A_206 : vector<16xf32>
        %add3A_210 = arith.addf %mul3A_208, %mul3A_209 : vector<16xf32>
        %mul3A_211 = arith.mulf %sub3A_207, %sub3A_207 : vector<16xf32>
        %add3A_212 = arith.addf %add3A_210, %mul3A_211 : vector<16xf32>
        %min3A_213 = arith.minimumf %scan3A_173, %add3A_212 : vector<16xf32>
        %sub3A_214 = arith.subf %get3A_109, %gather3A_188 : vector<16xf32>
        %sub3A_215 = arith.subf %get3A_114, %gather3A_192 : vector<16xf32>
        %sub3A_216 = arith.subf %get3A_119, %gather3A_196 : vector<16xf32>
        %mul3A_217 = arith.mulf %sub3A_214, %sub3A_214 : vector<16xf32>
        %mul3A_218 = arith.mulf %sub3A_215, %sub3A_215 : vector<16xf32>
        %add3A_219 = arith.addf %mul3A_217, %mul3A_218 : vector<16xf32>
        %mul3A_220 = arith.mulf %sub3A_216, %sub3A_216 : vector<16xf32>
        %add3A_221 = arith.addf %add3A_219, %mul3A_220 : vector<16xf32>
        %min3A_222 = arith.minimumf %scan3A_174, %add3A_221 : vector<16xf32>
        %broadcast_in_dim3A_223 = arith.constant 1 : i32
        %broadcast_in_dim3A_224 = vector.broadcast %broadcast_in_dim3A_223 : i32 to vector<16x1xi32>
        %gather3A_225 = vector.shape_cast %broadcast_in_dim3A_224 : vector<16x1xi32> to vector<16xi32>
        %gather3A_226 = tpu.dynamic_gather %get3A_179[%gather3A_225] in [0] : vector<16xf32>, vector<16xi32> -> vector<16xf32>
        %broadcast_in_dim3A_227 = arith.constant 1 : i32
        %broadcast_in_dim3A_228 = vector.broadcast %broadcast_in_dim3A_227 : i32 to vector<16x1xi32>
        %gather3A_229 = vector.shape_cast %broadcast_in_dim3A_228 : vector<16x1xi32> to vector<16xi32>
        %gather3A_230 = tpu.dynamic_gather %get3A_182[%gather3A_229] in [0] : vector<16xf32>, vector<16xi32> -> vector<16xf32>
        %broadcast_in_dim3A_231 = arith.constant 1 : i32
        %broadcast_in_dim3A_232 = vector.broadcast %broadcast_in_dim3A_231 : i32 to vector<16x1xi32>
        %gather3A_233 = vector.shape_cast %broadcast_in_dim3A_232 : vector<16x1xi32> to vector<16xi32>
        %gather3A_234 = tpu.dynamic_gather %get3A_185[%gather3A_233] in [0] : vector<16xf32>, vector<16xi32> -> vector<16xf32>
        %sub3A_235 = arith.subf %get3A_79, %gather3A_226 : vector<16xf32>
        %sub3A_236 = arith.subf %get3A_84, %gather3A_230 : vector<16xf32>
        %sub3A_237 = arith.subf %get3A_89, %gather3A_234 : vector<16xf32>
        %mul3A_238 = arith.mulf %sub3A_235, %sub3A_235 : vector<16xf32>
        %mul3A_239 = arith.mulf %sub3A_236, %sub3A_236 : vector<16xf32>
        %add3A_240 = arith.addf %mul3A_238, %mul3A_239 : vector<16xf32>
        %mul3A_241 = arith.mulf %sub3A_237, %sub3A_237 : vector<16xf32>
        %add3A_242 = arith.addf %add3A_240, %mul3A_241 : vector<16xf32>
        %min3A_243 = arith.minimumf %min3A, %add3A_242 : vector<16xf32>
        %sub3A_244 = arith.subf %get3A_94, %gather3A_226 : vector<16xf32>
        %sub3A_245 = arith.subf %get3A_99, %gather3A_230 : vector<16xf32>
        %sub3A_246 = arith.subf %get3A_104, %gather3A_234 : vector<16xf32>
        %mul3A_247 = arith.mulf %sub3A_244, %sub3A_244 : vector<16xf32>
        %mul3A_248 = arith.mulf %sub3A_245, %sub3A_245 : vector<16xf32>
        %add3A_249 = arith.addf %mul3A_247, %mul3A_248 : vector<16xf32>
        %mul3A_250 = arith.mulf %sub3A_246, %sub3A_246 : vector<16xf32>
        %add3A_251 = arith.addf %add3A_249, %mul3A_250 : vector<16xf32>
        %min3A_252 = arith.minimumf %min3A_213, %add3A_251 : vector<16xf32>
        %sub3A_253 = arith.subf %get3A_109, %gather3A_226 : vector<16xf32>
        %sub3A_254 = arith.subf %get3A_114, %gather3A_230 : vector<16xf32>
        %sub3A_255 = arith.subf %get3A_119, %gather3A_234 : vector<16xf32>
        %mul3A_256 = arith.mulf %sub3A_253, %sub3A_253 : vector<16xf32>
        %mul3A_257 = arith.mulf %sub3A_254, %sub3A_254 : vector<16xf32>
        %add3A_258 = arith.addf %mul3A_256, %mul3A_257 : vector<16xf32>
        %mul3A_259 = arith.mulf %sub3A_255, %sub3A_255 : vector<16xf32>
        %add3A_260 = arith.addf %add3A_258, %mul3A_259 : vector<16xf32>
        %min3A_261 = arith.minimumf %min3A_222, %add3A_260 : vector<16xf32>
        %broadcast_in_dim3A_262 = arith.constant 2 : i32
        %broadcast_in_dim3A_263 = vector.broadcast %broadcast_in_dim3A_262 : i32 to vector<16x1xi32>
        %gather3A_264 = vector.shape_cast %broadcast_in_dim3A_263 : vector<16x1xi32> to vector<16xi32>
        %gather3A_265 = tpu.dynamic_gather %get3A_179[%gather3A_264] in [0] : vector<16xf32>, vector<16xi32> -> vector<16xf32>
        %broadcast_in_dim3A_266 = arith.constant 2 : i32
        %broadcast_in_dim3A_267 = vector.broadcast %broadcast_in_dim3A_266 : i32 to vector<16x1xi32>
        %gather3A_268 = vector.shape_cast %broadcast_in_dim3A_267 : vector<16x1xi32> to vector<16xi32>
        %gather3A_269 = tpu.dynamic_gather %get3A_182[%gather3A_268] in [0] : vector<16xf32>, vector<16xi32> -> vector<16xf32>
        %broadcast_in_dim3A_270 = arith.constant 2 : i32
        %broadcast_in_dim3A_271 = vector.broadcast %broadcast_in_dim3A_270 : i32 to vector<16x1xi32>
        %gather3A_272 = vector.shape_cast %broadcast_in_dim3A_271 : vector<16x1xi32> to vector<16xi32>
        %gather3A_273 = tpu.dynamic_gather %get3A_185[%gather3A_272] in [0] : vector<16xf32>, vector<16xi32> -> vector<16xf32>
        %sub3A_274 = arith.subf %get3A_79, %gather3A_265 : vector<16xf32>
        %sub3A_275 = arith.subf %get3A_84, %gather3A_269 : vector<16xf32>
        %sub3A_276 = arith.subf %get3A_89, %gather3A_273 : vector<16xf32>
        %mul3A_277 = arith.mulf %sub3A_274, %sub3A_274 : vector<16xf32>
        %mul3A_278 = arith.mulf %sub3A_275, %sub3A_275 : vector<16xf32>
        %add3A_279 = arith.addf %mul3A_277, %mul3A_278 : vector<16xf32>
        %mul3A_280 = arith.mulf %sub3A_276, %sub3A_276 : vector<16xf32>
        %add3A_281 = arith.addf %add3A_279, %mul3A_280 : vector<16xf32>
        %min3A_282 = arith.minimumf %min3A_243, %add3A_281 : vector<16xf32>
        %sub3A_283 = arith.subf %get3A_94, %gather3A_265 : vector<16xf32>
        %sub3A_284 = arith.subf %get3A_99, %gather3A_269 : vector<16xf32>
        %sub3A_285 = arith.subf %get3A_104, %gather3A_273 : vector<16xf32>
        %mul3A_286 = arith.mulf %sub3A_283, %sub3A_283 : vector<16xf32>
        %mul3A_287 = arith.mulf %sub3A_284, %sub3A_284 : vector<16xf32>
        %add3A_288 = arith.addf %mul3A_286, %mul3A_287 : vector<16xf32>
        %mul3A_289 = arith.mulf %sub3A_285, %sub3A_285 : vector<16xf32>
        %add3A_290 = arith.addf %add3A_288, %mul3A_289 : vector<16xf32>
        %min3A_291 = arith.minimumf %min3A_252, %add3A_290 : vector<16xf32>
        %sub3A_292 = arith.subf %get3A_109, %gather3A_265 : vector<16xf32>
        %sub3A_293 = arith.subf %get3A_114, %gather3A_269 : vector<16xf32>
        %sub3A_294 = arith.subf %get3A_119, %gather3A_273 : vector<16xf32>
        %mul3A_295 = arith.mulf %sub3A_292, %sub3A_292 : vector<16xf32>
        %mul3A_296 = arith.mulf %sub3A_293, %sub3A_293 : vector<16xf32>
        %add3A_297 = arith.addf %mul3A_295, %mul3A_296 : vector<16xf32>
        %mul3A_298 = arith.mulf %sub3A_294, %sub3A_294 : vector<16xf32>
        %add3A_299 = arith.addf %add3A_297, %mul3A_298 : vector<16xf32>
        %min3A_300 = arith.minimumf %min3A_261, %add3A_299 : vector<16xf32>
        %broadcast_in_dim3A_301 = arith.constant 3 : i32
        %broadcast_in_dim3A_302 = vector.broadcast %broadcast_in_dim3A_301 : i32 to vector<16x1xi32>
        %gather3A_303 = vector.shape_cast %broadcast_in_dim3A_302 : vector<16x1xi32> to vector<16xi32>
        %gather3A_304 = tpu.dynamic_gather %get3A_179[%gather3A_303] in [0] : vector<16xf32>, vector<16xi32> -> vector<16xf32>
        %broadcast_in_dim3A_305 = arith.constant 3 : i32
        %broadcast_in_dim3A_306 = vector.broadcast %broadcast_in_dim3A_305 : i32 to vector<16x1xi32>
        %gather3A_307 = vector.shape_cast %broadcast_in_dim3A_306 : vector<16x1xi32> to vector<16xi32>
        %gather3A_308 = tpu.dynamic_gather %get3A_182[%gather3A_307] in [0] : vector<16xf32>, vector<16xi32> -> vector<16xf32>
        %broadcast_in_dim3A_309 = arith.constant 3 : i32
        %broadcast_in_dim3A_310 = vector.broadcast %broadcast_in_dim3A_309 : i32 to vector<16x1xi32>
        %gather3A_311 = vector.shape_cast %broadcast_in_dim3A_310 : vector<16x1xi32> to vector<16xi32>
        %gather3A_312 = tpu.dynamic_gather %get3A_185[%gather3A_311] in [0] : vector<16xf32>, vector<16xi32> -> vector<16xf32>
        %sub3A_313 = arith.subf %get3A_79, %gather3A_304 : vector<16xf32>
        %sub3A_314 = arith.subf %get3A_84, %gather3A_308 : vector<16xf32>
        %sub3A_315 = arith.subf %get3A_89, %gather3A_312 : vector<16xf32>
        %mul3A_316 = arith.mulf %sub3A_313, %sub3A_313 : vector<16xf32>
        %mul3A_317 = arith.mulf %sub3A_314, %sub3A_314 : vector<16xf32>
        %add3A_318 = arith.addf %mul3A_316, %mul3A_317 : vector<16xf32>
        %mul3A_319 = arith.mulf %sub3A_315, %sub3A_315 : vector<16xf32>
        %add3A_320 = arith.addf %add3A_318, %mul3A_319 : vector<16xf32>
        %min3A_321 = arith.minimumf %min3A_282, %add3A_320 : vector<16xf32>
        %sub3A_322 = arith.subf %get3A_94, %gather3A_304 : vector<16xf32>
        %sub3A_323 = arith.subf %get3A_99, %gather3A_308 : vector<16xf32>
        %sub3A_324 = arith.subf %get3A_104, %gather3A_312 : vector<16xf32>
        %mul3A_325 = arith.mulf %sub3A_322, %sub3A_322 : vector<16xf32>
        %mul3A_326 = arith.mulf %sub3A_323, %sub3A_323 : vector<16xf32>
        %add3A_327 = arith.addf %mul3A_325, %mul3A_326 : vector<16xf32>
        %mul3A_328 = arith.mulf %sub3A_324, %sub3A_324 : vector<16xf32>
        %add3A_329 = arith.addf %add3A_327, %mul3A_328 : vector<16xf32>
        %min3A_330 = arith.minimumf %min3A_291, %add3A_329 : vector<16xf32>
        %sub3A_331 = arith.subf %get3A_109, %gather3A_304 : vector<16xf32>
        %sub3A_332 = arith.subf %get3A_114, %gather3A_308 : vector<16xf32>
        %sub3A_333 = arith.subf %get3A_119, %gather3A_312 : vector<16xf32>
        %mul3A_334 = arith.mulf %sub3A_331, %sub3A_331 : vector<16xf32>
        %mul3A_335 = arith.mulf %sub3A_332, %sub3A_332 : vector<16xf32>
        %add3A_336 = arith.addf %mul3A_334, %mul3A_335 : vector<16xf32>
        %mul3A_337 = arith.mulf %sub3A_333, %sub3A_333 : vector<16xf32>
        %add3A_338 = arith.addf %add3A_336, %mul3A_337 : vector<16xf32>
        %min3A_339 = arith.minimumf %min3A_300, %add3A_338 : vector<16xf32>
        %broadcast_in_dim3A_340 = arith.constant 4 : i32
        %broadcast_in_dim3A_341 = vector.broadcast %broadcast_in_dim3A_340 : i32 to vector<16x1xi32>
        %gather3A_342 = vector.shape_cast %broadcast_in_dim3A_341 : vector<16x1xi32> to vector<16xi32>
        %gather3A_343 = tpu.dynamic_gather %get3A_179[%gather3A_342] in [0] : vector<16xf32>, vector<16xi32> -> vector<16xf32>
        %broadcast_in_dim3A_344 = arith.constant 4 : i32
        %broadcast_in_dim3A_345 = vector.broadcast %broadcast_in_dim3A_344 : i32 to vector<16x1xi32>
        %gather3A_346 = vector.shape_cast %broadcast_in_dim3A_345 : vector<16x1xi32> to vector<16xi32>
        %gather3A_347 = tpu.dynamic_gather %get3A_182[%gather3A_346] in [0] : vector<16xf32>, vector<16xi32> -> vector<16xf32>
        %broadcast_in_dim3A_348 = arith.constant 4 : i32
        %broadcast_in_dim3A_349 = vector.broadcast %broadcast_in_dim3A_348 : i32 to vector<16x1xi32>
        %gather3A_350 = vector.shape_cast %broadcast_in_dim3A_349 : vector<16x1xi32> to vector<16xi32>
        %gather3A_351 = tpu.dynamic_gather %get3A_185[%gather3A_350] in [0] : vector<16xf32>, vector<16xi32> -> vector<16xf32>
        %sub3A_352 = arith.subf %get3A_79, %gather3A_343 : vector<16xf32>
        %sub3A_353 = arith.subf %get3A_84, %gather3A_347 : vector<16xf32>
        %sub3A_354 = arith.subf %get3A_89, %gather3A_351 : vector<16xf32>
        %mul3A_355 = arith.mulf %sub3A_352, %sub3A_352 : vector<16xf32>
        %mul3A_356 = arith.mulf %sub3A_353, %sub3A_353 : vector<16xf32>
        %add3A_357 = arith.addf %mul3A_355, %mul3A_356 : vector<16xf32>
        %mul3A_358 = arith.mulf %sub3A_354, %sub3A_354 : vector<16xf32>
        %add3A_359 = arith.addf %add3A_357, %mul3A_358 : vector<16xf32>
        %min3A_360 = arith.minimumf %min3A_321, %add3A_359 : vector<16xf32>
        %sub3A_361 = arith.subf %get3A_94, %gather3A_343 : vector<16xf32>
        %sub3A_362 = arith.subf %get3A_99, %gather3A_347 : vector<16xf32>
        %sub3A_363 = arith.subf %get3A_104, %gather3A_351 : vector<16xf32>
        %mul3A_364 = arith.mulf %sub3A_361, %sub3A_361 : vector<16xf32>
        %mul3A_365 = arith.mulf %sub3A_362, %sub3A_362 : vector<16xf32>
        %add3A_366 = arith.addf %mul3A_364, %mul3A_365 : vector<16xf32>
        %mul3A_367 = arith.mulf %sub3A_363, %sub3A_363 : vector<16xf32>
        %add3A_368 = arith.addf %add3A_366, %mul3A_367 : vector<16xf32>
        %min3A_369 = arith.minimumf %min3A_330, %add3A_368 : vector<16xf32>
        %sub3A_370 = arith.subf %get3A_109, %gather3A_343 : vector<16xf32>
        %sub3A_371 = arith.subf %get3A_114, %gather3A_347 : vector<16xf32>
        %sub3A_372 = arith.subf %get3A_119, %gather3A_351 : vector<16xf32>
        %mul3A_373 = arith.mulf %sub3A_370, %sub3A_370 : vector<16xf32>
        %mul3A_374 = arith.mulf %sub3A_371, %sub3A_371 : vector<16xf32>
        %add3A_375 = arith.addf %mul3A_373, %mul3A_374 : vector<16xf32>
        %mul3A_376 = arith.mulf %sub3A_372, %sub3A_372 : vector<16xf32>
        %add3A_377 = arith.addf %add3A_375, %mul3A_376 : vector<16xf32>
        %min3A_378 = arith.minimumf %min3A_339, %add3A_377 : vector<16xf32>
        %broadcast_in_dim3A_379 = arith.constant 5 : i32
        %broadcast_in_dim3A_380 = vector.broadcast %broadcast_in_dim3A_379 : i32 to vector<16x1xi32>
        %gather3A_381 = vector.shape_cast %broadcast_in_dim3A_380 : vector<16x1xi32> to vector<16xi32>
        %gather3A_382 = tpu.dynamic_gather %get3A_179[%gather3A_381] in [0] : vector<16xf32>, vector<16xi32> -> vector<16xf32>
        %broadcast_in_dim3A_383 = arith.constant 5 : i32
        %broadcast_in_dim3A_384 = vector.broadcast %broadcast_in_dim3A_383 : i32 to vector<16x1xi32>
        %gather3A_385 = vector.shape_cast %broadcast_in_dim3A_384 : vector<16x1xi32> to vector<16xi32>
        %gather3A_386 = tpu.dynamic_gather %get3A_182[%gather3A_385] in [0] : vector<16xf32>, vector<16xi32> -> vector<16xf32>
        %broadcast_in_dim3A_387 = arith.constant 5 : i32
        %broadcast_in_dim3A_388 = vector.broadcast %broadcast_in_dim3A_387 : i32 to vector<16x1xi32>
        %gather3A_389 = vector.shape_cast %broadcast_in_dim3A_388 : vector<16x1xi32> to vector<16xi32>
        %gather3A_390 = tpu.dynamic_gather %get3A_185[%gather3A_389] in [0] : vector<16xf32>, vector<16xi32> -> vector<16xf32>
        %sub3A_391 = arith.subf %get3A_79, %gather3A_382 : vector<16xf32>
        %sub3A_392 = arith.subf %get3A_84, %gather3A_386 : vector<16xf32>
        %sub3A_393 = arith.subf %get3A_89, %gather3A_390 : vector<16xf32>
        %mul3A_394 = arith.mulf %sub3A_391, %sub3A_391 : vector<16xf32>
        %mul3A_395 = arith.mulf %sub3A_392, %sub3A_392 : vector<16xf32>
        %add3A_396 = arith.addf %mul3A_394, %mul3A_395 : vector<16xf32>
        %mul3A_397 = arith.mulf %sub3A_393, %sub3A_393 : vector<16xf32>
        %add3A_398 = arith.addf %add3A_396, %mul3A_397 : vector<16xf32>
        %min3A_399 = arith.minimumf %min3A_360, %add3A_398 : vector<16xf32>
        %sub3A_400 = arith.subf %get3A_94, %gather3A_382 : vector<16xf32>
        %sub3A_401 = arith.subf %get3A_99, %gather3A_386 : vector<16xf32>
        %sub3A_402 = arith.subf %get3A_104, %gather3A_390 : vector<16xf32>
        %mul3A_403 = arith.mulf %sub3A_400, %sub3A_400 : vector<16xf32>
        %mul3A_404 = arith.mulf %sub3A_401, %sub3A_401 : vector<16xf32>
        %add3A_405 = arith.addf %mul3A_403, %mul3A_404 : vector<16xf32>
        %mul3A_406 = arith.mulf %sub3A_402, %sub3A_402 : vector<16xf32>
        %add3A_407 = arith.addf %add3A_405, %mul3A_406 : vector<16xf32>
        %min3A_408 = arith.minimumf %min3A_369, %add3A_407 : vector<16xf32>
        %sub3A_409 = arith.subf %get3A_109, %gather3A_382 : vector<16xf32>
        %sub3A_410 = arith.subf %get3A_114, %gather3A_386 : vector<16xf32>
        %sub3A_411 = arith.subf %get3A_119, %gather3A_390 : vector<16xf32>
        %mul3A_412 = arith.mulf %sub3A_409, %sub3A_409 : vector<16xf32>
        %mul3A_413 = arith.mulf %sub3A_410, %sub3A_410 : vector<16xf32>
        %add3A_414 = arith.addf %mul3A_412, %mul3A_413 : vector<16xf32>
        %mul3A_415 = arith.mulf %sub3A_411, %sub3A_411 : vector<16xf32>
        %add3A_416 = arith.addf %add3A_414, %mul3A_415 : vector<16xf32>
        %min3A_417 = arith.minimumf %min3A_378, %add3A_416 : vector<16xf32>
        %broadcast_in_dim3A_418 = arith.constant 6 : i32
        %broadcast_in_dim3A_419 = vector.broadcast %broadcast_in_dim3A_418 : i32 to vector<16x1xi32>
        %gather3A_420 = vector.shape_cast %broadcast_in_dim3A_419 : vector<16x1xi32> to vector<16xi32>
        %gather3A_421 = tpu.dynamic_gather %get3A_179[%gather3A_420] in [0] : vector<16xf32>, vector<16xi32> -> vector<16xf32>
        %broadcast_in_dim3A_422 = arith.constant 6 : i32
        %broadcast_in_dim3A_423 = vector.broadcast %broadcast_in_dim3A_422 : i32 to vector<16x1xi32>
        %gather3A_424 = vector.shape_cast %broadcast_in_dim3A_423 : vector<16x1xi32> to vector<16xi32>
        %gather3A_425 = tpu.dynamic_gather %get3A_182[%gather3A_424] in [0] : vector<16xf32>, vector<16xi32> -> vector<16xf32>
        %broadcast_in_dim3A_426 = arith.constant 6 : i32
        %broadcast_in_dim3A_427 = vector.broadcast %broadcast_in_dim3A_426 : i32 to vector<16x1xi32>
        %gather3A_428 = vector.shape_cast %broadcast_in_dim3A_427 : vector<16x1xi32> to vector<16xi32>
        %gather3A_429 = tpu.dynamic_gather %get3A_185[%gather3A_428] in [0] : vector<16xf32>, vector<16xi32> -> vector<16xf32>
        %sub3A_430 = arith.subf %get3A_79, %gather3A_421 : vector<16xf32>
        %sub3A_431 = arith.subf %get3A_84, %gather3A_425 : vector<16xf32>
        %sub3A_432 = arith.subf %get3A_89, %gather3A_429 : vector<16xf32>
        %mul3A_433 = arith.mulf %sub3A_430, %sub3A_430 : vector<16xf32>
        %mul3A_434 = arith.mulf %sub3A_431, %sub3A_431 : vector<16xf32>
        %add3A_435 = arith.addf %mul3A_433, %mul3A_434 : vector<16xf32>
        %mul3A_436 = arith.mulf %sub3A_432, %sub3A_432 : vector<16xf32>
        %add3A_437 = arith.addf %add3A_435, %mul3A_436 : vector<16xf32>
        %min3A_438 = arith.minimumf %min3A_399, %add3A_437 : vector<16xf32>
        %sub3A_439 = arith.subf %get3A_94, %gather3A_421 : vector<16xf32>
        %sub3A_440 = arith.subf %get3A_99, %gather3A_425 : vector<16xf32>
        %sub3A_441 = arith.subf %get3A_104, %gather3A_429 : vector<16xf32>
        %mul3A_442 = arith.mulf %sub3A_439, %sub3A_439 : vector<16xf32>
        %mul3A_443 = arith.mulf %sub3A_440, %sub3A_440 : vector<16xf32>
        %add3A_444 = arith.addf %mul3A_442, %mul3A_443 : vector<16xf32>
        %mul3A_445 = arith.mulf %sub3A_441, %sub3A_441 : vector<16xf32>
        %add3A_446 = arith.addf %add3A_444, %mul3A_445 : vector<16xf32>
        %min3A_447 = arith.minimumf %min3A_408, %add3A_446 : vector<16xf32>
        %sub3A_448 = arith.subf %get3A_109, %gather3A_421 : vector<16xf32>
        %sub3A_449 = arith.subf %get3A_114, %gather3A_425 : vector<16xf32>
        %sub3A_450 = arith.subf %get3A_119, %gather3A_429 : vector<16xf32>
        %mul3A_451 = arith.mulf %sub3A_448, %sub3A_448 : vector<16xf32>
        %mul3A_452 = arith.mulf %sub3A_449, %sub3A_449 : vector<16xf32>
        %add3A_453 = arith.addf %mul3A_451, %mul3A_452 : vector<16xf32>
        %mul3A_454 = arith.mulf %sub3A_450, %sub3A_450 : vector<16xf32>
        %add3A_455 = arith.addf %add3A_453, %mul3A_454 : vector<16xf32>
        %min3A_456 = arith.minimumf %min3A_417, %add3A_455 : vector<16xf32>
        %broadcast_in_dim3A_457 = arith.constant 7 : i32
        %broadcast_in_dim3A_458 = vector.broadcast %broadcast_in_dim3A_457 : i32 to vector<16x1xi32>
        %gather3A_459 = vector.shape_cast %broadcast_in_dim3A_458 : vector<16x1xi32> to vector<16xi32>
        %gather3A_460 = tpu.dynamic_gather %get3A_179[%gather3A_459] in [0] : vector<16xf32>, vector<16xi32> -> vector<16xf32>
        %broadcast_in_dim3A_461 = arith.constant 7 : i32
        %broadcast_in_dim3A_462 = vector.broadcast %broadcast_in_dim3A_461 : i32 to vector<16x1xi32>
        %gather3A_463 = vector.shape_cast %broadcast_in_dim3A_462 : vector<16x1xi32> to vector<16xi32>
        %gather3A_464 = tpu.dynamic_gather %get3A_182[%gather3A_463] in [0] : vector<16xf32>, vector<16xi32> -> vector<16xf32>
        %broadcast_in_dim3A_465 = arith.constant 7 : i32
        %broadcast_in_dim3A_466 = vector.broadcast %broadcast_in_dim3A_465 : i32 to vector<16x1xi32>
        %gather3A_467 = vector.shape_cast %broadcast_in_dim3A_466 : vector<16x1xi32> to vector<16xi32>
        %gather3A_468 = tpu.dynamic_gather %get3A_185[%gather3A_467] in [0] : vector<16xf32>, vector<16xi32> -> vector<16xf32>
        %sub3A_469 = arith.subf %get3A_79, %gather3A_460 : vector<16xf32>
        %sub3A_470 = arith.subf %get3A_84, %gather3A_464 : vector<16xf32>
        %sub3A_471 = arith.subf %get3A_89, %gather3A_468 : vector<16xf32>
        %mul3A_472 = arith.mulf %sub3A_469, %sub3A_469 : vector<16xf32>
        %mul3A_473 = arith.mulf %sub3A_470, %sub3A_470 : vector<16xf32>
        %add3A_474 = arith.addf %mul3A_472, %mul3A_473 : vector<16xf32>
        %mul3A_475 = arith.mulf %sub3A_471, %sub3A_471 : vector<16xf32>
        %add3A_476 = arith.addf %add3A_474, %mul3A_475 : vector<16xf32>
        %min3A_477 = arith.minimumf %min3A_438, %add3A_476 : vector<16xf32>
        %sub3A_478 = arith.subf %get3A_94, %gather3A_460 : vector<16xf32>
        %sub3A_479 = arith.subf %get3A_99, %gather3A_464 : vector<16xf32>
        %sub3A_480 = arith.subf %get3A_104, %gather3A_468 : vector<16xf32>
        %mul3A_481 = arith.mulf %sub3A_478, %sub3A_478 : vector<16xf32>
        %mul3A_482 = arith.mulf %sub3A_479, %sub3A_479 : vector<16xf32>
        %add3A_483 = arith.addf %mul3A_481, %mul3A_482 : vector<16xf32>
        %mul3A_484 = arith.mulf %sub3A_480, %sub3A_480 : vector<16xf32>
        %add3A_485 = arith.addf %add3A_483, %mul3A_484 : vector<16xf32>
        %min3A_486 = arith.minimumf %min3A_447, %add3A_485 : vector<16xf32>
        %sub3A_487 = arith.subf %get3A_109, %gather3A_460 : vector<16xf32>
        %sub3A_488 = arith.subf %get3A_114, %gather3A_464 : vector<16xf32>
        %sub3A_489 = arith.subf %get3A_119, %gather3A_468 : vector<16xf32>
        %mul3A_490 = arith.mulf %sub3A_487, %sub3A_487 : vector<16xf32>
        %mul3A_491 = arith.mulf %sub3A_488, %sub3A_488 : vector<16xf32>
        %add3A_492 = arith.addf %mul3A_490, %mul3A_491 : vector<16xf32>
        %mul3A_493 = arith.mulf %sub3A_489, %sub3A_489 : vector<16xf32>
        %add3A_494 = arith.addf %add3A_492, %mul3A_493 : vector<16xf32>
        %min3A_495 = arith.minimumf %min3A_456, %add3A_494 : vector<16xf32>
        %broadcast_in_dim3A_496 = arith.constant 8 : i32
        %broadcast_in_dim3A_497 = vector.broadcast %broadcast_in_dim3A_496 : i32 to vector<16x1xi32>
        %gather3A_498 = vector.shape_cast %broadcast_in_dim3A_497 : vector<16x1xi32> to vector<16xi32>
        %gather3A_499 = tpu.dynamic_gather %get3A_179[%gather3A_498] in [0] : vector<16xf32>, vector<16xi32> -> vector<16xf32>
        %broadcast_in_dim3A_500 = arith.constant 8 : i32
        %broadcast_in_dim3A_501 = vector.broadcast %broadcast_in_dim3A_500 : i32 to vector<16x1xi32>
        %gather3A_502 = vector.shape_cast %broadcast_in_dim3A_501 : vector<16x1xi32> to vector<16xi32>
        %gather3A_503 = tpu.dynamic_gather %get3A_182[%gather3A_502] in [0] : vector<16xf32>, vector<16xi32> -> vector<16xf32>
        %broadcast_in_dim3A_504 = arith.constant 8 : i32
        %broadcast_in_dim3A_505 = vector.broadcast %broadcast_in_dim3A_504 : i32 to vector<16x1xi32>
        %gather3A_506 = vector.shape_cast %broadcast_in_dim3A_505 : vector<16x1xi32> to vector<16xi32>
        %gather3A_507 = tpu.dynamic_gather %get3A_185[%gather3A_506] in [0] : vector<16xf32>, vector<16xi32> -> vector<16xf32>
        %sub3A_508 = arith.subf %get3A_79, %gather3A_499 : vector<16xf32>
        %sub3A_509 = arith.subf %get3A_84, %gather3A_503 : vector<16xf32>
        %sub3A_510 = arith.subf %get3A_89, %gather3A_507 : vector<16xf32>
        %mul3A_511 = arith.mulf %sub3A_508, %sub3A_508 : vector<16xf32>
        %mul3A_512 = arith.mulf %sub3A_509, %sub3A_509 : vector<16xf32>
        %add3A_513 = arith.addf %mul3A_511, %mul3A_512 : vector<16xf32>
        %mul3A_514 = arith.mulf %sub3A_510, %sub3A_510 : vector<16xf32>
        %add3A_515 = arith.addf %add3A_513, %mul3A_514 : vector<16xf32>
        %min3A_516 = arith.minimumf %min3A_477, %add3A_515 : vector<16xf32>
        %sub3A_517 = arith.subf %get3A_94, %gather3A_499 : vector<16xf32>
        %sub3A_518 = arith.subf %get3A_99, %gather3A_503 : vector<16xf32>
        %sub3A_519 = arith.subf %get3A_104, %gather3A_507 : vector<16xf32>
        %mul3A_520 = arith.mulf %sub3A_517, %sub3A_517 : vector<16xf32>
        %mul3A_521 = arith.mulf %sub3A_518, %sub3A_518 : vector<16xf32>
        %add3A_522 = arith.addf %mul3A_520, %mul3A_521 : vector<16xf32>
        %mul3A_523 = arith.mulf %sub3A_519, %sub3A_519 : vector<16xf32>
        %add3A_524 = arith.addf %add3A_522, %mul3A_523 : vector<16xf32>
        %min3A_525 = arith.minimumf %min3A_486, %add3A_524 : vector<16xf32>
        %sub3A_526 = arith.subf %get3A_109, %gather3A_499 : vector<16xf32>
        %sub3A_527 = arith.subf %get3A_114, %gather3A_503 : vector<16xf32>
        %sub3A_528 = arith.subf %get3A_119, %gather3A_507 : vector<16xf32>
        %mul3A_529 = arith.mulf %sub3A_526, %sub3A_526 : vector<16xf32>
        %mul3A_530 = arith.mulf %sub3A_527, %sub3A_527 : vector<16xf32>
        %add3A_531 = arith.addf %mul3A_529, %mul3A_530 : vector<16xf32>
        %mul3A_532 = arith.mulf %sub3A_528, %sub3A_528 : vector<16xf32>
        %add3A_533 = arith.addf %add3A_531, %mul3A_532 : vector<16xf32>
        %min3A_534 = arith.minimumf %min3A_495, %add3A_533 : vector<16xf32>
        %broadcast_in_dim3A_535 = arith.constant 9 : i32
        %broadcast_in_dim3A_536 = vector.broadcast %broadcast_in_dim3A_535 : i32 to vector<16x1xi32>
        %gather3A_537 = vector.shape_cast %broadcast_in_dim3A_536 : vector<16x1xi32> to vector<16xi32>
        %gather3A_538 = tpu.dynamic_gather %get3A_179[%gather3A_537] in [0] : vector<16xf32>, vector<16xi32> -> vector<16xf32>
        %broadcast_in_dim3A_539 = arith.constant 9 : i32
        %broadcast_in_dim3A_540 = vector.broadcast %broadcast_in_dim3A_539 : i32 to vector<16x1xi32>
        %gather3A_541 = vector.shape_cast %broadcast_in_dim3A_540 : vector<16x1xi32> to vector<16xi32>
        %gather3A_542 = tpu.dynamic_gather %get3A_182[%gather3A_541] in [0] : vector<16xf32>, vector<16xi32> -> vector<16xf32>
        %broadcast_in_dim3A_543 = arith.constant 9 : i32
        %broadcast_in_dim3A_544 = vector.broadcast %broadcast_in_dim3A_543 : i32 to vector<16x1xi32>
        %gather3A_545 = vector.shape_cast %broadcast_in_dim3A_544 : vector<16x1xi32> to vector<16xi32>
        %gather3A_546 = tpu.dynamic_gather %get3A_185[%gather3A_545] in [0] : vector<16xf32>, vector<16xi32> -> vector<16xf32>
        %sub3A_547 = arith.subf %get3A_79, %gather3A_538 : vector<16xf32>
        %sub3A_548 = arith.subf %get3A_84, %gather3A_542 : vector<16xf32>
        %sub3A_549 = arith.subf %get3A_89, %gather3A_546 : vector<16xf32>
        %mul3A_550 = arith.mulf %sub3A_547, %sub3A_547 : vector<16xf32>
        %mul3A_551 = arith.mulf %sub3A_548, %sub3A_548 : vector<16xf32>
        %add3A_552 = arith.addf %mul3A_550, %mul3A_551 : vector<16xf32>
        %mul3A_553 = arith.mulf %sub3A_549, %sub3A_549 : vector<16xf32>
        %add3A_554 = arith.addf %add3A_552, %mul3A_553 : vector<16xf32>
        %min3A_555 = arith.minimumf %min3A_516, %add3A_554 : vector<16xf32>
        %sub3A_556 = arith.subf %get3A_94, %gather3A_538 : vector<16xf32>
        %sub3A_557 = arith.subf %get3A_99, %gather3A_542 : vector<16xf32>
        %sub3A_558 = arith.subf %get3A_104, %gather3A_546 : vector<16xf32>
        %mul3A_559 = arith.mulf %sub3A_556, %sub3A_556 : vector<16xf32>
        %mul3A_560 = arith.mulf %sub3A_557, %sub3A_557 : vector<16xf32>
        %add3A_561 = arith.addf %mul3A_559, %mul3A_560 : vector<16xf32>
        %mul3A_562 = arith.mulf %sub3A_558, %sub3A_558 : vector<16xf32>
        %add3A_563 = arith.addf %add3A_561, %mul3A_562 : vector<16xf32>
        %min3A_564 = arith.minimumf %min3A_525, %add3A_563 : vector<16xf32>
        %sub3A_565 = arith.subf %get3A_109, %gather3A_538 : vector<16xf32>
        %sub3A_566 = arith.subf %get3A_114, %gather3A_542 : vector<16xf32>
        %sub3A_567 = arith.subf %get3A_119, %gather3A_546 : vector<16xf32>
        %mul3A_568 = arith.mulf %sub3A_565, %sub3A_565 : vector<16xf32>
        %mul3A_569 = arith.mulf %sub3A_566, %sub3A_566 : vector<16xf32>
        %add3A_570 = arith.addf %mul3A_568, %mul3A_569 : vector<16xf32>
        %mul3A_571 = arith.mulf %sub3A_567, %sub3A_567 : vector<16xf32>
        %add3A_572 = arith.addf %add3A_570, %mul3A_571 : vector<16xf32>
        %min3A_573 = arith.minimumf %min3A_534, %add3A_572 : vector<16xf32>
        %broadcast_in_dim3A_574 = arith.constant 10 : i32
        %broadcast_in_dim3A_575 = vector.broadcast %broadcast_in_dim3A_574 : i32 to vector<16x1xi32>
        %gather3A_576 = vector.shape_cast %broadcast_in_dim3A_575 : vector<16x1xi32> to vector<16xi32>
        %gather3A_577 = tpu.dynamic_gather %get3A_179[%gather3A_576] in [0] : vector<16xf32>, vector<16xi32> -> vector<16xf32>
        %broadcast_in_dim3A_578 = arith.constant 10 : i32
        %broadcast_in_dim3A_579 = vector.broadcast %broadcast_in_dim3A_578 : i32 to vector<16x1xi32>
        %gather3A_580 = vector.shape_cast %broadcast_in_dim3A_579 : vector<16x1xi32> to vector<16xi32>
        %gather3A_581 = tpu.dynamic_gather %get3A_182[%gather3A_580] in [0] : vector<16xf32>, vector<16xi32> -> vector<16xf32>
        %broadcast_in_dim3A_582 = arith.constant 10 : i32
        %broadcast_in_dim3A_583 = vector.broadcast %broadcast_in_dim3A_582 : i32 to vector<16x1xi32>
        %gather3A_584 = vector.shape_cast %broadcast_in_dim3A_583 : vector<16x1xi32> to vector<16xi32>
        %gather3A_585 = tpu.dynamic_gather %get3A_185[%gather3A_584] in [0] : vector<16xf32>, vector<16xi32> -> vector<16xf32>
        %sub3A_586 = arith.subf %get3A_79, %gather3A_577 : vector<16xf32>
        %sub3A_587 = arith.subf %get3A_84, %gather3A_581 : vector<16xf32>
        %sub3A_588 = arith.subf %get3A_89, %gather3A_585 : vector<16xf32>
        %mul3A_589 = arith.mulf %sub3A_586, %sub3A_586 : vector<16xf32>
        %mul3A_590 = arith.mulf %sub3A_587, %sub3A_587 : vector<16xf32>
        %add3A_591 = arith.addf %mul3A_589, %mul3A_590 : vector<16xf32>
        %mul3A_592 = arith.mulf %sub3A_588, %sub3A_588 : vector<16xf32>
        %add3A_593 = arith.addf %add3A_591, %mul3A_592 : vector<16xf32>
        %min3A_594 = arith.minimumf %min3A_555, %add3A_593 : vector<16xf32>
        %sub3A_595 = arith.subf %get3A_94, %gather3A_577 : vector<16xf32>
        %sub3A_596 = arith.subf %get3A_99, %gather3A_581 : vector<16xf32>
        %sub3A_597 = arith.subf %get3A_104, %gather3A_585 : vector<16xf32>
        %mul3A_598 = arith.mulf %sub3A_595, %sub3A_595 : vector<16xf32>
        %mul3A_599 = arith.mulf %sub3A_596, %sub3A_596 : vector<16xf32>
        %add3A_600 = arith.addf %mul3A_598, %mul3A_599 : vector<16xf32>
        %mul3A_601 = arith.mulf %sub3A_597, %sub3A_597 : vector<16xf32>
        %add3A_602 = arith.addf %add3A_600, %mul3A_601 : vector<16xf32>
        %min3A_603 = arith.minimumf %min3A_564, %add3A_602 : vector<16xf32>
        %sub3A_604 = arith.subf %get3A_109, %gather3A_577 : vector<16xf32>
        %sub3A_605 = arith.subf %get3A_114, %gather3A_581 : vector<16xf32>
        %sub3A_606 = arith.subf %get3A_119, %gather3A_585 : vector<16xf32>
        %mul3A_607 = arith.mulf %sub3A_604, %sub3A_604 : vector<16xf32>
        %mul3A_608 = arith.mulf %sub3A_605, %sub3A_605 : vector<16xf32>
        %add3A_609 = arith.addf %mul3A_607, %mul3A_608 : vector<16xf32>
        %mul3A_610 = arith.mulf %sub3A_606, %sub3A_606 : vector<16xf32>
        %add3A_611 = arith.addf %add3A_609, %mul3A_610 : vector<16xf32>
        %min3A_612 = arith.minimumf %min3A_573, %add3A_611 : vector<16xf32>
        %broadcast_in_dim3A_613 = arith.constant 11 : i32
        %broadcast_in_dim3A_614 = vector.broadcast %broadcast_in_dim3A_613 : i32 to vector<16x1xi32>
        %gather3A_615 = vector.shape_cast %broadcast_in_dim3A_614 : vector<16x1xi32> to vector<16xi32>
        %gather3A_616 = tpu.dynamic_gather %get3A_179[%gather3A_615] in [0] : vector<16xf32>, vector<16xi32> -> vector<16xf32>
        %broadcast_in_dim3A_617 = arith.constant 11 : i32
        %broadcast_in_dim3A_618 = vector.broadcast %broadcast_in_dim3A_617 : i32 to vector<16x1xi32>
        %gather3A_619 = vector.shape_cast %broadcast_in_dim3A_618 : vector<16x1xi32> to vector<16xi32>
        %gather3A_620 = tpu.dynamic_gather %get3A_182[%gather3A_619] in [0] : vector<16xf32>, vector<16xi32> -> vector<16xf32>
        %broadcast_in_dim3A_621 = arith.constant 11 : i32
        %broadcast_in_dim3A_622 = vector.broadcast %broadcast_in_dim3A_621 : i32 to vector<16x1xi32>
        %gather3A_623 = vector.shape_cast %broadcast_in_dim3A_622 : vector<16x1xi32> to vector<16xi32>
        %gather3A_624 = tpu.dynamic_gather %get3A_185[%gather3A_623] in [0] : vector<16xf32>, vector<16xi32> -> vector<16xf32>
        %sub3A_625 = arith.subf %get3A_79, %gather3A_616 : vector<16xf32>
        %sub3A_626 = arith.subf %get3A_84, %gather3A_620 : vector<16xf32>
        %sub3A_627 = arith.subf %get3A_89, %gather3A_624 : vector<16xf32>
        %mul3A_628 = arith.mulf %sub3A_625, %sub3A_625 : vector<16xf32>
        %mul3A_629 = arith.mulf %sub3A_626, %sub3A_626 : vector<16xf32>
        %add3A_630 = arith.addf %mul3A_628, %mul3A_629 : vector<16xf32>
        %mul3A_631 = arith.mulf %sub3A_627, %sub3A_627 : vector<16xf32>
        %add3A_632 = arith.addf %add3A_630, %mul3A_631 : vector<16xf32>
        %min3A_633 = arith.minimumf %min3A_594, %add3A_632 : vector<16xf32>
        %sub3A_634 = arith.subf %get3A_94, %gather3A_616 : vector<16xf32>
        %sub3A_635 = arith.subf %get3A_99, %gather3A_620 : vector<16xf32>
        %sub3A_636 = arith.subf %get3A_104, %gather3A_624 : vector<16xf32>
        %mul3A_637 = arith.mulf %sub3A_634, %sub3A_634 : vector<16xf32>
        %mul3A_638 = arith.mulf %sub3A_635, %sub3A_635 : vector<16xf32>
        %add3A_639 = arith.addf %mul3A_637, %mul3A_638 : vector<16xf32>
        %mul3A_640 = arith.mulf %sub3A_636, %sub3A_636 : vector<16xf32>
        %add3A_641 = arith.addf %add3A_639, %mul3A_640 : vector<16xf32>
        %min3A_642 = arith.minimumf %min3A_603, %add3A_641 : vector<16xf32>
        %sub3A_643 = arith.subf %get3A_109, %gather3A_616 : vector<16xf32>
        %sub3A_644 = arith.subf %get3A_114, %gather3A_620 : vector<16xf32>
        %sub3A_645 = arith.subf %get3A_119, %gather3A_624 : vector<16xf32>
        %mul3A_646 = arith.mulf %sub3A_643, %sub3A_643 : vector<16xf32>
        %mul3A_647 = arith.mulf %sub3A_644, %sub3A_644 : vector<16xf32>
        %add3A_648 = arith.addf %mul3A_646, %mul3A_647 : vector<16xf32>
        %mul3A_649 = arith.mulf %sub3A_645, %sub3A_645 : vector<16xf32>
        %add3A_650 = arith.addf %add3A_648, %mul3A_649 : vector<16xf32>
        %min3A_651 = arith.minimumf %min3A_612, %add3A_650 : vector<16xf32>
        %broadcast_in_dim3A_652 = arith.constant 12 : i32
        %broadcast_in_dim3A_653 = vector.broadcast %broadcast_in_dim3A_652 : i32 to vector<16x1xi32>
        %gather3A_654 = vector.shape_cast %broadcast_in_dim3A_653 : vector<16x1xi32> to vector<16xi32>
        %gather3A_655 = tpu.dynamic_gather %get3A_179[%gather3A_654] in [0] : vector<16xf32>, vector<16xi32> -> vector<16xf32>
        %broadcast_in_dim3A_656 = arith.constant 12 : i32
        %broadcast_in_dim3A_657 = vector.broadcast %broadcast_in_dim3A_656 : i32 to vector<16x1xi32>
        %gather3A_658 = vector.shape_cast %broadcast_in_dim3A_657 : vector<16x1xi32> to vector<16xi32>
        %gather3A_659 = tpu.dynamic_gather %get3A_182[%gather3A_658] in [0] : vector<16xf32>, vector<16xi32> -> vector<16xf32>
        %broadcast_in_dim3A_660 = arith.constant 12 : i32
        %broadcast_in_dim3A_661 = vector.broadcast %broadcast_in_dim3A_660 : i32 to vector<16x1xi32>
        %gather3A_662 = vector.shape_cast %broadcast_in_dim3A_661 : vector<16x1xi32> to vector<16xi32>
        %gather3A_663 = tpu.dynamic_gather %get3A_185[%gather3A_662] in [0] : vector<16xf32>, vector<16xi32> -> vector<16xf32>
        %sub3A_664 = arith.subf %get3A_79, %gather3A_655 : vector<16xf32>
        %sub3A_665 = arith.subf %get3A_84, %gather3A_659 : vector<16xf32>
        %sub3A_666 = arith.subf %get3A_89, %gather3A_663 : vector<16xf32>
        %mul3A_667 = arith.mulf %sub3A_664, %sub3A_664 : vector<16xf32>
        %mul3A_668 = arith.mulf %sub3A_665, %sub3A_665 : vector<16xf32>
        %add3A_669 = arith.addf %mul3A_667, %mul3A_668 : vector<16xf32>
        %mul3A_670 = arith.mulf %sub3A_666, %sub3A_666 : vector<16xf32>
        %add3A_671 = arith.addf %add3A_669, %mul3A_670 : vector<16xf32>
        %min3A_672 = arith.minimumf %min3A_633, %add3A_671 : vector<16xf32>
        %sub3A_673 = arith.subf %get3A_94, %gather3A_655 : vector<16xf32>
        %sub3A_674 = arith.subf %get3A_99, %gather3A_659 : vector<16xf32>
        %sub3A_675 = arith.subf %get3A_104, %gather3A_663 : vector<16xf32>
        %mul3A_676 = arith.mulf %sub3A_673, %sub3A_673 : vector<16xf32>
        %mul3A_677 = arith.mulf %sub3A_674, %sub3A_674 : vector<16xf32>
        %add3A_678 = arith.addf %mul3A_676, %mul3A_677 : vector<16xf32>
        %mul3A_679 = arith.mulf %sub3A_675, %sub3A_675 : vector<16xf32>
        %add3A_680 = arith.addf %add3A_678, %mul3A_679 : vector<16xf32>
        %min3A_681 = arith.minimumf %min3A_642, %add3A_680 : vector<16xf32>
        %sub3A_682 = arith.subf %get3A_109, %gather3A_655 : vector<16xf32>
        %sub3A_683 = arith.subf %get3A_114, %gather3A_659 : vector<16xf32>
        %sub3A_684 = arith.subf %get3A_119, %gather3A_663 : vector<16xf32>
        %mul3A_685 = arith.mulf %sub3A_682, %sub3A_682 : vector<16xf32>
        %mul3A_686 = arith.mulf %sub3A_683, %sub3A_683 : vector<16xf32>
        %add3A_687 = arith.addf %mul3A_685, %mul3A_686 : vector<16xf32>
        %mul3A_688 = arith.mulf %sub3A_684, %sub3A_684 : vector<16xf32>
        %add3A_689 = arith.addf %add3A_687, %mul3A_688 : vector<16xf32>
        %min3A_690 = arith.minimumf %min3A_651, %add3A_689 : vector<16xf32>
        %broadcast_in_dim3A_691 = arith.constant 13 : i32
        %broadcast_in_dim3A_692 = vector.broadcast %broadcast_in_dim3A_691 : i32 to vector<16x1xi32>
        %gather3A_693 = vector.shape_cast %broadcast_in_dim3A_692 : vector<16x1xi32> to vector<16xi32>
        %gather3A_694 = tpu.dynamic_gather %get3A_179[%gather3A_693] in [0] : vector<16xf32>, vector<16xi32> -> vector<16xf32>
        %broadcast_in_dim3A_695 = arith.constant 13 : i32
        %broadcast_in_dim3A_696 = vector.broadcast %broadcast_in_dim3A_695 : i32 to vector<16x1xi32>
        %gather3A_697 = vector.shape_cast %broadcast_in_dim3A_696 : vector<16x1xi32> to vector<16xi32>
        %gather3A_698 = tpu.dynamic_gather %get3A_182[%gather3A_697] in [0] : vector<16xf32>, vector<16xi32> -> vector<16xf32>
        %broadcast_in_dim3A_699 = arith.constant 13 : i32
        %broadcast_in_dim3A_700 = vector.broadcast %broadcast_in_dim3A_699 : i32 to vector<16x1xi32>
        %gather3A_701 = vector.shape_cast %broadcast_in_dim3A_700 : vector<16x1xi32> to vector<16xi32>
        %gather3A_702 = tpu.dynamic_gather %get3A_185[%gather3A_701] in [0] : vector<16xf32>, vector<16xi32> -> vector<16xf32>
        %sub3A_703 = arith.subf %get3A_79, %gather3A_694 : vector<16xf32>
        %sub3A_704 = arith.subf %get3A_84, %gather3A_698 : vector<16xf32>
        %sub3A_705 = arith.subf %get3A_89, %gather3A_702 : vector<16xf32>
        %mul3A_706 = arith.mulf %sub3A_703, %sub3A_703 : vector<16xf32>
        %mul3A_707 = arith.mulf %sub3A_704, %sub3A_704 : vector<16xf32>
        %add3A_708 = arith.addf %mul3A_706, %mul3A_707 : vector<16xf32>
        %mul3A_709 = arith.mulf %sub3A_705, %sub3A_705 : vector<16xf32>
        %add3A_710 = arith.addf %add3A_708, %mul3A_709 : vector<16xf32>
        %min3A_711 = arith.minimumf %min3A_672, %add3A_710 : vector<16xf32>
        %sub3A_712 = arith.subf %get3A_94, %gather3A_694 : vector<16xf32>
        %sub3A_713 = arith.subf %get3A_99, %gather3A_698 : vector<16xf32>
        %sub3A_714 = arith.subf %get3A_104, %gather3A_702 : vector<16xf32>
        %mul3A_715 = arith.mulf %sub3A_712, %sub3A_712 : vector<16xf32>
        %mul3A_716 = arith.mulf %sub3A_713, %sub3A_713 : vector<16xf32>
        %add3A_717 = arith.addf %mul3A_715, %mul3A_716 : vector<16xf32>
        %mul3A_718 = arith.mulf %sub3A_714, %sub3A_714 : vector<16xf32>
        %add3A_719 = arith.addf %add3A_717, %mul3A_718 : vector<16xf32>
        %min3A_720 = arith.minimumf %min3A_681, %add3A_719 : vector<16xf32>
        %sub3A_721 = arith.subf %get3A_109, %gather3A_694 : vector<16xf32>
        %sub3A_722 = arith.subf %get3A_114, %gather3A_698 : vector<16xf32>
        %sub3A_723 = arith.subf %get3A_119, %gather3A_702 : vector<16xf32>
        %mul3A_724 = arith.mulf %sub3A_721, %sub3A_721 : vector<16xf32>
        %mul3A_725 = arith.mulf %sub3A_722, %sub3A_722 : vector<16xf32>
        %add3A_726 = arith.addf %mul3A_724, %mul3A_725 : vector<16xf32>
        %mul3A_727 = arith.mulf %sub3A_723, %sub3A_723 : vector<16xf32>
        %add3A_728 = arith.addf %add3A_726, %mul3A_727 : vector<16xf32>
        %min3A_729 = arith.minimumf %min3A_690, %add3A_728 : vector<16xf32>
        %broadcast_in_dim3A_730 = arith.constant 14 : i32
        %broadcast_in_dim3A_731 = vector.broadcast %broadcast_in_dim3A_730 : i32 to vector<16x1xi32>
        %gather3A_732 = vector.shape_cast %broadcast_in_dim3A_731 : vector<16x1xi32> to vector<16xi32>
        %gather3A_733 = tpu.dynamic_gather %get3A_179[%gather3A_732] in [0] : vector<16xf32>, vector<16xi32> -> vector<16xf32>
        %broadcast_in_dim3A_734 = arith.constant 14 : i32
        %broadcast_in_dim3A_735 = vector.broadcast %broadcast_in_dim3A_734 : i32 to vector<16x1xi32>
        %gather3A_736 = vector.shape_cast %broadcast_in_dim3A_735 : vector<16x1xi32> to vector<16xi32>
        %gather3A_737 = tpu.dynamic_gather %get3A_182[%gather3A_736] in [0] : vector<16xf32>, vector<16xi32> -> vector<16xf32>
        %broadcast_in_dim3A_738 = arith.constant 14 : i32
        %broadcast_in_dim3A_739 = vector.broadcast %broadcast_in_dim3A_738 : i32 to vector<16x1xi32>
        %gather3A_740 = vector.shape_cast %broadcast_in_dim3A_739 : vector<16x1xi32> to vector<16xi32>
        %gather3A_741 = tpu.dynamic_gather %get3A_185[%gather3A_740] in [0] : vector<16xf32>, vector<16xi32> -> vector<16xf32>
        %sub3A_742 = arith.subf %get3A_79, %gather3A_733 : vector<16xf32>
        %sub3A_743 = arith.subf %get3A_84, %gather3A_737 : vector<16xf32>
        %sub3A_744 = arith.subf %get3A_89, %gather3A_741 : vector<16xf32>
        %mul3A_745 = arith.mulf %sub3A_742, %sub3A_742 : vector<16xf32>
        %mul3A_746 = arith.mulf %sub3A_743, %sub3A_743 : vector<16xf32>
        %add3A_747 = arith.addf %mul3A_745, %mul3A_746 : vector<16xf32>
        %mul3A_748 = arith.mulf %sub3A_744, %sub3A_744 : vector<16xf32>
        %add3A_749 = arith.addf %add3A_747, %mul3A_748 : vector<16xf32>
        %min3A_750 = arith.minimumf %min3A_711, %add3A_749 : vector<16xf32>
        %sub3A_751 = arith.subf %get3A_94, %gather3A_733 : vector<16xf32>
        %sub3A_752 = arith.subf %get3A_99, %gather3A_737 : vector<16xf32>
        %sub3A_753 = arith.subf %get3A_104, %gather3A_741 : vector<16xf32>
        %mul3A_754 = arith.mulf %sub3A_751, %sub3A_751 : vector<16xf32>
        %mul3A_755 = arith.mulf %sub3A_752, %sub3A_752 : vector<16xf32>
        %add3A_756 = arith.addf %mul3A_754, %mul3A_755 : vector<16xf32>
        %mul3A_757 = arith.mulf %sub3A_753, %sub3A_753 : vector<16xf32>
        %add3A_758 = arith.addf %add3A_756, %mul3A_757 : vector<16xf32>
        %min3A_759 = arith.minimumf %min3A_720, %add3A_758 : vector<16xf32>
        %sub3A_760 = arith.subf %get3A_109, %gather3A_733 : vector<16xf32>
        %sub3A_761 = arith.subf %get3A_114, %gather3A_737 : vector<16xf32>
        %sub3A_762 = arith.subf %get3A_119, %gather3A_741 : vector<16xf32>
        %mul3A_763 = arith.mulf %sub3A_760, %sub3A_760 : vector<16xf32>
        %mul3A_764 = arith.mulf %sub3A_761, %sub3A_761 : vector<16xf32>
        %add3A_765 = arith.addf %mul3A_763, %mul3A_764 : vector<16xf32>
        %mul3A_766 = arith.mulf %sub3A_762, %sub3A_762 : vector<16xf32>
        %add3A_767 = arith.addf %add3A_765, %mul3A_766 : vector<16xf32>
        %min3A_768 = arith.minimumf %min3A_729, %add3A_767 : vector<16xf32>
        %broadcast_in_dim3A_769 = arith.constant 15 : i32
        %broadcast_in_dim3A_770 = vector.broadcast %broadcast_in_dim3A_769 : i32 to vector<16x1xi32>
        %gather3A_771 = vector.shape_cast %broadcast_in_dim3A_770 : vector<16x1xi32> to vector<16xi32>
        %gather3A_772 = tpu.dynamic_gather %get3A_179[%gather3A_771] in [0] : vector<16xf32>, vector<16xi32> -> vector<16xf32>
        %broadcast_in_dim3A_773 = arith.constant 15 : i32
        %broadcast_in_dim3A_774 = vector.broadcast %broadcast_in_dim3A_773 : i32 to vector<16x1xi32>
        %gather3A_775 = vector.shape_cast %broadcast_in_dim3A_774 : vector<16x1xi32> to vector<16xi32>
        %gather3A_776 = tpu.dynamic_gather %get3A_182[%gather3A_775] in [0] : vector<16xf32>, vector<16xi32> -> vector<16xf32>
        %broadcast_in_dim3A_777 = arith.constant 15 : i32
        %broadcast_in_dim3A_778 = vector.broadcast %broadcast_in_dim3A_777 : i32 to vector<16x1xi32>
        %gather3A_779 = vector.shape_cast %broadcast_in_dim3A_778 : vector<16x1xi32> to vector<16xi32>
        %gather3A_780 = tpu.dynamic_gather %get3A_185[%gather3A_779] in [0] : vector<16xf32>, vector<16xi32> -> vector<16xf32>
        %sub3A_781 = arith.subf %get3A_79, %gather3A_772 : vector<16xf32>
        %sub3A_782 = arith.subf %get3A_84, %gather3A_776 : vector<16xf32>
        %sub3A_783 = arith.subf %get3A_89, %gather3A_780 : vector<16xf32>
        %mul3A_784 = arith.mulf %sub3A_781, %sub3A_781 : vector<16xf32>
        %mul3A_785 = arith.mulf %sub3A_782, %sub3A_782 : vector<16xf32>
        %add3A_786 = arith.addf %mul3A_784, %mul3A_785 : vector<16xf32>
        %mul3A_787 = arith.mulf %sub3A_783, %sub3A_783 : vector<16xf32>
        %add3A_788 = arith.addf %add3A_786, %mul3A_787 : vector<16xf32>
        %min3A_789 = arith.minimumf %min3A_750, %add3A_788 : vector<16xf32>
        %sub3A_790 = arith.subf %get3A_94, %gather3A_772 : vector<16xf32>
        %sub3A_791 = arith.subf %get3A_99, %gather3A_776 : vector<16xf32>
        %sub3A_792 = arith.subf %get3A_104, %gather3A_780 : vector<16xf32>
        %mul3A_793 = arith.mulf %sub3A_790, %sub3A_790 : vector<16xf32>
        %mul3A_794 = arith.mulf %sub3A_791, %sub3A_791 : vector<16xf32>
        %add3A_795 = arith.addf %mul3A_793, %mul3A_794 : vector<16xf32>
        %mul3A_796 = arith.mulf %sub3A_792, %sub3A_792 : vector<16xf32>
        %add3A_797 = arith.addf %add3A_795, %mul3A_796 : vector<16xf32>
        %min3A_798 = arith.minimumf %min3A_759, %add3A_797 : vector<16xf32>
        %sub3A_799 = arith.subf %get3A_109, %gather3A_772 : vector<16xf32>
        %sub3A_800 = arith.subf %get3A_114, %gather3A_776 : vector<16xf32>
        %sub3A_801 = arith.subf %get3A_119, %gather3A_780 : vector<16xf32>
        %mul3A_802 = arith.mulf %sub3A_799, %sub3A_799 : vector<16xf32>
        %mul3A_803 = arith.mulf %sub3A_800, %sub3A_800 : vector<16xf32>
        %add3A_804 = arith.addf %mul3A_802, %mul3A_803 : vector<16xf32>
        %mul3A_805 = arith.mulf %sub3A_801, %sub3A_801 : vector<16xf32>
        %add3A_806 = arith.addf %add3A_804, %mul3A_805 : vector<16xf32>
        %min3A_807 = arith.minimumf %min3A_768, %add3A_806 : vector<16xf32>
        scf.yield %min3A_789, %min3A_798, %min3A_807 : vector<16xf32>, vector<16xf32>, vector<16xf32>
      }
      %scan3A_125 = arith.constant 132 : i32
      %add3A_126 = arith.addf %scan3A_72, %scan3A_124#0 : vector<16xf32>
      %sign3A_127 = tpu.bitcast %scan3A_124#0 : vector<16xf32> -> vector<16xi32>
      %sign3A_128 = arith.constant -2147483648 : i32
      %sign3A_129 = vector.broadcast %sign3A_128 : i32 to vector<16xi32>
      %sign3A_130 = arith.andi %sign3A_127, %sign3A_129 : vector<16xi32>
      %sign3A_131 = arith.constant 1065353216 : i32
      %sign3A_132 = vector.broadcast %sign3A_131 : i32 to vector<16xi32>
      %sign3A_133 = arith.ori %sign3A_132, %sign3A_130 : vector<16xi32>
      %sign3A_134 = tpu.bitcast %sign3A_133 : vector<16xi32> -> vector<16xf32>
      %sign3A_135 = math.absf %scan3A_124#0 : vector<16xf32>
      %sign3A_136 = arith.constant 0.000000e+00 : f32
      %sign3A_137 = vector.broadcast %sign3A_136 : f32 to vector<16xf32>
      %sign3A_138 = arith.cmpf ogt, %sign3A_135, %sign3A_137 : vector<16xf32>
      %sign3A_139 = arith.select %sign3A_138, %sign3A_134, %scan3A_124#0 : vector<16xi1>, vector<16xf32>
      %add3A_140 = arith.addf %scan3A_73, %sign3A_139 : vector<16xf32>
      %add3A_141 = arith.addf %add3A_126, %scan3A_124#1 : vector<16xf32>
      %sign3A_142 = tpu.bitcast %scan3A_124#1 : vector<16xf32> -> vector<16xi32>
      %sign3A_143 = arith.constant -2147483648 : i32
      %sign3A_144 = vector.broadcast %sign3A_143 : i32 to vector<16xi32>
      %sign3A_145 = arith.andi %sign3A_142, %sign3A_144 : vector<16xi32>
      %sign3A_146 = arith.constant 1065353216 : i32
      %sign3A_147 = vector.broadcast %sign3A_146 : i32 to vector<16xi32>
      %sign3A_148 = arith.ori %sign3A_147, %sign3A_145 : vector<16xi32>
      %sign3A_149 = tpu.bitcast %sign3A_148 : vector<16xi32> -> vector<16xf32>
      %sign3A_150 = math.absf %scan3A_124#1 : vector<16xf32>
      %sign3A_151 = arith.constant 0.000000e+00 : f32
      %sign3A_152 = vector.broadcast %sign3A_151 : f32 to vector<16xf32>
      %sign3A_153 = arith.cmpf ogt, %sign3A_150, %sign3A_152 : vector<16xf32>
      %sign3A_154 = arith.select %sign3A_153, %sign3A_149, %scan3A_124#1 : vector<16xi1>, vector<16xf32>
      %add3A_155 = arith.addf %add3A_140, %sign3A_154 : vector<16xf32>
      %add3A_156 = arith.addf %add3A_141, %scan3A_124#2 : vector<16xf32>
      %sign3A_157 = tpu.bitcast %scan3A_124#2 : vector<16xf32> -> vector<16xi32>
      %sign3A_158 = arith.constant -2147483648 : i32
      %sign3A_159 = vector.broadcast %sign3A_158 : i32 to vector<16xi32>
      %sign3A_160 = arith.andi %sign3A_157, %sign3A_159 : vector<16xi32>
      %sign3A_161 = arith.constant 1065353216 : i32
      %sign3A_162 = vector.broadcast %sign3A_161 : i32 to vector<16xi32>
      %sign3A_163 = arith.ori %sign3A_162, %sign3A_160 : vector<16xi32>
      %sign3A_164 = tpu.bitcast %sign3A_163 : vector<16xi32> -> vector<16xf32>
      %sign3A_165 = math.absf %scan3A_124#2 : vector<16xf32>
      %sign3A_166 = arith.constant 0.000000e+00 : f32
      %sign3A_167 = vector.broadcast %sign3A_166 : f32 to vector<16xf32>
      %sign3A_168 = arith.cmpf ogt, %sign3A_165, %sign3A_167 : vector<16xf32>
      %sign3A_169 = arith.select %sign3A_168, %sign3A_164, %scan3A_124#2 : vector<16xi1>, vector<16xf32>
      %add3A_170 = arith.addf %add3A_155, %sign3A_169 : vector<16xf32>
      scf.yield %add3A_156, %add3A_170 : vector<16xf32>, vector<16xf32>
    }
    %scan3A_43 = arith.constant 11 : i32
    "tpu.region"() ({
      %run_scoped3A = tpu.sem_alloc : memref<!tpu.dma_semaphore, #tpu.memory_space<semaphore_mem>>
      %dma_start3A = tpu.memref_slice %arg5[%add3A_35] : memref<16896xf32, #tpu.memory_space<hbm>> -> memref<528xf32, #tpu.memory_space<hbm>>
      %dma_start3A_71 = tpu.memref_slice %arg5[%add3A_35] : memref<16896xf32, #tpu.memory_space<hbm>> -> memref<528xf32, #tpu.memory_space<hbm>>
      tpu.enqueue_dma source(%dma_start3A_71 : memref<528xf32, #tpu.memory_space<hbm>>) target(%arg9 : memref<528xf32, #tpu.memory_space<vmem>>) target_semaphore(%run_scoped3A : memref<!tpu.dma_semaphore, #tpu.memory_space<semaphore_mem>>)
      %dma_wait3A = tpu.memref_slice %arg5[%add3A_35] : memref<16896xf32, #tpu.memory_space<hbm>> -> memref<528xf32, #tpu.memory_space<hbm>>
      %dma_wait3A_72 = tpu.memref_slice %arg5[%add3A_35] : memref<16896xf32, #tpu.memory_space<hbm>> -> memref<528xf32, #tpu.memory_space<hbm>>
      tpu.wait_dma2 semaphore(%run_scoped3A : memref<!tpu.dma_semaphore, #tpu.memory_space<semaphore_mem>>) src(%dma_wait3A_72 : memref<528xf32, #tpu.memory_space<hbm>>) dst(%arg9 : memref<528xf32, #tpu.memory_space<vmem>>)
      tpu.yield
    }) : () -> ()
    "tpu.region"() ({
      %run_scoped3A = tpu.sem_alloc : memref<!tpu.dma_semaphore, #tpu.memory_space<semaphore_mem>>
      %dma_start3A = tpu.memref_slice %arg6[%add3A_35] : memref<16896xf32, #tpu.memory_space<hbm>> -> memref<528xf32, #tpu.memory_space<hbm>>
      %dma_start3A_71 = tpu.memref_slice %arg6[%add3A_35] : memref<16896xf32, #tpu.memory_space<hbm>> -> memref<528xf32, #tpu.memory_space<hbm>>
      tpu.enqueue_dma source(%dma_start3A_71 : memref<528xf32, #tpu.memory_space<hbm>>) target(%arg10 : memref<528xf32, #tpu.memory_space<vmem>>) target_semaphore(%run_scoped3A : memref<!tpu.dma_semaphore, #tpu.memory_space<semaphore_mem>>)
      %dma_wait3A = tpu.memref_slice %arg6[%add3A_35] : memref<16896xf32, #tpu.memory_space<hbm>> -> memref<528xf32, #tpu.memory_space<hbm>>
      %dma_wait3A_72 = tpu.memref_slice %arg6[%add3A_35] : memref<16896xf32, #tpu.memory_space<hbm>> -> memref<528xf32, #tpu.memory_space<hbm>>
      tpu.wait_dma2 semaphore(%run_scoped3A : memref<!tpu.dma_semaphore, #tpu.memory_space<semaphore_mem>>) src(%dma_wait3A_72 : memref<528xf32, #tpu.memory_space<hbm>>) dst(%arg10 : memref<528xf32, #tpu.memory_space<vmem>>)
      tpu.yield
    }) : () -> ()
    "tpu.region"() ({
      %run_scoped3A = tpu.sem_alloc : memref<!tpu.dma_semaphore, #tpu.memory_space<semaphore_mem>>
      %dma_start3A = tpu.memref_slice %arg7[%add3A_35] : memref<16896xf32, #tpu.memory_space<hbm>> -> memref<528xf32, #tpu.memory_space<hbm>>
      %dma_start3A_71 = tpu.memref_slice %arg7[%add3A_35] : memref<16896xf32, #tpu.memory_space<hbm>> -> memref<528xf32, #tpu.memory_space<hbm>>
      tpu.enqueue_dma source(%dma_start3A_71 : memref<528xf32, #tpu.memory_space<hbm>>) target(%arg11 : memref<528xf32, #tpu.memory_space<vmem>>) target_semaphore(%run_scoped3A : memref<!tpu.dma_semaphore, #tpu.memory_space<semaphore_mem>>)
      %dma_wait3A = tpu.memref_slice %arg7[%add3A_35] : memref<16896xf32, #tpu.memory_space<hbm>> -> memref<528xf32, #tpu.memory_space<hbm>>
      %dma_wait3A_72 = tpu.memref_slice %arg7[%add3A_35] : memref<16896xf32, #tpu.memory_space<hbm>> -> memref<528xf32, #tpu.memory_space<hbm>>
      tpu.wait_dma2 semaphore(%run_scoped3A : memref<!tpu.dma_semaphore, #tpu.memory_space<semaphore_mem>>) src(%dma_wait3A_72 : memref<528xf32, #tpu.memory_space<hbm>>) dst(%arg11 : memref<528xf32, #tpu.memory_space<vmem>>)
      tpu.yield
    }) : () -> ()
    "tpu.region"() ({
      %run_scoped3A = tpu.sem_alloc : memref<!tpu.dma_semaphore, #tpu.memory_space<semaphore_mem>>
      %dma_start3A = tpu.memref_slice %arg2[%mul3A_32] : memref<16896xf32, #tpu.memory_space<hbm>> -> memref<2112xf32, #tpu.memory_space<hbm>>
      %dma_start3A_71 = tpu.memref_slice %arg2[%mul3A_32] : memref<16896xf32, #tpu.memory_space<hbm>> -> memref<2112xf32, #tpu.memory_space<hbm>>
      tpu.enqueue_dma source(%dma_start3A_71 : memref<2112xf32, #tpu.memory_space<hbm>>) target(%arg12 : memref<2112xf32, #tpu.memory_space<vmem>>) target_semaphore(%run_scoped3A : memref<!tpu.dma_semaphore, #tpu.memory_space<semaphore_mem>>)
      %dma_wait3A = tpu.memref_slice %arg2[%mul3A_32] : memref<16896xf32, #tpu.memory_space<hbm>> -> memref<2112xf32, #tpu.memory_space<hbm>>
      %dma_wait3A_72 = tpu.memref_slice %arg2[%mul3A_32] : memref<16896xf32, #tpu.memory_space<hbm>> -> memref<2112xf32, #tpu.memory_space<hbm>>
      tpu.wait_dma2 semaphore(%run_scoped3A : memref<!tpu.dma_semaphore, #tpu.memory_space<semaphore_mem>>) src(%dma_wait3A_72 : memref<2112xf32, #tpu.memory_space<hbm>>) dst(%arg12 : memref<2112xf32, #tpu.memory_space<vmem>>)
      tpu.yield
    }) : () -> ()
    "tpu.region"() ({
      %run_scoped3A = tpu.sem_alloc : memref<!tpu.dma_semaphore, #tpu.memory_space<semaphore_mem>>
      %dma_start3A = tpu.memref_slice %arg3[%mul3A_32] : memref<16896xf32, #tpu.memory_space<hbm>> -> memref<2112xf32, #tpu.memory_space<hbm>>
      %dma_start3A_71 = tpu.memref_slice %arg3[%mul3A_32] : memref<16896xf32, #tpu.memory_space<hbm>> -> memref<2112xf32, #tpu.memory_space<hbm>>
      tpu.enqueue_dma source(%dma_start3A_71 : memref<2112xf32, #tpu.memory_space<hbm>>) target(%arg13 : memref<2112xf32, #tpu.memory_space<vmem>>) target_semaphore(%run_scoped3A : memref<!tpu.dma_semaphore, #tpu.memory_space<semaphore_mem>>)
      %dma_wait3A = tpu.memref_slice %arg3[%mul3A_32] : memref<16896xf32, #tpu.memory_space<hbm>> -> memref<2112xf32, #tpu.memory_space<hbm>>
      %dma_wait3A_72 = tpu.memref_slice %arg3[%mul3A_32] : memref<16896xf32, #tpu.memory_space<hbm>> -> memref<2112xf32, #tpu.memory_space<hbm>>
      tpu.wait_dma2 semaphore(%run_scoped3A : memref<!tpu.dma_semaphore, #tpu.memory_space<semaphore_mem>>) src(%dma_wait3A_72 : memref<2112xf32, #tpu.memory_space<hbm>>) dst(%arg13 : memref<2112xf32, #tpu.memory_space<vmem>>)
      tpu.yield
    }) : () -> ()
    "tpu.region"() ({
      %run_scoped3A = tpu.sem_alloc : memref<!tpu.dma_semaphore, #tpu.memory_space<semaphore_mem>>
      %dma_start3A = tpu.memref_slice %arg4[%mul3A_32] : memref<16896xf32, #tpu.memory_space<hbm>> -> memref<2112xf32, #tpu.memory_space<hbm>>
      %dma_start3A_71 = tpu.memref_slice %arg4[%mul3A_32] : memref<16896xf32, #tpu.memory_space<hbm>> -> memref<2112xf32, #tpu.memory_space<hbm>>
      tpu.enqueue_dma source(%dma_start3A_71 : memref<2112xf32, #tpu.memory_space<hbm>>) target(%arg14 : memref<2112xf32, #tpu.memory_space<vmem>>) target_semaphore(%run_scoped3A : memref<!tpu.dma_semaphore, #tpu.memory_space<semaphore_mem>>)
      %dma_wait3A = tpu.memref_slice %arg4[%mul3A_32] : memref<16896xf32, #tpu.memory_space<hbm>> -> memref<2112xf32, #tpu.memory_space<hbm>>
      %dma_wait3A_72 = tpu.memref_slice %arg4[%mul3A_32] : memref<16896xf32, #tpu.memory_space<hbm>> -> memref<2112xf32, #tpu.memory_space<hbm>>
      tpu.wait_dma2 semaphore(%run_scoped3A : memref<!tpu.dma_semaphore, #tpu.memory_space<semaphore_mem>>) src(%dma_wait3A_72 : memref<2112xf32, #tpu.memory_space<hbm>>) dst(%arg14 : memref<2112xf32, #tpu.memory_space<vmem>>)
      tpu.yield
    }) : () -> ()
    %broadcast_in_dim3A_44 = arith.constant 1.000000e+30 : f32
    %broadcast_in_dim3A_45 = vector.broadcast %broadcast_in_dim3A_44 : f32 to vector<16xf32>
    %broadcast_in_dim3A_46 = arith.constant 0.000000e+00 : f32
    %broadcast_in_dim3A_47 = vector.broadcast %broadcast_in_dim3A_46 : f32 to vector<16xf32>
    %scan3A_48 = arith.constant 0 : i32
    %scan3A_49 = arith.constant 11 : i32
    %scan3A_50 = arith.addi %scan3A_48, %scan3A_49 : i32
    %scan3A_51 = arith.constant 1 : i32
    %scan3A_52:2 = scf.for %scan3A_71 = %scan3A_48 to %scan3A_50 step %scan3A_51 iter_args(%scan3A_72 = %broadcast_in_dim3A_47, %scan3A_73 = %broadcast_in_dim3A_47) -> (vector<16xf32>, vector<16xf32>)  : i32 {
      %mul3A_74 = arith.constant 48 : i32
      %mul3A_75 = arith.muli %scan3A_71, %mul3A_74 : i32
      %add3A_76 = arith.constant 0 : i32
      %add3A_77 = arith.addi %mul3A_75, %add3A_76 : i32
      %get3A = arith.index_cast %add3A_77 : i32 to index
      %get3A_78 = tpu.vector_load %arg9[%get3A] {strides = array<i32>} : memref<528xf32, #tpu.memory_space<vmem>>, vector<16xf32>,
      %get3A_79 = vector.shape_cast %get3A_78 : vector<16xf32> to vector<16xf32>
      %add3A_80 = arith.constant 0 : i32
      %add3A_81 = arith.addi %mul3A_75, %add3A_80 : i32
      %get3A_82 = arith.index_cast %add3A_81 : i32 to index
      %get3A_83 = tpu.vector_load %arg10[%get3A_82] {strides = array<i32>} : memref<528xf32, #tpu.memory_space<vmem>>, vector<16xf32>,
      %get3A_84 = vector.shape_cast %get3A_83 : vector<16xf32> to vector<16xf32>
      %add3A_85 = arith.constant 0 : i32
      %add3A_86 = arith.addi %mul3A_75, %add3A_85 : i32
      %get3A_87 = arith.index_cast %add3A_86 : i32 to index
      %get3A_88 = tpu.vector_load %arg11[%get3A_87] {strides = array<i32>} : memref<528xf32, #tpu.memory_space<vmem>>, vector<16xf32>,
      %get3A_89 = vector.shape_cast %get3A_88 : vector<16xf32> to vector<16xf32>
      %add3A_90 = arith.constant 16 : i32
      %add3A_91 = arith.addi %mul3A_75, %add3A_90 : i32
      %get3A_92 = arith.index_cast %add3A_91 : i32 to index
      %get3A_93 = tpu.vector_load %arg9[%get3A_92] {strides = array<i32>} : memref<528xf32, #tpu.memory_space<vmem>>, vector<16xf32>,
      %get3A_94 = vector.shape_cast %get3A_93 : vector<16xf32> to vector<16xf32>
      %add3A_95 = arith.constant 16 : i32
      %add3A_96 = arith.addi %mul3A_75, %add3A_95 : i32
      %get3A_97 = arith.index_cast %add3A_96 : i32 to index
      %get3A_98 = tpu.vector_load %arg10[%get3A_97] {strides = array<i32>} : memref<528xf32, #tpu.memory_space<vmem>>, vector<16xf32>,
      %get3A_99 = vector.shape_cast %get3A_98 : vector<16xf32> to vector<16xf32>
      %add3A_100 = arith.constant 16 : i32
      %add3A_101 = arith.addi %mul3A_75, %add3A_100 : i32
      %get3A_102 = arith.index_cast %add3A_101 : i32 to index
      %get3A_103 = tpu.vector_load %arg11[%get3A_102] {strides = array<i32>} : memref<528xf32, #tpu.memory_space<vmem>>, vector<16xf32>,
      %get3A_104 = vector.shape_cast %get3A_103 : vector<16xf32> to vector<16xf32>
      %add3A_105 = arith.constant 32 : i32
      %add3A_106 = arith.addi %mul3A_75, %add3A_105 : i32
      %get3A_107 = arith.index_cast %add3A_106 : i32 to index
      %get3A_108 = tpu.vector_load %arg9[%get3A_107] {strides = array<i32>} : memref<528xf32, #tpu.memory_space<vmem>>, vector<16xf32>,
      %get3A_109 = vector.shape_cast %get3A_108 : vector<16xf32> to vector<16xf32>
      %add3A_110 = arith.constant 32 : i32
      %add3A_111 = arith.addi %mul3A_75, %add3A_110 : i32
      %get3A_112 = arith.index_cast %add3A_111 : i32 to index
      %get3A_113 = tpu.vector_load %arg10[%get3A_112] {strides = array<i32>} : memref<528xf32, #tpu.memory_space<vmem>>, vector<16xf32>,
      %get3A_114 = vector.shape_cast %get3A_113 : vector<16xf32> to vector<16xf32>
      %add3A_115 = arith.constant 32 : i32
      %add3A_116 = arith.addi %mul3A_75, %add3A_115 : i32
      %get3A_117 = arith.index_cast %add3A_116 : i32 to index
      %get3A_118 = tpu.vector_load %arg11[%get3A_117] {strides = array<i32>} : memref<528xf32, #tpu.memory_space<vmem>>, vector<16xf32>,
      %get3A_119 = vector.shape_cast %get3A_118 : vector<16xf32> to vector<16xf32>
      %scan3A_120 = arith.constant 0 : i32
      %scan3A_121 = arith.constant 132 : i32
      %scan3A_122 = arith.addi %scan3A_120, %scan3A_121 : i32
      %scan3A_123 = arith.constant 1 : i32
      %scan3A_124:3 = scf.for %scan3A_171 = %scan3A_120 to %scan3A_122 step %scan3A_123 iter_args(%scan3A_172 = %broadcast_in_dim3A_45, %scan3A_173 = %broadcast_in_dim3A_45, %scan3A_174 = %broadcast_in_dim3A_45) -> (vector<16xf32>, vector<16xf32>, vector<16xf32>)  : i32 {
        %mul3A_175 = arith.constant 16 : i32
        %mul3A_176 = arith.muli %scan3A_171, %mul3A_175 : i32
        %get3A_177 = arith.index_cast %mul3A_176 : i32 to index
        %get3A_178 = tpu.vector_load %arg12[%get3A_177] {strides = array<i32>} : memref<2112xf32, #tpu.memory_space<vmem>>, vector<16xf32>,
        %get3A_179 = vector.shape_cast %get3A_178 : vector<16xf32> to vector<16xf32>
        %get3A_180 = arith.index_cast %mul3A_176 : i32 to index
        %get3A_181 = tpu.vector_load %arg13[%get3A_180] {strides = array<i32>} : memref<2112xf32, #tpu.memory_space<vmem>>, vector<16xf32>,
        %get3A_182 = vector.shape_cast %get3A_181 : vector<16xf32> to vector<16xf32>
        %get3A_183 = arith.index_cast %mul3A_176 : i32 to index
        %get3A_184 = tpu.vector_load %arg14[%get3A_183] {strides = array<i32>} : memref<2112xf32, #tpu.memory_space<vmem>>, vector<16xf32>,
        %get3A_185 = vector.shape_cast %get3A_184 : vector<16xf32> to vector<16xf32>
        %broadcast_in_dim3A_186 = arith.constant 0 : i32
        %broadcast_in_dim3A_187 = vector.broadcast %broadcast_in_dim3A_186 : i32 to vector<16x1xi32>
        %gather3A = vector.shape_cast %broadcast_in_dim3A_187 : vector<16x1xi32> to vector<16xi32>
        %gather3A_188 = tpu.dynamic_gather %get3A_179[%gather3A] in [0] : vector<16xf32>, vector<16xi32> -> vector<16xf32>
        %broadcast_in_dim3A_189 = arith.constant 0 : i32
        %broadcast_in_dim3A_190 = vector.broadcast %broadcast_in_dim3A_189 : i32 to vector<16x1xi32>
        %gather3A_191 = vector.shape_cast %broadcast_in_dim3A_190 : vector<16x1xi32> to vector<16xi32>
        %gather3A_192 = tpu.dynamic_gather %get3A_182[%gather3A_191] in [0] : vector<16xf32>, vector<16xi32> -> vector<16xf32>
        %broadcast_in_dim3A_193 = arith.constant 0 : i32
        %broadcast_in_dim3A_194 = vector.broadcast %broadcast_in_dim3A_193 : i32 to vector<16x1xi32>
        %gather3A_195 = vector.shape_cast %broadcast_in_dim3A_194 : vector<16x1xi32> to vector<16xi32>
        %gather3A_196 = tpu.dynamic_gather %get3A_185[%gather3A_195] in [0] : vector<16xf32>, vector<16xi32> -> vector<16xf32>
        %sub3A_197 = arith.subf %get3A_79, %gather3A_188 : vector<16xf32>
        %sub3A_198 = arith.subf %get3A_84, %gather3A_192 : vector<16xf32>
        %sub3A_199 = arith.subf %get3A_89, %gather3A_196 : vector<16xf32>
        %mul3A_200 = arith.mulf %sub3A_197, %sub3A_197 : vector<16xf32>
        %mul3A_201 = arith.mulf %sub3A_198, %sub3A_198 : vector<16xf32>
        %add3A_202 = arith.addf %mul3A_200, %mul3A_201 : vector<16xf32>
        %mul3A_203 = arith.mulf %sub3A_199, %sub3A_199 : vector<16xf32>
        %add3A_204 = arith.addf %add3A_202, %mul3A_203 : vector<16xf32>
        %min3A = arith.minimumf %scan3A_172, %add3A_204 : vector<16xf32>
        %sub3A_205 = arith.subf %get3A_94, %gather3A_188 : vector<16xf32>
        %sub3A_206 = arith.subf %get3A_99, %gather3A_192 : vector<16xf32>
        %sub3A_207 = arith.subf %get3A_104, %gather3A_196 : vector<16xf32>
        %mul3A_208 = arith.mulf %sub3A_205, %sub3A_205 : vector<16xf32>
        %mul3A_209 = arith.mulf %sub3A_206, %sub3A_206 : vector<16xf32>
        %add3A_210 = arith.addf %mul3A_208, %mul3A_209 : vector<16xf32>
        %mul3A_211 = arith.mulf %sub3A_207, %sub3A_207 : vector<16xf32>
        %add3A_212 = arith.addf %add3A_210, %mul3A_211 : vector<16xf32>
        %min3A_213 = arith.minimumf %scan3A_173, %add3A_212 : vector<16xf32>
        %sub3A_214 = arith.subf %get3A_109, %gather3A_188 : vector<16xf32>
        %sub3A_215 = arith.subf %get3A_114, %gather3A_192 : vector<16xf32>
        %sub3A_216 = arith.subf %get3A_119, %gather3A_196 : vector<16xf32>
        %mul3A_217 = arith.mulf %sub3A_214, %sub3A_214 : vector<16xf32>
        %mul3A_218 = arith.mulf %sub3A_215, %sub3A_215 : vector<16xf32>
        %add3A_219 = arith.addf %mul3A_217, %mul3A_218 : vector<16xf32>
        %mul3A_220 = arith.mulf %sub3A_216, %sub3A_216 : vector<16xf32>
        %add3A_221 = arith.addf %add3A_219, %mul3A_220 : vector<16xf32>
        %min3A_222 = arith.minimumf %scan3A_174, %add3A_221 : vector<16xf32>
        %broadcast_in_dim3A_223 = arith.constant 1 : i32
        %broadcast_in_dim3A_224 = vector.broadcast %broadcast_in_dim3A_223 : i32 to vector<16x1xi32>
        %gather3A_225 = vector.shape_cast %broadcast_in_dim3A_224 : vector<16x1xi32> to vector<16xi32>
        %gather3A_226 = tpu.dynamic_gather %get3A_179[%gather3A_225] in [0] : vector<16xf32>, vector<16xi32> -> vector<16xf32>
        %broadcast_in_dim3A_227 = arith.constant 1 : i32
        %broadcast_in_dim3A_228 = vector.broadcast %broadcast_in_dim3A_227 : i32 to vector<16x1xi32>
        %gather3A_229 = vector.shape_cast %broadcast_in_dim3A_228 : vector<16x1xi32> to vector<16xi32>
        %gather3A_230 = tpu.dynamic_gather %get3A_182[%gather3A_229] in [0] : vector<16xf32>, vector<16xi32> -> vector<16xf32>
        %broadcast_in_dim3A_231 = arith.constant 1 : i32
        %broadcast_in_dim3A_232 = vector.broadcast %broadcast_in_dim3A_231 : i32 to vector<16x1xi32>
        %gather3A_233 = vector.shape_cast %broadcast_in_dim3A_232 : vector<16x1xi32> to vector<16xi32>
        %gather3A_234 = tpu.dynamic_gather %get3A_185[%gather3A_233] in [0] : vector<16xf32>, vector<16xi32> -> vector<16xf32>
        %sub3A_235 = arith.subf %get3A_79, %gather3A_226 : vector<16xf32>
        %sub3A_236 = arith.subf %get3A_84, %gather3A_230 : vector<16xf32>
        %sub3A_237 = arith.subf %get3A_89, %gather3A_234 : vector<16xf32>
        %mul3A_238 = arith.mulf %sub3A_235, %sub3A_235 : vector<16xf32>
        %mul3A_239 = arith.mulf %sub3A_236, %sub3A_236 : vector<16xf32>
        %add3A_240 = arith.addf %mul3A_238, %mul3A_239 : vector<16xf32>
        %mul3A_241 = arith.mulf %sub3A_237, %sub3A_237 : vector<16xf32>
        %add3A_242 = arith.addf %add3A_240, %mul3A_241 : vector<16xf32>
        %min3A_243 = arith.minimumf %min3A, %add3A_242 : vector<16xf32>
        %sub3A_244 = arith.subf %get3A_94, %gather3A_226 : vector<16xf32>
        %sub3A_245 = arith.subf %get3A_99, %gather3A_230 : vector<16xf32>
        %sub3A_246 = arith.subf %get3A_104, %gather3A_234 : vector<16xf32>
        %mul3A_247 = arith.mulf %sub3A_244, %sub3A_244 : vector<16xf32>
        %mul3A_248 = arith.mulf %sub3A_245, %sub3A_245 : vector<16xf32>
        %add3A_249 = arith.addf %mul3A_247, %mul3A_248 : vector<16xf32>
        %mul3A_250 = arith.mulf %sub3A_246, %sub3A_246 : vector<16xf32>
        %add3A_251 = arith.addf %add3A_249, %mul3A_250 : vector<16xf32>
        %min3A_252 = arith.minimumf %min3A_213, %add3A_251 : vector<16xf32>
        %sub3A_253 = arith.subf %get3A_109, %gather3A_226 : vector<16xf32>
        %sub3A_254 = arith.subf %get3A_114, %gather3A_230 : vector<16xf32>
        %sub3A_255 = arith.subf %get3A_119, %gather3A_234 : vector<16xf32>
        %mul3A_256 = arith.mulf %sub3A_253, %sub3A_253 : vector<16xf32>
        %mul3A_257 = arith.mulf %sub3A_254, %sub3A_254 : vector<16xf32>
        %add3A_258 = arith.addf %mul3A_256, %mul3A_257 : vector<16xf32>
        %mul3A_259 = arith.mulf %sub3A_255, %sub3A_255 : vector<16xf32>
        %add3A_260 = arith.addf %add3A_258, %mul3A_259 : vector<16xf32>
        %min3A_261 = arith.minimumf %min3A_222, %add3A_260 : vector<16xf32>
        %broadcast_in_dim3A_262 = arith.constant 2 : i32
        %broadcast_in_dim3A_263 = vector.broadcast %broadcast_in_dim3A_262 : i32 to vector<16x1xi32>
        %gather3A_264 = vector.shape_cast %broadcast_in_dim3A_263 : vector<16x1xi32> to vector<16xi32>
        %gather3A_265 = tpu.dynamic_gather %get3A_179[%gather3A_264] in [0] : vector<16xf32>, vector<16xi32> -> vector<16xf32>
        %broadcast_in_dim3A_266 = arith.constant 2 : i32
        %broadcast_in_dim3A_267 = vector.broadcast %broadcast_in_dim3A_266 : i32 to vector<16x1xi32>
        %gather3A_268 = vector.shape_cast %broadcast_in_dim3A_267 : vector<16x1xi32> to vector<16xi32>
        %gather3A_269 = tpu.dynamic_gather %get3A_182[%gather3A_268] in [0] : vector<16xf32>, vector<16xi32> -> vector<16xf32>
        %broadcast_in_dim3A_270 = arith.constant 2 : i32
        %broadcast_in_dim3A_271 = vector.broadcast %broadcast_in_dim3A_270 : i32 to vector<16x1xi32>
        %gather3A_272 = vector.shape_cast %broadcast_in_dim3A_271 : vector<16x1xi32> to vector<16xi32>
        %gather3A_273 = tpu.dynamic_gather %get3A_185[%gather3A_272] in [0] : vector<16xf32>, vector<16xi32> -> vector<16xf32>
        %sub3A_274 = arith.subf %get3A_79, %gather3A_265 : vector<16xf32>
        %sub3A_275 = arith.subf %get3A_84, %gather3A_269 : vector<16xf32>
        %sub3A_276 = arith.subf %get3A_89, %gather3A_273 : vector<16xf32>
        %mul3A_277 = arith.mulf %sub3A_274, %sub3A_274 : vector<16xf32>
        %mul3A_278 = arith.mulf %sub3A_275, %sub3A_275 : vector<16xf32>
        %add3A_279 = arith.addf %mul3A_277, %mul3A_278 : vector<16xf32>
        %mul3A_280 = arith.mulf %sub3A_276, %sub3A_276 : vector<16xf32>
        %add3A_281 = arith.addf %add3A_279, %mul3A_280 : vector<16xf32>
        %min3A_282 = arith.minimumf %min3A_243, %add3A_281 : vector<16xf32>
        %sub3A_283 = arith.subf %get3A_94, %gather3A_265 : vector<16xf32>
        %sub3A_284 = arith.subf %get3A_99, %gather3A_269 : vector<16xf32>
        %sub3A_285 = arith.subf %get3A_104, %gather3A_273 : vector<16xf32>
        %mul3A_286 = arith.mulf %sub3A_283, %sub3A_283 : vector<16xf32>
        %mul3A_287 = arith.mulf %sub3A_284, %sub3A_284 : vector<16xf32>
        %add3A_288 = arith.addf %mul3A_286, %mul3A_287 : vector<16xf32>
        %mul3A_289 = arith.mulf %sub3A_285, %sub3A_285 : vector<16xf32>
        %add3A_290 = arith.addf %add3A_288, %mul3A_289 : vector<16xf32>
        %min3A_291 = arith.minimumf %min3A_252, %add3A_290 : vector<16xf32>
        %sub3A_292 = arith.subf %get3A_109, %gather3A_265 : vector<16xf32>
        %sub3A_293 = arith.subf %get3A_114, %gather3A_269 : vector<16xf32>
        %sub3A_294 = arith.subf %get3A_119, %gather3A_273 : vector<16xf32>
        %mul3A_295 = arith.mulf %sub3A_292, %sub3A_292 : vector<16xf32>
        %mul3A_296 = arith.mulf %sub3A_293, %sub3A_293 : vector<16xf32>
        %add3A_297 = arith.addf %mul3A_295, %mul3A_296 : vector<16xf32>
        %mul3A_298 = arith.mulf %sub3A_294, %sub3A_294 : vector<16xf32>
        %add3A_299 = arith.addf %add3A_297, %mul3A_298 : vector<16xf32>
        %min3A_300 = arith.minimumf %min3A_261, %add3A_299 : vector<16xf32>
        %broadcast_in_dim3A_301 = arith.constant 3 : i32
        %broadcast_in_dim3A_302 = vector.broadcast %broadcast_in_dim3A_301 : i32 to vector<16x1xi32>
        %gather3A_303 = vector.shape_cast %broadcast_in_dim3A_302 : vector<16x1xi32> to vector<16xi32>
        %gather3A_304 = tpu.dynamic_gather %get3A_179[%gather3A_303] in [0] : vector<16xf32>, vector<16xi32> -> vector<16xf32>
        %broadcast_in_dim3A_305 = arith.constant 3 : i32
        %broadcast_in_dim3A_306 = vector.broadcast %broadcast_in_dim3A_305 : i32 to vector<16x1xi32>
        %gather3A_307 = vector.shape_cast %broadcast_in_dim3A_306 : vector<16x1xi32> to vector<16xi32>
        %gather3A_308 = tpu.dynamic_gather %get3A_182[%gather3A_307] in [0] : vector<16xf32>, vector<16xi32> -> vector<16xf32>
        %broadcast_in_dim3A_309 = arith.constant 3 : i32
        %broadcast_in_dim3A_310 = vector.broadcast %broadcast_in_dim3A_309 : i32 to vector<16x1xi32>
        %gather3A_311 = vector.shape_cast %broadcast_in_dim3A_310 : vector<16x1xi32> to vector<16xi32>
        %gather3A_312 = tpu.dynamic_gather %get3A_185[%gather3A_311] in [0] : vector<16xf32>, vector<16xi32> -> vector<16xf32>
        %sub3A_313 = arith.subf %get3A_79, %gather3A_304 : vector<16xf32>
        %sub3A_314 = arith.subf %get3A_84, %gather3A_308 : vector<16xf32>
        %sub3A_315 = arith.subf %get3A_89, %gather3A_312 : vector<16xf32>
        %mul3A_316 = arith.mulf %sub3A_313, %sub3A_313 : vector<16xf32>
        %mul3A_317 = arith.mulf %sub3A_314, %sub3A_314 : vector<16xf32>
        %add3A_318 = arith.addf %mul3A_316, %mul3A_317 : vector<16xf32>
        %mul3A_319 = arith.mulf %sub3A_315, %sub3A_315 : vector<16xf32>
        %add3A_320 = arith.addf %add3A_318, %mul3A_319 : vector<16xf32>
        %min3A_321 = arith.minimumf %min3A_282, %add3A_320 : vector<16xf32>
        %sub3A_322 = arith.subf %get3A_94, %gather3A_304 : vector<16xf32>
        %sub3A_323 = arith.subf %get3A_99, %gather3A_308 : vector<16xf32>
        %sub3A_324 = arith.subf %get3A_104, %gather3A_312 : vector<16xf32>
        %mul3A_325 = arith.mulf %sub3A_322, %sub3A_322 : vector<16xf32>
        %mul3A_326 = arith.mulf %sub3A_323, %sub3A_323 : vector<16xf32>
        %add3A_327 = arith.addf %mul3A_325, %mul3A_326 : vector<16xf32>
        %mul3A_328 = arith.mulf %sub3A_324, %sub3A_324 : vector<16xf32>
        %add3A_329 = arith.addf %add3A_327, %mul3A_328 : vector<16xf32>
        %min3A_330 = arith.minimumf %min3A_291, %add3A_329 : vector<16xf32>
        %sub3A_331 = arith.subf %get3A_109, %gather3A_304 : vector<16xf32>
        %sub3A_332 = arith.subf %get3A_114, %gather3A_308 : vector<16xf32>
        %sub3A_333 = arith.subf %get3A_119, %gather3A_312 : vector<16xf32>
        %mul3A_334 = arith.mulf %sub3A_331, %sub3A_331 : vector<16xf32>
        %mul3A_335 = arith.mulf %sub3A_332, %sub3A_332 : vector<16xf32>
        %add3A_336 = arith.addf %mul3A_334, %mul3A_335 : vector<16xf32>
        %mul3A_337 = arith.mulf %sub3A_333, %sub3A_333 : vector<16xf32>
        %add3A_338 = arith.addf %add3A_336, %mul3A_337 : vector<16xf32>
        %min3A_339 = arith.minimumf %min3A_300, %add3A_338 : vector<16xf32>
        %broadcast_in_dim3A_340 = arith.constant 4 : i32
        %broadcast_in_dim3A_341 = vector.broadcast %broadcast_in_dim3A_340 : i32 to vector<16x1xi32>
        %gather3A_342 = vector.shape_cast %broadcast_in_dim3A_341 : vector<16x1xi32> to vector<16xi32>
        %gather3A_343 = tpu.dynamic_gather %get3A_179[%gather3A_342] in [0] : vector<16xf32>, vector<16xi32> -> vector<16xf32>
        %broadcast_in_dim3A_344 = arith.constant 4 : i32
        %broadcast_in_dim3A_345 = vector.broadcast %broadcast_in_dim3A_344 : i32 to vector<16x1xi32>
        %gather3A_346 = vector.shape_cast %broadcast_in_dim3A_345 : vector<16x1xi32> to vector<16xi32>
        %gather3A_347 = tpu.dynamic_gather %get3A_182[%gather3A_346] in [0] : vector<16xf32>, vector<16xi32> -> vector<16xf32>
        %broadcast_in_dim3A_348 = arith.constant 4 : i32
        %broadcast_in_dim3A_349 = vector.broadcast %broadcast_in_dim3A_348 : i32 to vector<16x1xi32>
        %gather3A_350 = vector.shape_cast %broadcast_in_dim3A_349 : vector<16x1xi32> to vector<16xi32>
        %gather3A_351 = tpu.dynamic_gather %get3A_185[%gather3A_350] in [0] : vector<16xf32>, vector<16xi32> -> vector<16xf32>
        %sub3A_352 = arith.subf %get3A_79, %gather3A_343 : vector<16xf32>
        %sub3A_353 = arith.subf %get3A_84, %gather3A_347 : vector<16xf32>
        %sub3A_354 = arith.subf %get3A_89, %gather3A_351 : vector<16xf32>
        %mul3A_355 = arith.mulf %sub3A_352, %sub3A_352 : vector<16xf32>
        %mul3A_356 = arith.mulf %sub3A_353, %sub3A_353 : vector<16xf32>
        %add3A_357 = arith.addf %mul3A_355, %mul3A_356 : vector<16xf32>
        %mul3A_358 = arith.mulf %sub3A_354, %sub3A_354 : vector<16xf32>
        %add3A_359 = arith.addf %add3A_357, %mul3A_358 : vector<16xf32>
        %min3A_360 = arith.minimumf %min3A_321, %add3A_359 : vector<16xf32>
        %sub3A_361 = arith.subf %get3A_94, %gather3A_343 : vector<16xf32>
        %sub3A_362 = arith.subf %get3A_99, %gather3A_347 : vector<16xf32>
        %sub3A_363 = arith.subf %get3A_104, %gather3A_351 : vector<16xf32>
        %mul3A_364 = arith.mulf %sub3A_361, %sub3A_361 : vector<16xf32>
        %mul3A_365 = arith.mulf %sub3A_362, %sub3A_362 : vector<16xf32>
        %add3A_366 = arith.addf %mul3A_364, %mul3A_365 : vector<16xf32>
        %mul3A_367 = arith.mulf %sub3A_363, %sub3A_363 : vector<16xf32>
        %add3A_368 = arith.addf %add3A_366, %mul3A_367 : vector<16xf32>
        %min3A_369 = arith.minimumf %min3A_330, %add3A_368 : vector<16xf32>
        %sub3A_370 = arith.subf %get3A_109, %gather3A_343 : vector<16xf32>
        %sub3A_371 = arith.subf %get3A_114, %gather3A_347 : vector<16xf32>
        %sub3A_372 = arith.subf %get3A_119, %gather3A_351 : vector<16xf32>
        %mul3A_373 = arith.mulf %sub3A_370, %sub3A_370 : vector<16xf32>
        %mul3A_374 = arith.mulf %sub3A_371, %sub3A_371 : vector<16xf32>
        %add3A_375 = arith.addf %mul3A_373, %mul3A_374 : vector<16xf32>
        %mul3A_376 = arith.mulf %sub3A_372, %sub3A_372 : vector<16xf32>
        %add3A_377 = arith.addf %add3A_375, %mul3A_376 : vector<16xf32>
        %min3A_378 = arith.minimumf %min3A_339, %add3A_377 : vector<16xf32>
        %broadcast_in_dim3A_379 = arith.constant 5 : i32
        %broadcast_in_dim3A_380 = vector.broadcast %broadcast_in_dim3A_379 : i32 to vector<16x1xi32>
        %gather3A_381 = vector.shape_cast %broadcast_in_dim3A_380 : vector<16x1xi32> to vector<16xi32>
        %gather3A_382 = tpu.dynamic_gather %get3A_179[%gather3A_381] in [0] : vector<16xf32>, vector<16xi32> -> vector<16xf32>
        %broadcast_in_dim3A_383 = arith.constant 5 : i32
        %broadcast_in_dim3A_384 = vector.broadcast %broadcast_in_dim3A_383 : i32 to vector<16x1xi32>
        %gather3A_385 = vector.shape_cast %broadcast_in_dim3A_384 : vector<16x1xi32> to vector<16xi32>
        %gather3A_386 = tpu.dynamic_gather %get3A_182[%gather3A_385] in [0] : vector<16xf32>, vector<16xi32> -> vector<16xf32>
        %broadcast_in_dim3A_387 = arith.constant 5 : i32
        %broadcast_in_dim3A_388 = vector.broadcast %broadcast_in_dim3A_387 : i32 to vector<16x1xi32>
        %gather3A_389 = vector.shape_cast %broadcast_in_dim3A_388 : vector<16x1xi32> to vector<16xi32>
        %gather3A_390 = tpu.dynamic_gather %get3A_185[%gather3A_389] in [0] : vector<16xf32>, vector<16xi32> -> vector<16xf32>
        %sub3A_391 = arith.subf %get3A_79, %gather3A_382 : vector<16xf32>
        %sub3A_392 = arith.subf %get3A_84, %gather3A_386 : vector<16xf32>
        %sub3A_393 = arith.subf %get3A_89, %gather3A_390 : vector<16xf32>
        %mul3A_394 = arith.mulf %sub3A_391, %sub3A_391 : vector<16xf32>
        %mul3A_395 = arith.mulf %sub3A_392, %sub3A_392 : vector<16xf32>
        %add3A_396 = arith.addf %mul3A_394, %mul3A_395 : vector<16xf32>
        %mul3A_397 = arith.mulf %sub3A_393, %sub3A_393 : vector<16xf32>
        %add3A_398 = arith.addf %add3A_396, %mul3A_397 : vector<16xf32>
        %min3A_399 = arith.minimumf %min3A_360, %add3A_398 : vector<16xf32>
        %sub3A_400 = arith.subf %get3A_94, %gather3A_382 : vector<16xf32>
        %sub3A_401 = arith.subf %get3A_99, %gather3A_386 : vector<16xf32>
        %sub3A_402 = arith.subf %get3A_104, %gather3A_390 : vector<16xf32>
        %mul3A_403 = arith.mulf %sub3A_400, %sub3A_400 : vector<16xf32>
        %mul3A_404 = arith.mulf %sub3A_401, %sub3A_401 : vector<16xf32>
        %add3A_405 = arith.addf %mul3A_403, %mul3A_404 : vector<16xf32>
        %mul3A_406 = arith.mulf %sub3A_402, %sub3A_402 : vector<16xf32>
        %add3A_407 = arith.addf %add3A_405, %mul3A_406 : vector<16xf32>
        %min3A_408 = arith.minimumf %min3A_369, %add3A_407 : vector<16xf32>
        %sub3A_409 = arith.subf %get3A_109, %gather3A_382 : vector<16xf32>
        %sub3A_410 = arith.subf %get3A_114, %gather3A_386 : vector<16xf32>
        %sub3A_411 = arith.subf %get3A_119, %gather3A_390 : vector<16xf32>
        %mul3A_412 = arith.mulf %sub3A_409, %sub3A_409 : vector<16xf32>
        %mul3A_413 = arith.mulf %sub3A_410, %sub3A_410 : vector<16xf32>
        %add3A_414 = arith.addf %mul3A_412, %mul3A_413 : vector<16xf32>
        %mul3A_415 = arith.mulf %sub3A_411, %sub3A_411 : vector<16xf32>
        %add3A_416 = arith.addf %add3A_414, %mul3A_415 : vector<16xf32>
        %min3A_417 = arith.minimumf %min3A_378, %add3A_416 : vector<16xf32>
        %broadcast_in_dim3A_418 = arith.constant 6 : i32
        %broadcast_in_dim3A_419 = vector.broadcast %broadcast_in_dim3A_418 : i32 to vector<16x1xi32>
        %gather3A_420 = vector.shape_cast %broadcast_in_dim3A_419 : vector<16x1xi32> to vector<16xi32>
        %gather3A_421 = tpu.dynamic_gather %get3A_179[%gather3A_420] in [0] : vector<16xf32>, vector<16xi32> -> vector<16xf32>
        %broadcast_in_dim3A_422 = arith.constant 6 : i32
        %broadcast_in_dim3A_423 = vector.broadcast %broadcast_in_dim3A_422 : i32 to vector<16x1xi32>
        %gather3A_424 = vector.shape_cast %broadcast_in_dim3A_423 : vector<16x1xi32> to vector<16xi32>
        %gather3A_425 = tpu.dynamic_gather %get3A_182[%gather3A_424] in [0] : vector<16xf32>, vector<16xi32> -> vector<16xf32>
        %broadcast_in_dim3A_426 = arith.constant 6 : i32
        %broadcast_in_dim3A_427 = vector.broadcast %broadcast_in_dim3A_426 : i32 to vector<16x1xi32>
        %gather3A_428 = vector.shape_cast %broadcast_in_dim3A_427 : vector<16x1xi32> to vector<16xi32>
        %gather3A_429 = tpu.dynamic_gather %get3A_185[%gather3A_428] in [0] : vector<16xf32>, vector<16xi32> -> vector<16xf32>
        %sub3A_430 = arith.subf %get3A_79, %gather3A_421 : vector<16xf32>
        %sub3A_431 = arith.subf %get3A_84, %gather3A_425 : vector<16xf32>
        %sub3A_432 = arith.subf %get3A_89, %gather3A_429 : vector<16xf32>
        %mul3A_433 = arith.mulf %sub3A_430, %sub3A_430 : vector<16xf32>
        %mul3A_434 = arith.mulf %sub3A_431, %sub3A_431 : vector<16xf32>
        %add3A_435 = arith.addf %mul3A_433, %mul3A_434 : vector<16xf32>
        %mul3A_436 = arith.mulf %sub3A_432, %sub3A_432 : vector<16xf32>
        %add3A_437 = arith.addf %add3A_435, %mul3A_436 : vector<16xf32>
        %min3A_438 = arith.minimumf %min3A_399, %add3A_437 : vector<16xf32>
        %sub3A_439 = arith.subf %get3A_94, %gather3A_421 : vector<16xf32>
        %sub3A_440 = arith.subf %get3A_99, %gather3A_425 : vector<16xf32>
        %sub3A_441 = arith.subf %get3A_104, %gather3A_429 : vector<16xf32>
        %mul3A_442 = arith.mulf %sub3A_439, %sub3A_439 : vector<16xf32>
        %mul3A_443 = arith.mulf %sub3A_440, %sub3A_440 : vector<16xf32>
        %add3A_444 = arith.addf %mul3A_442, %mul3A_443 : vector<16xf32>
        %mul3A_445 = arith.mulf %sub3A_441, %sub3A_441 : vector<16xf32>
        %add3A_446 = arith.addf %add3A_444, %mul3A_445 : vector<16xf32>
        %min3A_447 = arith.minimumf %min3A_408, %add3A_446 : vector<16xf32>
        %sub3A_448 = arith.subf %get3A_109, %gather3A_421 : vector<16xf32>
        %sub3A_449 = arith.subf %get3A_114, %gather3A_425 : vector<16xf32>
        %sub3A_450 = arith.subf %get3A_119, %gather3A_429 : vector<16xf32>
        %mul3A_451 = arith.mulf %sub3A_448, %sub3A_448 : vector<16xf32>
        %mul3A_452 = arith.mulf %sub3A_449, %sub3A_449 : vector<16xf32>
        %add3A_453 = arith.addf %mul3A_451, %mul3A_452 : vector<16xf32>
        %mul3A_454 = arith.mulf %sub3A_450, %sub3A_450 : vector<16xf32>
        %add3A_455 = arith.addf %add3A_453, %mul3A_454 : vector<16xf32>
        %min3A_456 = arith.minimumf %min3A_417, %add3A_455 : vector<16xf32>
        %broadcast_in_dim3A_457 = arith.constant 7 : i32
        %broadcast_in_dim3A_458 = vector.broadcast %broadcast_in_dim3A_457 : i32 to vector<16x1xi32>
        %gather3A_459 = vector.shape_cast %broadcast_in_dim3A_458 : vector<16x1xi32> to vector<16xi32>
        %gather3A_460 = tpu.dynamic_gather %get3A_179[%gather3A_459] in [0] : vector<16xf32>, vector<16xi32> -> vector<16xf32>
        %broadcast_in_dim3A_461 = arith.constant 7 : i32
        %broadcast_in_dim3A_462 = vector.broadcast %broadcast_in_dim3A_461 : i32 to vector<16x1xi32>
        %gather3A_463 = vector.shape_cast %broadcast_in_dim3A_462 : vector<16x1xi32> to vector<16xi32>
        %gather3A_464 = tpu.dynamic_gather %get3A_182[%gather3A_463] in [0] : vector<16xf32>, vector<16xi32> -> vector<16xf32>
        %broadcast_in_dim3A_465 = arith.constant 7 : i32
        %broadcast_in_dim3A_466 = vector.broadcast %broadcast_in_dim3A_465 : i32 to vector<16x1xi32>
        %gather3A_467 = vector.shape_cast %broadcast_in_dim3A_466 : vector<16x1xi32> to vector<16xi32>
        %gather3A_468 = tpu.dynamic_gather %get3A_185[%gather3A_467] in [0] : vector<16xf32>, vector<16xi32> -> vector<16xf32>
        %sub3A_469 = arith.subf %get3A_79, %gather3A_460 : vector<16xf32>
        %sub3A_470 = arith.subf %get3A_84, %gather3A_464 : vector<16xf32>
        %sub3A_471 = arith.subf %get3A_89, %gather3A_468 : vector<16xf32>
        %mul3A_472 = arith.mulf %sub3A_469, %sub3A_469 : vector<16xf32>
        %mul3A_473 = arith.mulf %sub3A_470, %sub3A_470 : vector<16xf32>
        %add3A_474 = arith.addf %mul3A_472, %mul3A_473 : vector<16xf32>
        %mul3A_475 = arith.mulf %sub3A_471, %sub3A_471 : vector<16xf32>
        %add3A_476 = arith.addf %add3A_474, %mul3A_475 : vector<16xf32>
        %min3A_477 = arith.minimumf %min3A_438, %add3A_476 : vector<16xf32>
        %sub3A_478 = arith.subf %get3A_94, %gather3A_460 : vector<16xf32>
        %sub3A_479 = arith.subf %get3A_99, %gather3A_464 : vector<16xf32>
        %sub3A_480 = arith.subf %get3A_104, %gather3A_468 : vector<16xf32>
        %mul3A_481 = arith.mulf %sub3A_478, %sub3A_478 : vector<16xf32>
        %mul3A_482 = arith.mulf %sub3A_479, %sub3A_479 : vector<16xf32>
        %add3A_483 = arith.addf %mul3A_481, %mul3A_482 : vector<16xf32>
        %mul3A_484 = arith.mulf %sub3A_480, %sub3A_480 : vector<16xf32>
        %add3A_485 = arith.addf %add3A_483, %mul3A_484 : vector<16xf32>
        %min3A_486 = arith.minimumf %min3A_447, %add3A_485 : vector<16xf32>
        %sub3A_487 = arith.subf %get3A_109, %gather3A_460 : vector<16xf32>
        %sub3A_488 = arith.subf %get3A_114, %gather3A_464 : vector<16xf32>
        %sub3A_489 = arith.subf %get3A_119, %gather3A_468 : vector<16xf32>
        %mul3A_490 = arith.mulf %sub3A_487, %sub3A_487 : vector<16xf32>
        %mul3A_491 = arith.mulf %sub3A_488, %sub3A_488 : vector<16xf32>
        %add3A_492 = arith.addf %mul3A_490, %mul3A_491 : vector<16xf32>
        %mul3A_493 = arith.mulf %sub3A_489, %sub3A_489 : vector<16xf32>
        %add3A_494 = arith.addf %add3A_492, %mul3A_493 : vector<16xf32>
        %min3A_495 = arith.minimumf %min3A_456, %add3A_494 : vector<16xf32>
        %broadcast_in_dim3A_496 = arith.constant 8 : i32
        %broadcast_in_dim3A_497 = vector.broadcast %broadcast_in_dim3A_496 : i32 to vector<16x1xi32>
        %gather3A_498 = vector.shape_cast %broadcast_in_dim3A_497 : vector<16x1xi32> to vector<16xi32>
        %gather3A_499 = tpu.dynamic_gather %get3A_179[%gather3A_498] in [0] : vector<16xf32>, vector<16xi32> -> vector<16xf32>
        %broadcast_in_dim3A_500 = arith.constant 8 : i32
        %broadcast_in_dim3A_501 = vector.broadcast %broadcast_in_dim3A_500 : i32 to vector<16x1xi32>
        %gather3A_502 = vector.shape_cast %broadcast_in_dim3A_501 : vector<16x1xi32> to vector<16xi32>
        %gather3A_503 = tpu.dynamic_gather %get3A_182[%gather3A_502] in [0] : vector<16xf32>, vector<16xi32> -> vector<16xf32>
        %broadcast_in_dim3A_504 = arith.constant 8 : i32
        %broadcast_in_dim3A_505 = vector.broadcast %broadcast_in_dim3A_504 : i32 to vector<16x1xi32>
        %gather3A_506 = vector.shape_cast %broadcast_in_dim3A_505 : vector<16x1xi32> to vector<16xi32>
        %gather3A_507 = tpu.dynamic_gather %get3A_185[%gather3A_506] in [0] : vector<16xf32>, vector<16xi32> -> vector<16xf32>
        %sub3A_508 = arith.subf %get3A_79, %gather3A_499 : vector<16xf32>
        %sub3A_509 = arith.subf %get3A_84, %gather3A_503 : vector<16xf32>
        %sub3A_510 = arith.subf %get3A_89, %gather3A_507 : vector<16xf32>
        %mul3A_511 = arith.mulf %sub3A_508, %sub3A_508 : vector<16xf32>
        %mul3A_512 = arith.mulf %sub3A_509, %sub3A_509 : vector<16xf32>
        %add3A_513 = arith.addf %mul3A_511, %mul3A_512 : vector<16xf32>
        %mul3A_514 = arith.mulf %sub3A_510, %sub3A_510 : vector<16xf32>
        %add3A_515 = arith.addf %add3A_513, %mul3A_514 : vector<16xf32>
        %min3A_516 = arith.minimumf %min3A_477, %add3A_515 : vector<16xf32>
        %sub3A_517 = arith.subf %get3A_94, %gather3A_499 : vector<16xf32>
        %sub3A_518 = arith.subf %get3A_99, %gather3A_503 : vector<16xf32>
        %sub3A_519 = arith.subf %get3A_104, %gather3A_507 : vector<16xf32>
        %mul3A_520 = arith.mulf %sub3A_517, %sub3A_517 : vector<16xf32>
        %mul3A_521 = arith.mulf %sub3A_518, %sub3A_518 : vector<16xf32>
        %add3A_522 = arith.addf %mul3A_520, %mul3A_521 : vector<16xf32>
        %mul3A_523 = arith.mulf %sub3A_519, %sub3A_519 : vector<16xf32>
        %add3A_524 = arith.addf %add3A_522, %mul3A_523 : vector<16xf32>
        %min3A_525 = arith.minimumf %min3A_486, %add3A_524 : vector<16xf32>
        %sub3A_526 = arith.subf %get3A_109, %gather3A_499 : vector<16xf32>
        %sub3A_527 = arith.subf %get3A_114, %gather3A_503 : vector<16xf32>
        %sub3A_528 = arith.subf %get3A_119, %gather3A_507 : vector<16xf32>
        %mul3A_529 = arith.mulf %sub3A_526, %sub3A_526 : vector<16xf32>
        %mul3A_530 = arith.mulf %sub3A_527, %sub3A_527 : vector<16xf32>
        %add3A_531 = arith.addf %mul3A_529, %mul3A_530 : vector<16xf32>
        %mul3A_532 = arith.mulf %sub3A_528, %sub3A_528 : vector<16xf32>
        %add3A_533 = arith.addf %add3A_531, %mul3A_532 : vector<16xf32>
        %min3A_534 = arith.minimumf %min3A_495, %add3A_533 : vector<16xf32>
        %broadcast_in_dim3A_535 = arith.constant 9 : i32
        %broadcast_in_dim3A_536 = vector.broadcast %broadcast_in_dim3A_535 : i32 to vector<16x1xi32>
        %gather3A_537 = vector.shape_cast %broadcast_in_dim3A_536 : vector<16x1xi32> to vector<16xi32>
        %gather3A_538 = tpu.dynamic_gather %get3A_179[%gather3A_537] in [0] : vector<16xf32>, vector<16xi32> -> vector<16xf32>
        %broadcast_in_dim3A_539 = arith.constant 9 : i32
        %broadcast_in_dim3A_540 = vector.broadcast %broadcast_in_dim3A_539 : i32 to vector<16x1xi32>
        %gather3A_541 = vector.shape_cast %broadcast_in_dim3A_540 : vector<16x1xi32> to vector<16xi32>
        %gather3A_542 = tpu.dynamic_gather %get3A_182[%gather3A_541] in [0] : vector<16xf32>, vector<16xi32> -> vector<16xf32>
        %broadcast_in_dim3A_543 = arith.constant 9 : i32
        %broadcast_in_dim3A_544 = vector.broadcast %broadcast_in_dim3A_543 : i32 to vector<16x1xi32>
        %gather3A_545 = vector.shape_cast %broadcast_in_dim3A_544 : vector<16x1xi32> to vector<16xi32>
        %gather3A_546 = tpu.dynamic_gather %get3A_185[%gather3A_545] in [0] : vector<16xf32>, vector<16xi32> -> vector<16xf32>
        %sub3A_547 = arith.subf %get3A_79, %gather3A_538 : vector<16xf32>
        %sub3A_548 = arith.subf %get3A_84, %gather3A_542 : vector<16xf32>
        %sub3A_549 = arith.subf %get3A_89, %gather3A_546 : vector<16xf32>
        %mul3A_550 = arith.mulf %sub3A_547, %sub3A_547 : vector<16xf32>
        %mul3A_551 = arith.mulf %sub3A_548, %sub3A_548 : vector<16xf32>
        %add3A_552 = arith.addf %mul3A_550, %mul3A_551 : vector<16xf32>
        %mul3A_553 = arith.mulf %sub3A_549, %sub3A_549 : vector<16xf32>
        %add3A_554 = arith.addf %add3A_552, %mul3A_553 : vector<16xf32>
        %min3A_555 = arith.minimumf %min3A_516, %add3A_554 : vector<16xf32>
        %sub3A_556 = arith.subf %get3A_94, %gather3A_538 : vector<16xf32>
        %sub3A_557 = arith.subf %get3A_99, %gather3A_542 : vector<16xf32>
        %sub3A_558 = arith.subf %get3A_104, %gather3A_546 : vector<16xf32>
        %mul3A_559 = arith.mulf %sub3A_556, %sub3A_556 : vector<16xf32>
        %mul3A_560 = arith.mulf %sub3A_557, %sub3A_557 : vector<16xf32>
        %add3A_561 = arith.addf %mul3A_559, %mul3A_560 : vector<16xf32>
        %mul3A_562 = arith.mulf %sub3A_558, %sub3A_558 : vector<16xf32>
        %add3A_563 = arith.addf %add3A_561, %mul3A_562 : vector<16xf32>
        %min3A_564 = arith.minimumf %min3A_525, %add3A_563 : vector<16xf32>
        %sub3A_565 = arith.subf %get3A_109, %gather3A_538 : vector<16xf32>
        %sub3A_566 = arith.subf %get3A_114, %gather3A_542 : vector<16xf32>
        %sub3A_567 = arith.subf %get3A_119, %gather3A_546 : vector<16xf32>
        %mul3A_568 = arith.mulf %sub3A_565, %sub3A_565 : vector<16xf32>
        %mul3A_569 = arith.mulf %sub3A_566, %sub3A_566 : vector<16xf32>
        %add3A_570 = arith.addf %mul3A_568, %mul3A_569 : vector<16xf32>
        %mul3A_571 = arith.mulf %sub3A_567, %sub3A_567 : vector<16xf32>
        %add3A_572 = arith.addf %add3A_570, %mul3A_571 : vector<16xf32>
        %min3A_573 = arith.minimumf %min3A_534, %add3A_572 : vector<16xf32>
        %broadcast_in_dim3A_574 = arith.constant 10 : i32
        %broadcast_in_dim3A_575 = vector.broadcast %broadcast_in_dim3A_574 : i32 to vector<16x1xi32>
        %gather3A_576 = vector.shape_cast %broadcast_in_dim3A_575 : vector<16x1xi32> to vector<16xi32>
        %gather3A_577 = tpu.dynamic_gather %get3A_179[%gather3A_576] in [0] : vector<16xf32>, vector<16xi32> -> vector<16xf32>
        %broadcast_in_dim3A_578 = arith.constant 10 : i32
        %broadcast_in_dim3A_579 = vector.broadcast %broadcast_in_dim3A_578 : i32 to vector<16x1xi32>
        %gather3A_580 = vector.shape_cast %broadcast_in_dim3A_579 : vector<16x1xi32> to vector<16xi32>
        %gather3A_581 = tpu.dynamic_gather %get3A_182[%gather3A_580] in [0] : vector<16xf32>, vector<16xi32> -> vector<16xf32>
        %broadcast_in_dim3A_582 = arith.constant 10 : i32
        %broadcast_in_dim3A_583 = vector.broadcast %broadcast_in_dim3A_582 : i32 to vector<16x1xi32>
        %gather3A_584 = vector.shape_cast %broadcast_in_dim3A_583 : vector<16x1xi32> to vector<16xi32>
        %gather3A_585 = tpu.dynamic_gather %get3A_185[%gather3A_584] in [0] : vector<16xf32>, vector<16xi32> -> vector<16xf32>
        %sub3A_586 = arith.subf %get3A_79, %gather3A_577 : vector<16xf32>
        %sub3A_587 = arith.subf %get3A_84, %gather3A_581 : vector<16xf32>
        %sub3A_588 = arith.subf %get3A_89, %gather3A_585 : vector<16xf32>
        %mul3A_589 = arith.mulf %sub3A_586, %sub3A_586 : vector<16xf32>
        %mul3A_590 = arith.mulf %sub3A_587, %sub3A_587 : vector<16xf32>
        %add3A_591 = arith.addf %mul3A_589, %mul3A_590 : vector<16xf32>
        %mul3A_592 = arith.mulf %sub3A_588, %sub3A_588 : vector<16xf32>
        %add3A_593 = arith.addf %add3A_591, %mul3A_592 : vector<16xf32>
        %min3A_594 = arith.minimumf %min3A_555, %add3A_593 : vector<16xf32>
        %sub3A_595 = arith.subf %get3A_94, %gather3A_577 : vector<16xf32>
        %sub3A_596 = arith.subf %get3A_99, %gather3A_581 : vector<16xf32>
        %sub3A_597 = arith.subf %get3A_104, %gather3A_585 : vector<16xf32>
        %mul3A_598 = arith.mulf %sub3A_595, %sub3A_595 : vector<16xf32>
        %mul3A_599 = arith.mulf %sub3A_596, %sub3A_596 : vector<16xf32>
        %add3A_600 = arith.addf %mul3A_598, %mul3A_599 : vector<16xf32>
        %mul3A_601 = arith.mulf %sub3A_597, %sub3A_597 : vector<16xf32>
        %add3A_602 = arith.addf %add3A_600, %mul3A_601 : vector<16xf32>
        %min3A_603 = arith.minimumf %min3A_564, %add3A_602 : vector<16xf32>
        %sub3A_604 = arith.subf %get3A_109, %gather3A_577 : vector<16xf32>
        %sub3A_605 = arith.subf %get3A_114, %gather3A_581 : vector<16xf32>
        %sub3A_606 = arith.subf %get3A_119, %gather3A_585 : vector<16xf32>
        %mul3A_607 = arith.mulf %sub3A_604, %sub3A_604 : vector<16xf32>
        %mul3A_608 = arith.mulf %sub3A_605, %sub3A_605 : vector<16xf32>
        %add3A_609 = arith.addf %mul3A_607, %mul3A_608 : vector<16xf32>
        %mul3A_610 = arith.mulf %sub3A_606, %sub3A_606 : vector<16xf32>
        %add3A_611 = arith.addf %add3A_609, %mul3A_610 : vector<16xf32>
        %min3A_612 = arith.minimumf %min3A_573, %add3A_611 : vector<16xf32>
        %broadcast_in_dim3A_613 = arith.constant 11 : i32
        %broadcast_in_dim3A_614 = vector.broadcast %broadcast_in_dim3A_613 : i32 to vector<16x1xi32>
        %gather3A_615 = vector.shape_cast %broadcast_in_dim3A_614 : vector<16x1xi32> to vector<16xi32>
        %gather3A_616 = tpu.dynamic_gather %get3A_179[%gather3A_615] in [0] : vector<16xf32>, vector<16xi32> -> vector<16xf32>
        %broadcast_in_dim3A_617 = arith.constant 11 : i32
        %broadcast_in_dim3A_618 = vector.broadcast %broadcast_in_dim3A_617 : i32 to vector<16x1xi32>
        %gather3A_619 = vector.shape_cast %broadcast_in_dim3A_618 : vector<16x1xi32> to vector<16xi32>
        %gather3A_620 = tpu.dynamic_gather %get3A_182[%gather3A_619] in [0] : vector<16xf32>, vector<16xi32> -> vector<16xf32>
        %broadcast_in_dim3A_621 = arith.constant 11 : i32
        %broadcast_in_dim3A_622 = vector.broadcast %broadcast_in_dim3A_621 : i32 to vector<16x1xi32>
        %gather3A_623 = vector.shape_cast %broadcast_in_dim3A_622 : vector<16x1xi32> to vector<16xi32>
        %gather3A_624 = tpu.dynamic_gather %get3A_185[%gather3A_623] in [0] : vector<16xf32>, vector<16xi32> -> vector<16xf32>
        %sub3A_625 = arith.subf %get3A_79, %gather3A_616 : vector<16xf32>
        %sub3A_626 = arith.subf %get3A_84, %gather3A_620 : vector<16xf32>
        %sub3A_627 = arith.subf %get3A_89, %gather3A_624 : vector<16xf32>
        %mul3A_628 = arith.mulf %sub3A_625, %sub3A_625 : vector<16xf32>
        %mul3A_629 = arith.mulf %sub3A_626, %sub3A_626 : vector<16xf32>
        %add3A_630 = arith.addf %mul3A_628, %mul3A_629 : vector<16xf32>
        %mul3A_631 = arith.mulf %sub3A_627, %sub3A_627 : vector<16xf32>
        %add3A_632 = arith.addf %add3A_630, %mul3A_631 : vector<16xf32>
        %min3A_633 = arith.minimumf %min3A_594, %add3A_632 : vector<16xf32>
        %sub3A_634 = arith.subf %get3A_94, %gather3A_616 : vector<16xf32>
        %sub3A_635 = arith.subf %get3A_99, %gather3A_620 : vector<16xf32>
        %sub3A_636 = arith.subf %get3A_104, %gather3A_624 : vector<16xf32>
        %mul3A_637 = arith.mulf %sub3A_634, %sub3A_634 : vector<16xf32>
        %mul3A_638 = arith.mulf %sub3A_635, %sub3A_635 : vector<16xf32>
        %add3A_639 = arith.addf %mul3A_637, %mul3A_638 : vector<16xf32>
        %mul3A_640 = arith.mulf %sub3A_636, %sub3A_636 : vector<16xf32>
        %add3A_641 = arith.addf %add3A_639, %mul3A_640 : vector<16xf32>
        %min3A_642 = arith.minimumf %min3A_603, %add3A_641 : vector<16xf32>
        %sub3A_643 = arith.subf %get3A_109, %gather3A_616 : vector<16xf32>
        %sub3A_644 = arith.subf %get3A_114, %gather3A_620 : vector<16xf32>
        %sub3A_645 = arith.subf %get3A_119, %gather3A_624 : vector<16xf32>
        %mul3A_646 = arith.mulf %sub3A_643, %sub3A_643 : vector<16xf32>
        %mul3A_647 = arith.mulf %sub3A_644, %sub3A_644 : vector<16xf32>
        %add3A_648 = arith.addf %mul3A_646, %mul3A_647 : vector<16xf32>
        %mul3A_649 = arith.mulf %sub3A_645, %sub3A_645 : vector<16xf32>
        %add3A_650 = arith.addf %add3A_648, %mul3A_649 : vector<16xf32>
        %min3A_651 = arith.minimumf %min3A_612, %add3A_650 : vector<16xf32>
        %broadcast_in_dim3A_652 = arith.constant 12 : i32
        %broadcast_in_dim3A_653 = vector.broadcast %broadcast_in_dim3A_652 : i32 to vector<16x1xi32>
        %gather3A_654 = vector.shape_cast %broadcast_in_dim3A_653 : vector<16x1xi32> to vector<16xi32>
        %gather3A_655 = tpu.dynamic_gather %get3A_179[%gather3A_654] in [0] : vector<16xf32>, vector<16xi32> -> vector<16xf32>
        %broadcast_in_dim3A_656 = arith.constant 12 : i32
        %broadcast_in_dim3A_657 = vector.broadcast %broadcast_in_dim3A_656 : i32 to vector<16x1xi32>
        %gather3A_658 = vector.shape_cast %broadcast_in_dim3A_657 : vector<16x1xi32> to vector<16xi32>
        %gather3A_659 = tpu.dynamic_gather %get3A_182[%gather3A_658] in [0] : vector<16xf32>, vector<16xi32> -> vector<16xf32>
        %broadcast_in_dim3A_660 = arith.constant 12 : i32
        %broadcast_in_dim3A_661 = vector.broadcast %broadcast_in_dim3A_660 : i32 to vector<16x1xi32>
        %gather3A_662 = vector.shape_cast %broadcast_in_dim3A_661 : vector<16x1xi32> to vector<16xi32>
        %gather3A_663 = tpu.dynamic_gather %get3A_185[%gather3A_662] in [0] : vector<16xf32>, vector<16xi32> -> vector<16xf32>
        %sub3A_664 = arith.subf %get3A_79, %gather3A_655 : vector<16xf32>
        %sub3A_665 = arith.subf %get3A_84, %gather3A_659 : vector<16xf32>
        %sub3A_666 = arith.subf %get3A_89, %gather3A_663 : vector<16xf32>
        %mul3A_667 = arith.mulf %sub3A_664, %sub3A_664 : vector<16xf32>
        %mul3A_668 = arith.mulf %sub3A_665, %sub3A_665 : vector<16xf32>
        %add3A_669 = arith.addf %mul3A_667, %mul3A_668 : vector<16xf32>
        %mul3A_670 = arith.mulf %sub3A_666, %sub3A_666 : vector<16xf32>
        %add3A_671 = arith.addf %add3A_669, %mul3A_670 : vector<16xf32>
        %min3A_672 = arith.minimumf %min3A_633, %add3A_671 : vector<16xf32>
        %sub3A_673 = arith.subf %get3A_94, %gather3A_655 : vector<16xf32>
        %sub3A_674 = arith.subf %get3A_99, %gather3A_659 : vector<16xf32>
        %sub3A_675 = arith.subf %get3A_104, %gather3A_663 : vector<16xf32>
        %mul3A_676 = arith.mulf %sub3A_673, %sub3A_673 : vector<16xf32>
        %mul3A_677 = arith.mulf %sub3A_674, %sub3A_674 : vector<16xf32>
        %add3A_678 = arith.addf %mul3A_676, %mul3A_677 : vector<16xf32>
        %mul3A_679 = arith.mulf %sub3A_675, %sub3A_675 : vector<16xf32>
        %add3A_680 = arith.addf %add3A_678, %mul3A_679 : vector<16xf32>
        %min3A_681 = arith.minimumf %min3A_642, %add3A_680 : vector<16xf32>
        %sub3A_682 = arith.subf %get3A_109, %gather3A_655 : vector<16xf32>
        %sub3A_683 = arith.subf %get3A_114, %gather3A_659 : vector<16xf32>
        %sub3A_684 = arith.subf %get3A_119, %gather3A_663 : vector<16xf32>
        %mul3A_685 = arith.mulf %sub3A_682, %sub3A_682 : vector<16xf32>
        %mul3A_686 = arith.mulf %sub3A_683, %sub3A_683 : vector<16xf32>
        %add3A_687 = arith.addf %mul3A_685, %mul3A_686 : vector<16xf32>
        %mul3A_688 = arith.mulf %sub3A_684, %sub3A_684 : vector<16xf32>
        %add3A_689 = arith.addf %add3A_687, %mul3A_688 : vector<16xf32>
        %min3A_690 = arith.minimumf %min3A_651, %add3A_689 : vector<16xf32>
        %broadcast_in_dim3A_691 = arith.constant 13 : i32
        %broadcast_in_dim3A_692 = vector.broadcast %broadcast_in_dim3A_691 : i32 to vector<16x1xi32>
        %gather3A_693 = vector.shape_cast %broadcast_in_dim3A_692 : vector<16x1xi32> to vector<16xi32>
        %gather3A_694 = tpu.dynamic_gather %get3A_179[%gather3A_693] in [0] : vector<16xf32>, vector<16xi32> -> vector<16xf32>
        %broadcast_in_dim3A_695 = arith.constant 13 : i32
        %broadcast_in_dim3A_696 = vector.broadcast %broadcast_in_dim3A_695 : i32 to vector<16x1xi32>
        %gather3A_697 = vector.shape_cast %broadcast_in_dim3A_696 : vector<16x1xi32> to vector<16xi32>
        %gather3A_698 = tpu.dynamic_gather %get3A_182[%gather3A_697] in [0] : vector<16xf32>, vector<16xi32> -> vector<16xf32>
        %broadcast_in_dim3A_699 = arith.constant 13 : i32
        %broadcast_in_dim3A_700 = vector.broadcast %broadcast_in_dim3A_699 : i32 to vector<16x1xi32>
        %gather3A_701 = vector.shape_cast %broadcast_in_dim3A_700 : vector<16x1xi32> to vector<16xi32>
        %gather3A_702 = tpu.dynamic_gather %get3A_185[%gather3A_701] in [0] : vector<16xf32>, vector<16xi32> -> vector<16xf32>
        %sub3A_703 = arith.subf %get3A_79, %gather3A_694 : vector<16xf32>
        %sub3A_704 = arith.subf %get3A_84, %gather3A_698 : vector<16xf32>
        %sub3A_705 = arith.subf %get3A_89, %gather3A_702 : vector<16xf32>
        %mul3A_706 = arith.mulf %sub3A_703, %sub3A_703 : vector<16xf32>
        %mul3A_707 = arith.mulf %sub3A_704, %sub3A_704 : vector<16xf32>
        %add3A_708 = arith.addf %mul3A_706, %mul3A_707 : vector<16xf32>
        %mul3A_709 = arith.mulf %sub3A_705, %sub3A_705 : vector<16xf32>
        %add3A_710 = arith.addf %add3A_708, %mul3A_709 : vector<16xf32>
        %min3A_711 = arith.minimumf %min3A_672, %add3A_710 : vector<16xf32>
        %sub3A_712 = arith.subf %get3A_94, %gather3A_694 : vector<16xf32>
        %sub3A_713 = arith.subf %get3A_99, %gather3A_698 : vector<16xf32>
        %sub3A_714 = arith.subf %get3A_104, %gather3A_702 : vector<16xf32>
        %mul3A_715 = arith.mulf %sub3A_712, %sub3A_712 : vector<16xf32>
        %mul3A_716 = arith.mulf %sub3A_713, %sub3A_713 : vector<16xf32>
        %add3A_717 = arith.addf %mul3A_715, %mul3A_716 : vector<16xf32>
        %mul3A_718 = arith.mulf %sub3A_714, %sub3A_714 : vector<16xf32>
        %add3A_719 = arith.addf %add3A_717, %mul3A_718 : vector<16xf32>
        %min3A_720 = arith.minimumf %min3A_681, %add3A_719 : vector<16xf32>
        %sub3A_721 = arith.subf %get3A_109, %gather3A_694 : vector<16xf32>
        %sub3A_722 = arith.subf %get3A_114, %gather3A_698 : vector<16xf32>
        %sub3A_723 = arith.subf %get3A_119, %gather3A_702 : vector<16xf32>
        %mul3A_724 = arith.mulf %sub3A_721, %sub3A_721 : vector<16xf32>
        %mul3A_725 = arith.mulf %sub3A_722, %sub3A_722 : vector<16xf32>
        %add3A_726 = arith.addf %mul3A_724, %mul3A_725 : vector<16xf32>
        %mul3A_727 = arith.mulf %sub3A_723, %sub3A_723 : vector<16xf32>
        %add3A_728 = arith.addf %add3A_726, %mul3A_727 : vector<16xf32>
        %min3A_729 = arith.minimumf %min3A_690, %add3A_728 : vector<16xf32>
        %broadcast_in_dim3A_730 = arith.constant 14 : i32
        %broadcast_in_dim3A_731 = vector.broadcast %broadcast_in_dim3A_730 : i32 to vector<16x1xi32>
        %gather3A_732 = vector.shape_cast %broadcast_in_dim3A_731 : vector<16x1xi32> to vector<16xi32>
        %gather3A_733 = tpu.dynamic_gather %get3A_179[%gather3A_732] in [0] : vector<16xf32>, vector<16xi32> -> vector<16xf32>
        %broadcast_in_dim3A_734 = arith.constant 14 : i32
        %broadcast_in_dim3A_735 = vector.broadcast %broadcast_in_dim3A_734 : i32 to vector<16x1xi32>
        %gather3A_736 = vector.shape_cast %broadcast_in_dim3A_735 : vector<16x1xi32> to vector<16xi32>
        %gather3A_737 = tpu.dynamic_gather %get3A_182[%gather3A_736] in [0] : vector<16xf32>, vector<16xi32> -> vector<16xf32>
        %broadcast_in_dim3A_738 = arith.constant 14 : i32
        %broadcast_in_dim3A_739 = vector.broadcast %broadcast_in_dim3A_738 : i32 to vector<16x1xi32>
        %gather3A_740 = vector.shape_cast %broadcast_in_dim3A_739 : vector<16x1xi32> to vector<16xi32>
        %gather3A_741 = tpu.dynamic_gather %get3A_185[%gather3A_740] in [0] : vector<16xf32>, vector<16xi32> -> vector<16xf32>
        %sub3A_742 = arith.subf %get3A_79, %gather3A_733 : vector<16xf32>
        %sub3A_743 = arith.subf %get3A_84, %gather3A_737 : vector<16xf32>
        %sub3A_744 = arith.subf %get3A_89, %gather3A_741 : vector<16xf32>
        %mul3A_745 = arith.mulf %sub3A_742, %sub3A_742 : vector<16xf32>
        %mul3A_746 = arith.mulf %sub3A_743, %sub3A_743 : vector<16xf32>
        %add3A_747 = arith.addf %mul3A_745, %mul3A_746 : vector<16xf32>
        %mul3A_748 = arith.mulf %sub3A_744, %sub3A_744 : vector<16xf32>
        %add3A_749 = arith.addf %add3A_747, %mul3A_748 : vector<16xf32>
        %min3A_750 = arith.minimumf %min3A_711, %add3A_749 : vector<16xf32>
        %sub3A_751 = arith.subf %get3A_94, %gather3A_733 : vector<16xf32>
        %sub3A_752 = arith.subf %get3A_99, %gather3A_737 : vector<16xf32>
        %sub3A_753 = arith.subf %get3A_104, %gather3A_741 : vector<16xf32>
        %mul3A_754 = arith.mulf %sub3A_751, %sub3A_751 : vector<16xf32>
        %mul3A_755 = arith.mulf %sub3A_752, %sub3A_752 : vector<16xf32>
        %add3A_756 = arith.addf %mul3A_754, %mul3A_755 : vector<16xf32>
        %mul3A_757 = arith.mulf %sub3A_753, %sub3A_753 : vector<16xf32>
        %add3A_758 = arith.addf %add3A_756, %mul3A_757 : vector<16xf32>
        %min3A_759 = arith.minimumf %min3A_720, %add3A_758 : vector<16xf32>
        %sub3A_760 = arith.subf %get3A_109, %gather3A_733 : vector<16xf32>
        %sub3A_761 = arith.subf %get3A_114, %gather3A_737 : vector<16xf32>
        %sub3A_762 = arith.subf %get3A_119, %gather3A_741 : vector<16xf32>
        %mul3A_763 = arith.mulf %sub3A_760, %sub3A_760 : vector<16xf32>
        %mul3A_764 = arith.mulf %sub3A_761, %sub3A_761 : vector<16xf32>
        %add3A_765 = arith.addf %mul3A_763, %mul3A_764 : vector<16xf32>
        %mul3A_766 = arith.mulf %sub3A_762, %sub3A_762 : vector<16xf32>
        %add3A_767 = arith.addf %add3A_765, %mul3A_766 : vector<16xf32>
        %min3A_768 = arith.minimumf %min3A_729, %add3A_767 : vector<16xf32>
        %broadcast_in_dim3A_769 = arith.constant 15 : i32
        %broadcast_in_dim3A_770 = vector.broadcast %broadcast_in_dim3A_769 : i32 to vector<16x1xi32>
        %gather3A_771 = vector.shape_cast %broadcast_in_dim3A_770 : vector<16x1xi32> to vector<16xi32>
        %gather3A_772 = tpu.dynamic_gather %get3A_179[%gather3A_771] in [0] : vector<16xf32>, vector<16xi32> -> vector<16xf32>
        %broadcast_in_dim3A_773 = arith.constant 15 : i32
        %broadcast_in_dim3A_774 = vector.broadcast %broadcast_in_dim3A_773 : i32 to vector<16x1xi32>
        %gather3A_775 = vector.shape_cast %broadcast_in_dim3A_774 : vector<16x1xi32> to vector<16xi32>
        %gather3A_776 = tpu.dynamic_gather %get3A_182[%gather3A_775] in [0] : vector<16xf32>, vector<16xi32> -> vector<16xf32>
        %broadcast_in_dim3A_777 = arith.constant 15 : i32
        %broadcast_in_dim3A_778 = vector.broadcast %broadcast_in_dim3A_777 : i32 to vector<16x1xi32>
        %gather3A_779 = vector.shape_cast %broadcast_in_dim3A_778 : vector<16x1xi32> to vector<16xi32>
        %gather3A_780 = tpu.dynamic_gather %get3A_185[%gather3A_779] in [0] : vector<16xf32>, vector<16xi32> -> vector<16xf32>
        %sub3A_781 = arith.subf %get3A_79, %gather3A_772 : vector<16xf32>
        %sub3A_782 = arith.subf %get3A_84, %gather3A_776 : vector<16xf32>
        %sub3A_783 = arith.subf %get3A_89, %gather3A_780 : vector<16xf32>
        %mul3A_784 = arith.mulf %sub3A_781, %sub3A_781 : vector<16xf32>
        %mul3A_785 = arith.mulf %sub3A_782, %sub3A_782 : vector<16xf32>
        %add3A_786 = arith.addf %mul3A_784, %mul3A_785 : vector<16xf32>
        %mul3A_787 = arith.mulf %sub3A_783, %sub3A_783 : vector<16xf32>
        %add3A_788 = arith.addf %add3A_786, %mul3A_787 : vector<16xf32>
        %min3A_789 = arith.minimumf %min3A_750, %add3A_788 : vector<16xf32>
        %sub3A_790 = arith.subf %get3A_94, %gather3A_772 : vector<16xf32>
        %sub3A_791 = arith.subf %get3A_99, %gather3A_776 : vector<16xf32>
        %sub3A_792 = arith.subf %get3A_104, %gather3A_780 : vector<16xf32>
        %mul3A_793 = arith.mulf %sub3A_790, %sub3A_790 : vector<16xf32>
        %mul3A_794 = arith.mulf %sub3A_791, %sub3A_791 : vector<16xf32>
        %add3A_795 = arith.addf %mul3A_793, %mul3A_794 : vector<16xf32>
        %mul3A_796 = arith.mulf %sub3A_792, %sub3A_792 : vector<16xf32>
        %add3A_797 = arith.addf %add3A_795, %mul3A_796 : vector<16xf32>
        %min3A_798 = arith.minimumf %min3A_759, %add3A_797 : vector<16xf32>
        %sub3A_799 = arith.subf %get3A_109, %gather3A_772 : vector<16xf32>
        %sub3A_800 = arith.subf %get3A_114, %gather3A_776 : vector<16xf32>
        %sub3A_801 = arith.subf %get3A_119, %gather3A_780 : vector<16xf32>
        %mul3A_802 = arith.mulf %sub3A_799, %sub3A_799 : vector<16xf32>
        %mul3A_803 = arith.mulf %sub3A_800, %sub3A_800 : vector<16xf32>
        %add3A_804 = arith.addf %mul3A_802, %mul3A_803 : vector<16xf32>
        %mul3A_805 = arith.mulf %sub3A_801, %sub3A_801 : vector<16xf32>
        %add3A_806 = arith.addf %add3A_804, %mul3A_805 : vector<16xf32>
        %min3A_807 = arith.minimumf %min3A_768, %add3A_806 : vector<16xf32>
        scf.yield %min3A_789, %min3A_798, %min3A_807 : vector<16xf32>, vector<16xf32>, vector<16xf32>
      }
      %scan3A_125 = arith.constant 132 : i32
      %add3A_126 = arith.addf %scan3A_72, %scan3A_124#0 : vector<16xf32>
      %sign3A_127 = tpu.bitcast %scan3A_124#0 : vector<16xf32> -> vector<16xi32>
      %sign3A_128 = arith.constant -2147483648 : i32
      %sign3A_129 = vector.broadcast %sign3A_128 : i32 to vector<16xi32>
      %sign3A_130 = arith.andi %sign3A_127, %sign3A_129 : vector<16xi32>
      %sign3A_131 = arith.constant 1065353216 : i32
      %sign3A_132 = vector.broadcast %sign3A_131 : i32 to vector<16xi32>
      %sign3A_133 = arith.ori %sign3A_132, %sign3A_130 : vector<16xi32>
      %sign3A_134 = tpu.bitcast %sign3A_133 : vector<16xi32> -> vector<16xf32>
      %sign3A_135 = math.absf %scan3A_124#0 : vector<16xf32>
      %sign3A_136 = arith.constant 0.000000e+00 : f32
      %sign3A_137 = vector.broadcast %sign3A_136 : f32 to vector<16xf32>
      %sign3A_138 = arith.cmpf ogt, %sign3A_135, %sign3A_137 : vector<16xf32>
      %sign3A_139 = arith.select %sign3A_138, %sign3A_134, %scan3A_124#0 : vector<16xi1>, vector<16xf32>
      %add3A_140 = arith.addf %scan3A_73, %sign3A_139 : vector<16xf32>
      %add3A_141 = arith.addf %add3A_126, %scan3A_124#1 : vector<16xf32>
      %sign3A_142 = tpu.bitcast %scan3A_124#1 : vector<16xf32> -> vector<16xi32>
      %sign3A_143 = arith.constant -2147483648 : i32
      %sign3A_144 = vector.broadcast %sign3A_143 : i32 to vector<16xi32>
      %sign3A_145 = arith.andi %sign3A_142, %sign3A_144 : vector<16xi32>
      %sign3A_146 = arith.constant 1065353216 : i32
      %sign3A_147 = vector.broadcast %sign3A_146 : i32 to vector<16xi32>
      %sign3A_148 = arith.ori %sign3A_147, %sign3A_145 : vector<16xi32>
      %sign3A_149 = tpu.bitcast %sign3A_148 : vector<16xi32> -> vector<16xf32>
      %sign3A_150 = math.absf %scan3A_124#1 : vector<16xf32>
      %sign3A_151 = arith.constant 0.000000e+00 : f32
      %sign3A_152 = vector.broadcast %sign3A_151 : f32 to vector<16xf32>
      %sign3A_153 = arith.cmpf ogt, %sign3A_150, %sign3A_152 : vector<16xf32>
      %sign3A_154 = arith.select %sign3A_153, %sign3A_149, %scan3A_124#1 : vector<16xi1>, vector<16xf32>
      %add3A_155 = arith.addf %add3A_140, %sign3A_154 : vector<16xf32>
      %add3A_156 = arith.addf %add3A_141, %scan3A_124#2 : vector<16xf32>
      %sign3A_157 = tpu.bitcast %scan3A_124#2 : vector<16xf32> -> vector<16xi32>
      %sign3A_158 = arith.constant -2147483648 : i32
      %sign3A_159 = vector.broadcast %sign3A_158 : i32 to vector<16xi32>
      %sign3A_160 = arith.andi %sign3A_157, %sign3A_159 : vector<16xi32>
      %sign3A_161 = arith.constant 1065353216 : i32
      %sign3A_162 = vector.broadcast %sign3A_161 : i32 to vector<16xi32>
      %sign3A_163 = arith.ori %sign3A_162, %sign3A_160 : vector<16xi32>
      %sign3A_164 = tpu.bitcast %sign3A_163 : vector<16xi32> -> vector<16xf32>
      %sign3A_165 = math.absf %scan3A_124#2 : vector<16xf32>
      %sign3A_166 = arith.constant 0.000000e+00 : f32
      %sign3A_167 = vector.broadcast %sign3A_166 : f32 to vector<16xf32>
      %sign3A_168 = arith.cmpf ogt, %sign3A_165, %sign3A_167 : vector<16xf32>
      %sign3A_169 = arith.select %sign3A_168, %sign3A_164, %scan3A_124#2 : vector<16xi1>, vector<16xf32>
      %add3A_170 = arith.addf %add3A_155, %sign3A_169 : vector<16xf32>
      scf.yield %add3A_156, %add3A_170 : vector<16xf32>, vector<16xf32>
    }
    %scan3A_53 = arith.constant 11 : i32
    %swap3A = arith.constant 0 : index
    %swap3A_54 = tpu.vector_load %arg15[%swap3A] {strides = array<i32>} : memref<64xf32, #tpu.memory_space<vmem>>, vector<16xf32>,
    %swap3A_55 = vector.shape_cast %swap3A_54 : vector<16xf32> to vector<16xf32>
    %swap3A_56 = vector.shape_cast %scan3A_42#0 : vector<16xf32> to vector<16xf32>
    tpu.vector_store %arg15[%swap3A], %swap3A_56 {strides = array<i32>} : memref<64xf32, #tpu.memory_space<vmem>>, vector<16xf32>,
    %swap3A_57 = arith.constant 16 : index
    %swap3A_58 = tpu.vector_load %arg15[%swap3A_57] {strides = array<i32>} : memref<64xf32, #tpu.memory_space<vmem>>, vector<16xf32>,
    %swap3A_59 = vector.shape_cast %swap3A_58 : vector<16xf32> to vector<16xf32>
    %swap3A_60 = vector.shape_cast %scan3A_42#1 : vector<16xf32> to vector<16xf32>
    tpu.vector_store %arg15[%swap3A_57], %swap3A_60 {strides = array<i32>} : memref<64xf32, #tpu.memory_space<vmem>>, vector<16xf32>,
    %swap3A_61 = arith.constant 32 : index
    %swap3A_62 = tpu.vector_load %arg15[%swap3A_61] {strides = array<i32>} : memref<64xf32, #tpu.memory_space<vmem>>, vector<16xf32>,
    %swap3A_63 = vector.shape_cast %swap3A_62 : vector<16xf32> to vector<16xf32>
    %swap3A_64 = vector.shape_cast %scan3A_52#0 : vector<16xf32> to vector<16xf32>
    tpu.vector_store %arg15[%swap3A_61], %swap3A_64 {strides = array<i32>} : memref<64xf32, #tpu.memory_space<vmem>>, vector<16xf32>,
    %swap3A_65 = arith.constant 48 : index
    %swap3A_66 = tpu.vector_load %arg15[%swap3A_65] {strides = array<i32>} : memref<64xf32, #tpu.memory_space<vmem>>, vector<16xf32>,
    %swap3A_67 = vector.shape_cast %swap3A_66 : vector<16xf32> to vector<16xf32>
    %swap3A_68 = vector.shape_cast %scan3A_52#1 : vector<16xf32> to vector<16xf32>
    tpu.vector_store %arg15[%swap3A_65], %swap3A_68 {strides = array<i32>} : memref<64xf32, #tpu.memory_space<vmem>>, vector<16xf32>,
    %mul3A_69 = arith.constant 64 : i32
    %mul3A_70 = arith.muli %add3A, %mul3A_69 : i32
    "tpu.region"() ({
      %run_scoped3A = tpu.sem_alloc : memref<!tpu.dma_semaphore, #tpu.memory_space<semaphore_mem>>
      %dma_start3A = tpu.memref_slice %arg8[%mul3A_70] : memref<2048xf32, #tpu.memory_space<hbm>> -> memref<64xf32, #tpu.memory_space<hbm>>
      %dma_start3A_71 = tpu.memref_slice %arg8[%mul3A_70] : memref<2048xf32, #tpu.memory_space<hbm>> -> memref<64xf32, #tpu.memory_space<hbm>>
      tpu.enqueue_dma source(%arg15 : memref<64xf32, #tpu.memory_space<vmem>>) target(%dma_start3A_71 : memref<64xf32, #tpu.memory_space<hbm>>) target_semaphore(%run_scoped3A : memref<!tpu.dma_semaphore, #tpu.memory_space<semaphore_mem>>)
      %dma_wait3A = tpu.memref_slice %arg8[%mul3A_70] : memref<2048xf32, #tpu.memory_space<hbm>> -> memref<64xf32, #tpu.memory_space<hbm>>
      %dma_wait3A_72 = tpu.memref_slice %arg8[%mul3A_70] : memref<2048xf32, #tpu.memory_space<hbm>> -> memref<64xf32, #tpu.memory_space<hbm>>
      tpu.wait_dma2 semaphore(%run_scoped3A : memref<!tpu.dma_semaphore, #tpu.memory_space<semaphore_mem>>) src(%arg15 : memref<64xf32, #tpu.memory_space<vmem>>) dst(%dma_wait3A_72 : memref<64xf32, #tpu.memory_space<hbm>>)
      tpu.yield
    }) : () -> ()
    return
  }
}

module attributes {stable_mosaic.version = 14 : i64} {
  func.func @_build_body(%arg0: memref<8x2048xf32, #tpu.memory_space<vmem>>, %arg1: memref<8x2048xf32, #tpu.memory_space<vmem>>, %arg2: memref<8x2048xf32, #tpu.memory_space<vmem>>, %arg3: memref<8x2048xf32, #tpu.memory_space<vmem>>, %arg4: memref<8x2048xf32, #tpu.memory_space<vmem>>, %arg5: memref<8x2048xf32, #tpu.memory_space<vmem>>, %arg6: memref<1x2048xf32, #tpu.memory_space<vmem>>, %arg7: memref<1x2048xf32, #tpu.memory_space<vmem>>, %arg8: memref<1x2048xf32, #tpu.memory_space<vmem>>, %arg9: memref<8x2176xf32, #tpu.memory_space<vmem>>, %arg10: memref<8x2176xf32, #tpu.memory_space<vmem>>, %arg11: memref<8x2176xf32, #tpu.memory_space<vmem>>, %arg12: memref<8x2176xf32, #tpu.memory_space<vmem>>, %arg13: memref<8x2176xf32, #tpu.memory_space<vmem>>, %arg14: memref<8x2176xf32, #tpu.memory_space<vmem>>) attributes {dimension_semantics = [], scalar_prefetch = 0 : i64, scratch_operands = 0 : i64, tpu.core_type = #tpu.core_type<tc>} {
    %get3A = arith.constant 0 : index
    %get3A_0 = arith.constant 0 : index
    %get3A_1 = vector.load %arg1[%get3A, %get3A_0] : memref<8x2048xf32, #tpu.memory_space<vmem>>, vector<8x2048xf32>
    %gt3A = arith.constant 5.000000e-01 : f32
    %gt3A_2 = vector.broadcast %gt3A : f32 to vector<8x2048xf32>
    %gt3A_3 = arith.cmpf ogt, %get3A_1, %gt3A_2 : vector<8x2048xf32>
    %get3A_4 = arith.constant 0 : index
    %get3A_5 = arith.constant 0 : index
    %get3A_6 = vector.load %arg0[%get3A_4, %get3A_5] : memref<8x2048xf32, #tpu.memory_space<vmem>>, vector<8x2048xf32>
    %jit3A = arith.constant -1.000000e+00 : f32
    %broadcast_in_dim3A = vector.broadcast %jit3A : f32 to vector<8x2048xf32>
    %select_n3A = arith.select %gt3A_3, %get3A_6, %broadcast_in_dim3A : vector<8x2048xi1>, vector<8x2048xf32>
    %gt3A_7 = arith.constant 0.000000e+00 : f32
    %gt3A_8 = vector.broadcast %gt3A_7 : f32 to vector<8x2048xf32>
    %gt3A_9 = arith.cmpf ogt, %select_n3A, %gt3A_8 : vector<8x2048xf32>
    %get3A_10 = arith.constant 0 : index
    %get3A_11 = arith.constant 0 : index
    %get3A_12 = vector.load %arg6[%get3A_10, %get3A_11] : memref<1x2048xf32, #tpu.memory_space<vmem>>, vector<1x2048xf32>
    %mul3A = vector.broadcast %get3A_12 : vector<1x2048xf32> to vector<8x2048xf32>
    %mul3A_13 = arith.mulf %select_n3A, %mul3A : vector<8x2048xf32>
    %jit3A_14 = arith.constant 1.000000e+03 : f32
    %broadcast_in_dim3A_15 = vector.broadcast %jit3A_14 : f32 to vector<8x2048xf32>
    %select_n3A_16 = arith.select %gt3A_9, %mul3A_13, %broadcast_in_dim3A_15 : vector<8x2048xi1>, vector<8x2048xf32>
    %get3A_17 = arith.constant 0 : index
    %get3A_18 = arith.constant 0 : index
    %get3A_19 = vector.load %arg7[%get3A_17, %get3A_18] : memref<1x2048xf32, #tpu.memory_space<vmem>>, vector<1x2048xf32>
    %mul3A_20 = vector.broadcast %get3A_19 : vector<1x2048xf32> to vector<8x2048xf32>
    %mul3A_21 = arith.mulf %select_n3A, %mul3A_20 : vector<8x2048xf32>
    %jit3A_22 = arith.constant 1.000000e+03 : f32
    %broadcast_in_dim3A_23 = vector.broadcast %jit3A_22 : f32 to vector<8x2048xf32>
    %select_n3A_24 = arith.select %gt3A_9, %mul3A_21, %broadcast_in_dim3A_23 : vector<8x2048xi1>, vector<8x2048xf32>
    %get3A_25 = arith.constant 0 : index
    %get3A_26 = arith.constant 0 : index
    %get3A_27 = vector.load %arg8[%get3A_25, %get3A_26] : memref<1x2048xf32, #tpu.memory_space<vmem>>, vector<1x2048xf32>
    %mul3A_28 = vector.broadcast %get3A_27 : vector<1x2048xf32> to vector<8x2048xf32>
    %mul3A_29 = arith.mulf %select_n3A, %mul3A_28 : vector<8x2048xf32>
    %jit3A_30 = arith.constant 1.000000e+03 : f32
    %broadcast_in_dim3A_31 = vector.broadcast %jit3A_30 : f32 to vector<8x2048xf32>
    %select_n3A_32 = arith.select %gt3A_9, %mul3A_29, %broadcast_in_dim3A_31 : vector<8x2048xi1>, vector<8x2048xf32>
    %get3A_33 = arith.constant 0 : index
    %get3A_34 = arith.constant 0 : index
    %get3A_35 = vector.load %arg2[%get3A_33, %get3A_34] : memref<8x2048xf32, #tpu.memory_space<vmem>>, vector<8x2048xf32>
    %ge3A = arith.constant 0.000000e+00 : f32
    %ge3A_36 = vector.broadcast %ge3A : f32 to vector<8x2048xf32>
    %ge3A_37 = arith.cmpf oge, %get3A_35, %ge3A_36 : vector<8x2048xf32>
    %get3A_38 = arith.constant 0 : index
    %get3A_39 = arith.constant 0 : index
    %get3A_40 = vector.load %arg3[%get3A_38, %get3A_39] : memref<8x2048xf32, #tpu.memory_space<vmem>>, vector<8x2048xf32>
    %jit3A_41 = arith.constant 1.000000e+03 : f32
    %broadcast_in_dim3A_42 = vector.broadcast %jit3A_41 : f32 to vector<8x2048xf32>
    %select_n3A_43 = arith.select %ge3A_37, %get3A_40, %broadcast_in_dim3A_42 : vector<8x2048xi1>, vector<8x2048xf32>
    %get3A_44 = arith.constant 0 : index
    %get3A_45 = arith.constant 0 : index
    %get3A_46 = vector.load %arg4[%get3A_44, %get3A_45] : memref<8x2048xf32, #tpu.memory_space<vmem>>, vector<8x2048xf32>
    %jit3A_47 = arith.constant 1.000000e+03 : f32
    %broadcast_in_dim3A_48 = vector.broadcast %jit3A_47 : f32 to vector<8x2048xf32>
    %select_n3A_49 = arith.select %ge3A_37, %get3A_46, %broadcast_in_dim3A_48 : vector<8x2048xi1>, vector<8x2048xf32>
    %get3A_50 = arith.constant 0 : index
    %get3A_51 = arith.constant 0 : index
    %get3A_52 = vector.load %arg5[%get3A_50, %get3A_51] : memref<8x2048xf32, #tpu.memory_space<vmem>>, vector<8x2048xf32>
    %jit3A_53 = arith.constant 1.000000e+03 : f32
    %broadcast_in_dim3A_54 = vector.broadcast %jit3A_53 : f32 to vector<8x2048xf32>
    %select_n3A_55 = arith.select %ge3A_37, %get3A_52, %broadcast_in_dim3A_54 : vector<8x2048xi1>, vector<8x2048xf32>
    %swap3A = arith.constant 0 : index
    %swap3A_56 = arith.constant 0 : index
    %swap3A_57 = vector.load %arg9[%swap3A, %swap3A_56] : memref<8x2176xf32, #tpu.memory_space<vmem>>, vector<8x2048xf32>
    tpu.vector_store %arg9[%swap3A, %swap3A_56], %select_n3A_16 {strides = array<i32>} : memref<8x2176xf32, #tpu.memory_space<vmem>>, vector<8x2048xf32>,
    %broadcast_in_dim3A_58 = arith.constant 1.000000e+03 : f32
    %broadcast_in_dim3A_59 = vector.broadcast %broadcast_in_dim3A_58 : f32 to vector<8x128xf32>
    %swap3A_60 = arith.constant 0 : index
    %swap3A_61 = arith.constant 2048 : index
    %swap3A_62 = vector.load %arg9[%swap3A_60, %swap3A_61] : memref<8x2176xf32, #tpu.memory_space<vmem>>, vector<8x128xf32>
    tpu.vector_store %arg9[%swap3A_60, %swap3A_61], %broadcast_in_dim3A_59 {strides = array<i32>} : memref<8x2176xf32, #tpu.memory_space<vmem>>, vector<8x128xf32>,
    %swap3A_63 = arith.constant 0 : index
    %swap3A_64 = arith.constant 0 : index
    %swap3A_65 = vector.load %arg10[%swap3A_63, %swap3A_64] : memref<8x2176xf32, #tpu.memory_space<vmem>>, vector<8x2048xf32>
    tpu.vector_store %arg10[%swap3A_63, %swap3A_64], %select_n3A_24 {strides = array<i32>} : memref<8x2176xf32, #tpu.memory_space<vmem>>, vector<8x2048xf32>,
    %broadcast_in_dim3A_66 = arith.constant 1.000000e+03 : f32
    %broadcast_in_dim3A_67 = vector.broadcast %broadcast_in_dim3A_66 : f32 to vector<8x128xf32>
    %swap3A_68 = arith.constant 0 : index
    %swap3A_69 = arith.constant 2048 : index
    %swap3A_70 = vector.load %arg10[%swap3A_68, %swap3A_69] : memref<8x2176xf32, #tpu.memory_space<vmem>>, vector<8x128xf32>
    tpu.vector_store %arg10[%swap3A_68, %swap3A_69], %broadcast_in_dim3A_67 {strides = array<i32>} : memref<8x2176xf32, #tpu.memory_space<vmem>>, vector<8x128xf32>,
    %swap3A_71 = arith.constant 0 : index
    %swap3A_72 = arith.constant 0 : index
    %swap3A_73 = vector.load %arg11[%swap3A_71, %swap3A_72] : memref<8x2176xf32, #tpu.memory_space<vmem>>, vector<8x2048xf32>
    tpu.vector_store %arg11[%swap3A_71, %swap3A_72], %select_n3A_32 {strides = array<i32>} : memref<8x2176xf32, #tpu.memory_space<vmem>>, vector<8x2048xf32>,
    %broadcast_in_dim3A_74 = arith.constant 1.000000e+03 : f32
    %broadcast_in_dim3A_75 = vector.broadcast %broadcast_in_dim3A_74 : f32 to vector<8x128xf32>
    %swap3A_76 = arith.constant 0 : index
    %swap3A_77 = arith.constant 2048 : index
    %swap3A_78 = vector.load %arg11[%swap3A_76, %swap3A_77] : memref<8x2176xf32, #tpu.memory_space<vmem>>, vector<8x128xf32>
    tpu.vector_store %arg11[%swap3A_76, %swap3A_77], %broadcast_in_dim3A_75 {strides = array<i32>} : memref<8x2176xf32, #tpu.memory_space<vmem>>, vector<8x128xf32>,
    %swap3A_79 = arith.constant 0 : index
    %swap3A_80 = arith.constant 0 : index
    %swap3A_81 = vector.load %arg12[%swap3A_79, %swap3A_80] : memref<8x2176xf32, #tpu.memory_space<vmem>>, vector<8x2048xf32>
    tpu.vector_store %arg12[%swap3A_79, %swap3A_80], %select_n3A_43 {strides = array<i32>} : memref<8x2176xf32, #tpu.memory_space<vmem>>, vector<8x2048xf32>,
    %broadcast_in_dim3A_82 = arith.constant 1.000000e+03 : f32
    %broadcast_in_dim3A_83 = vector.broadcast %broadcast_in_dim3A_82 : f32 to vector<8x128xf32>
    %swap3A_84 = arith.constant 0 : index
    %swap3A_85 = arith.constant 2048 : index
    %swap3A_86 = vector.load %arg12[%swap3A_84, %swap3A_85] : memref<8x2176xf32, #tpu.memory_space<vmem>>, vector<8x128xf32>
    tpu.vector_store %arg12[%swap3A_84, %swap3A_85], %broadcast_in_dim3A_83 {strides = array<i32>} : memref<8x2176xf32, #tpu.memory_space<vmem>>, vector<8x128xf32>,
    %swap3A_87 = arith.constant 0 : index
    %swap3A_88 = arith.constant 0 : index
    %swap3A_89 = vector.load %arg13[%swap3A_87, %swap3A_88] : memref<8x2176xf32, #tpu.memory_space<vmem>>, vector<8x2048xf32>
    tpu.vector_store %arg13[%swap3A_87, %swap3A_88], %select_n3A_49 {strides = array<i32>} : memref<8x2176xf32, #tpu.memory_space<vmem>>, vector<8x2048xf32>,
    %broadcast_in_dim3A_90 = arith.constant 1.000000e+03 : f32
    %broadcast_in_dim3A_91 = vector.broadcast %broadcast_in_dim3A_90 : f32 to vector<8x128xf32>
    %swap3A_92 = arith.constant 0 : index
    %swap3A_93 = arith.constant 2048 : index
    %swap3A_94 = vector.load %arg13[%swap3A_92, %swap3A_93] : memref<8x2176xf32, #tpu.memory_space<vmem>>, vector<8x128xf32>
    tpu.vector_store %arg13[%swap3A_92, %swap3A_93], %broadcast_in_dim3A_91 {strides = array<i32>} : memref<8x2176xf32, #tpu.memory_space<vmem>>, vector<8x128xf32>,
    %swap3A_95 = arith.constant 0 : index
    %swap3A_96 = arith.constant 0 : index
    %swap3A_97 = vector.load %arg14[%swap3A_95, %swap3A_96] : memref<8x2176xf32, #tpu.memory_space<vmem>>, vector<8x2048xf32>
    tpu.vector_store %arg14[%swap3A_95, %swap3A_96], %select_n3A_55 {strides = array<i32>} : memref<8x2176xf32, #tpu.memory_space<vmem>>, vector<8x2048xf32>,
    %broadcast_in_dim3A_98 = arith.constant 1.000000e+03 : f32
    %broadcast_in_dim3A_99 = vector.broadcast %broadcast_in_dim3A_98 : f32 to vector<8x128xf32>
    %swap3A_100 = arith.constant 0 : index
    %swap3A_101 = arith.constant 2048 : index
    %swap3A_102 = vector.load %arg14[%swap3A_100, %swap3A_101] : memref<8x2176xf32, #tpu.memory_space<vmem>>, vector<8x128xf32>
    tpu.vector_store %arg14[%swap3A_100, %swap3A_101], %broadcast_in_dim3A_99 {strides = array<i32>} : memref<8x2176xf32, #tpu.memory_space<vmem>>, vector<8x128xf32>,
    return
  }
}

</mosaic_0001>

<sc_bundles>
// kernel: kernel.4.cloned.1.call-start
scs
__scs_entry_jumppad:
0x0: {  	(pc) =	sbr.rel $0x88, $3  }
0x1: {  	(tag) =	ssettag $0x0;
	lr =	simm.s32 $0x1  }
0x2: {  	[smem:$0x3F9E] =	sst lr;
	_ =	strace $0xD0000000  }
0x3: {  	_ = 	snop  }
0x4: {  	_ = 	snop  }
0x5: {  	_ = 	snop  }
0x6: {  	_ = 	snop  }
0x7: {  	_ = 	snop  }
__scs_overlays_trampoline_lowered:
0x8: {  	[smem:$0x3FAD] =	sst s0  }
0x9: {  	[smem:$0x3FAE] =	sst s1  }
0xa: {  	[smem:$0x3FAF] =	sst s2  }
0xb: {  	[smem:$0x3FB0] =	sst s3  }
0xc: {  	[smem:$0x3FB1] =	sst s4  }
0xd: {  	[smem:$0x3FB2] =	sst s5  }
0xe: {  	[smem:$0x3FB3] =	sst s6  }
0xf: {  	[smem:$0x3FB4] =	sst s7  }
0x10: {  	[smem:$0x3FB5] =	sst s8  }
0x11: {  	[smem:$0x3FB6] =	sst s9;
	s0 =	simm.s32 @!p0 $0x0  }
0x12: {  	s1 =	sld [smem:$0x3F9C];
	s0 =	simm.s32 @p0 $0x1  }
0x13: {  	[smem:$0x3FB7] =	sst s0;
	s0 =	simm.s32 @!p1 $0x0  }
0x14: {  	s2 =	sld [smem:$0x3F9B];
	s0 =	simm.s32 @p1 $0x1  }
0x15: {  	[smem:$0x3FB8] =	sst s0;
	s0 =	simm.s32 @!p2 $0x0  }
0x16: {  	s3 =	sld [smem:$0x3FDB];
	s0 =	simm.s32 @p2 $0x1  }
0x17: {  	s4 =	simm.s32 $0x1BF5;
	[smem:$0x3FBA] =	sst s0  }
0x18: {  	s0 =	sld [smem:$0x3F9D];
	_ =	swait.ge [sflag:s4], $0x0  }
0x19: {  	s7 =	sld [smem:$0x3F9E]  }
0x1a: {  	s8 =	sadd.s32 $0xFFFFE003, lr  }
0x1b: {  	s9 =	sadd.s32 $0xFFFFFEF7, lr;
	s5 =	simm.s32 $0xFFFFFFFF;
	p2 =	slt.u32 s8, $0xFFFFF086  }
0x1c: {  	p1 =	slt.u32 s9, $0xF7A;
	s5 =	simm.s32 @!p2 $0x0  }
0x1d: {  	s5 =	simm.s32 @p1 $0x1;
	p0 =	seq.s32 s7, s2  }
0x1e: {  	s7 =	smul.u32 @!p0 $0xF7A, s2;
	p2 =	seq.s32 @!p0 s5, $0x0  }
0x1f: {  	s9 =	smul.u32 $0xF7A, s1;
	s8 =	simm.s32 @!p0 $0x1BF5;
	p2 =	por !p2, p0  }
0x20: {  	[sflag:s8] =	ssyncset.s32 @!p0 $0xFFFFF086;
	s6 =	sadd.s32 @!p0 s3, s7;
	s7 =	simm.s32 @!p0 $0x108  }
0x21: {  	s3 =	sadd.s32 s3, s9;
	s6 =	sadd.s32 @!p0 $0x88, s6;
	s7 =	simm.s32 @p2 $0x1082  }
0x22: {  	[simem:s7], [sflag:s8] =	dma.local @!p0 [hbm:s6], $0xF7A  }
0x23: {  	s9 =	sor.u32 $0xD0000000, s2;
	s6 =	simm.s32 $0x108;
	_ =	swait.ge @!p0 [sflag:s8], $0x0  }
0x24: {  	s3 =	sadd.s32 $0x88, s3;
	s6 =	simm.s32 @!p1 $0x1082;
	[sflag:s4] =	ssyncset.s32 $0xFFFFF086  }
0x25: {  	[simem:s6], [sflag:s4] =	dma.local [hbm:s3], $0xF7A  }
0x26: {  	[smem:$0x3F9E] =	sst s1;
	(tag) =	ssettag s2;
	_ =	strace s9  }
0x27: {  	s1 =	sld [smem:$0x3FAE]  }
0x28: {  	s2 =	sld [smem:$0x3FAF]  }
0x29: {  	s4 =	sld [smem:$0x3FB1]  }
0x2a: {  	p0 =	seq.s32 s5, $0x0;
	s5 =	sld [smem:$0x3FB2]  }
0x2b: {  	s6 =	sld [smem:$0x3FB3]  }
0x2c: {  	s7 =	sld [smem:$0x3FB4]  }
0x2d: {  	s3 =	simm.s32 $0x108;
	s8 =	sld [smem:$0x3FB5]  }
0x2e: {  	s3 =	simm.s32 @!p0 $0x1082;
	s9 =	sld [smem:$0x3FB6]  }
0x2f: {  	lr =	sadd.s32 s0, s3;
	s0 =	sld [smem:$0x3FAD]  }
0x30: {  	s3 =	sld [smem:$0x3FB0]  }
0x31: {  	[smem:$0x3FB9] =	sst s10  }
0x32: {  	s10 =	sld [smem:$0x3FB7];
	_ =	sdelay $0x3  }
0x33: {  	p0 =	seq.s32 s10, $0x1;
	s10 =	sld [smem:$0x3FB9];
	_ =	sdelay $0x3  }
0x34: {  	[smem:$0x3FB9] =	sst s10  }
0x35: {  	s10 =	sld [smem:$0x3FB8];
	_ =	sdelay $0x3  }
0x36: {  	p1 =	seq.s32 s10, $0x1;
	s10 =	sld [smem:$0x3FB9];
	_ =	sdelay $0x3  }
0x37: {  	[smem:$0x3FB9] =	sst s10  }
0x38: {  	s10 =	sld [smem:$0x3FBA]  }
0x39: {  	_ = 	snop;
	(pc) =	sbr.ind lr, $3  }
0x3a: {  	_ = 	snop  }
0x3b: {  	_ = 	snop  }
0x3c: {  	p2 =	seq.s32 s10, $0x1;
	s10 =	sld [smem:$0x3FB9]  }
0x3d: {  	_ =	shalt  }
0x3e: {  	_ =	shalt  }
0x3f: {  	_ =	shalt  }
0x40: {  	_ =	shalt  }
0x41: {  	_ =	shalt  }
0x42: {  	_ =	shalt  }
0x43: {  	_ =	shalt  }
0x44: {  	_ =	shalt  }
0x45: {  	_ =	shalt  }
0x46: {  	_ =	shalt  }
0x47: {  	_ =	shalt  }
0x48: {  	_ =	shalt  }
0x49: {  	_ =	shalt  }
0x4a: {  	_ =	shalt  }
0x4b: {  	_ =	shalt  }
0x4c: {  	_ =	shalt  }
0x4d: {  	_ =	shalt  }
0x4e: {  	_ =	shalt  }
0x4f: {  	_ =	shalt  }
0x50: {  	_ =	shalt  }
0x51: {  	_ =	shalt  }
0x52: {  	_ =	shalt  }
0x53: {  	_ =	shalt  }
0x54: {  	_ =	shalt  }
0x55: {  	_ =	shalt  }
0x56: {  	_ =	shalt  }
0x57: {  	_ =	shalt  }
0x58: {  	_ =	shalt  }
0x59: {  	_ =	shalt  }
0x5a: {  	_ =	shalt  }
0x5b: {  	_ =	shalt  }
0x5c: {  	_ =	shalt  }
0x5d: {  	_ =	shalt  }
0x5e: {  	_ =	shalt  }
0x5f: {  	_ =	shalt  }
0x60: {  	_ =	shalt  }
0x61: {  	_ =	shalt  }
0x62: {  	_ =	shalt  }
0x63: {  	_ =	shalt  }
0x64: {  	_ =	shalt  }
0x65: {  	_ =	shalt  }
0x66: {  	_ =	shalt  }
0x67: {  	_ =	shalt  }
0x68: {  	_ =	shalt  }
0x69: {  	_ =	shalt  }
0x6a: {  	_ =	shalt  }
0x6b: {  	_ =	shalt  }
0x6c: {  	_ =	shalt  }
0x6d: {  	_ =	shalt  }
0x6e: {  	_ =	shalt  }
0x6f: {  	_ =	shalt  }
0x70: {  	_ =	shalt  }
0x71: {  	_ =	shalt  }
0x72: {  	_ =	shalt  }
0x73: {  	_ =	shalt  }
0x74: {  	_ =	shalt  }
0x75: {  	_ =	shalt  }
0x76: {  	_ =	shalt  }
0x77: {  	_ =	shalt  }
0x78: {  	_ =	shalt  }
0x79: {  	_ =	shalt  }
0x7a: {  	_ =	shalt  }
0x7b: {  	_ =	shalt  }
0x7c: {  	_ =	shalt  }
0x7d: {  	_ =	shalt  }
0x7e: {  	_ =	shalt  }
0x7f: {  	_ =	shalt  }
0x80: {  	_ =	shalt  }
0x81: {  	_ =	shalt  }
0x82: {  	_ =	shalt  }
0x83: {  	_ =	shalt  }
0x84: {  	_ =	shalt  }
0x85: {  	_ =	shalt  }
0x86: {  	_ =	shalt  }
0x87: {  	_ =	shalt  }
.Lfunc_end0:
.L_simem_size_0:
called_computation_lowered:
.L_overlay_start_0:
0x88: {  	s2 =	sld [smem:$0x3FD9]  }
0x89: {  	s3 =	sld [smem:$0x3FFE];
	_ =	sdelay $0x1  }
0x8a: {  	s1 =	srdreg.scid  }
0x8b: {  	s0 =	sand.u32 $0x1, s1  }
0x8c: {  	s16 =	sshll.u32 s0, $0xA;
	s2 =	sadd.s32 s3, s2  }
0x8d: {  	s2 =	sadd.s32 s2, s16  }
0x8e: {  	[smem:$0x3FC5] =	sst s2  }
0x8f: {  	_ = 	snop  }
0x90: {  	(tm) =	ssettm $0x1  }
0x91: {  	s17 =	sld [smem:$0x3FFB];
	_ =	sdelay $0x3  }
0x92: {  	_ =	strace s17  }
0x93: {  	s2 =	sld [smem:$0x3FFC];
	_ =	sdelay $0x3  }
0x94: {  	_ =	strace s2  }
0x95: {  	s2 =	sld [smem:$0x3FFD];
	_ =	sdelay $0x3  }
0x96: {  	_ =	strace s2  }
0x97: {  	_ =	strace $0x8FFFFFFF  }
0x98: {  	s18 =	sld [smem:$0x3FDB];
	_ =	sdelay $0x1  }
0x99: {  	s19 =	simm.s32 $_scs_section_size  }
0x9a: {  	s4 =	simm.s32 $_size__tile_overlayer_lowered;
	s5 =	simm.s32 $_tile_overlayer_lowered  }
0x9b: {  	s22 =	simm.s32 $0x1BFF;
	s21 =	sshll.u32 s5, $0x1;
	s2 =	sadd.s32 s19, s18  }
0x9c: {  	s6 =	simm.s32 $0x0;
	s20 =	sshll.u32 s4, $0x1;
	s4 =	sadd.s32 s21, s2  }
0x9d: {  	[timem:s6], [sflag:s22] =	dma.local [hbm:s4], s20  }
0x9e: {  	_ =	swait.ge [sflag:s22], s20  }
0x9f: {  	s3 =	ssub.s32 $0x0, s20;
	[sflag:s22] =	ssyncset.done $0x0  }
0xa0: {  	[sflag:s22] =	ssyncadd.s32 s3;
	_ =	sdelay $0x1  }
0xa1: {  	s23 =	simm.s32 $0x1B8B  }
0xa2: {  	_ =	swait.ge [sflag:s23], $0x1  }
0xa3: {  	[sflag:s23] =	ssyncset.done $0x0  }
0xa4: {  	s25 =	simm.s32 $0x1B8E;
	s24 =	sld [smem:$0x3FFE];
	[sflag:s23] =	ssyncadd.s32 $0xFFFFFFFF  }
0xa5: {  	s26 =	simm.s32 $execute0_lowered;
	[smem:$0x3FD2] =	sst s25  }
0xa6: {  	s4 =	sshll.u32 s26, $0x1;
	_ =	strace $0x80000046;
	[dreg:$0x1] =	wrdreg $0xFFFFFFFF  }
0xa7: {  	s28 =	simm.s32 $_size_execute0_lowered;
	s2 =	sadd.s32 s2, s4;
	[dreg:$0x0] =	wrdreg $0x0  }
0xa8: {  	s4 =	sshll.u32 s28, $0x1;
	[dreg:$0x2] =	wrdreg s2  }
0xa9: {  	[dreg:$0x3] =	wrdreg s4  }
0xaa: {  	[dreg:$0x4] =	wrdreg $0xC0  }
0xab: {  	_ =	task [dreg:s6], $0x5FFFF  }
0xac: {  	[dreg:$0x1] =	wrdreg $0xFFFFFFFF  }
0xad: {  	[dreg:$0x0] =	wrdreg $0x60  }
0xae: {  	[dreg:$0x2] =	wrdreg s24  }
0xaf: {  	[dreg:$0x3] =	wrdreg $0x9  }
0xb0: {  	_ =	task.clear_ibuf [dreg:s6], $0x4FFFF;
	_ =	strace $0x90000046  }
0xb1: {  	s29 =	simm.s32 $0x9;
	_ =	strace $0x80000048  }
0xb2: {  	_ =	swait.ge [sflag:s29], $0x1  }
0xb3: {  	[sflag:s29] =	ssyncadd.s32 $0xFFFFFFFF  }
0xb4: {  	_ =	strace $0x90000048  }
0xb5: {  	_ =	sfence  }
0xb6: {  	s30 =	sld [smem:$0x0];
	_ =	sdelay $0x2  }
0xb7: {  	s31 =	sshll.u32 s1, $0xD;
	s1 =	sshrl.u32 s1, $0x2  }
0xb8: {  	s3 =	sand.u32 $0x4000, s31;
	s1 =	sadd.s32 s1, s30  }
0xb9: {  	s0 =	sor.u32 s3, s0;
	s1 =	sshll.u32 s1, $0x11  }
0xba: {  	s0 =	sor.u32 s1, s0  }
0xbb: {  	s0 =	sadd.s32 $0x8F2B, s0  }
0xbc: {  	[sflag:s0] =	ssyncadd.remote.s32 $0x1  }
0xbd: {  	_ =	sfence.sel $0xFFFF  }
0xbe: {  	[dreg:$0x0] =	wrdreg $0xFFFFFFFF;
	(pc) =	sbr.abs _section_cstart, $3  }
0xbf: {  	[dreg:$0x1] =	wrdreg $0xFFFFFFFF  }
0xc0: {  	_ =	task.clear_ibuf [dreg:s6], $0x2FFFF;
	_ =	strace $0x9FFFFFFF  }
0xc1: {  	(tm) =	ssettm $0x7FFFFFFF  }
tec
execute0_lowered:
.L_overlay_start_1:
0x0: {  	(tag) =	ssettag $0x1  }
0x1: {  	s3 =	rddreg [dreg:$0x0]  }
0x2: {  	s0 =	rddreg [dreg:$0x1]  }
0x3: {  	s2 =	simm.s32 $0x0;
	s4 =	srdreg.scid;
	s1 =	stileid.u32  }
0x4: {  	s19 =	simm.s32 $0x500;
	s20 =	simm.s32 $0x780;
	s21 =	simm.s32 $0x1000  }
0x5: {  	s22 =	simm.s32 $0x1880;
	s23 =	simm.s32 $0x2100;
	s24 =	simm.s32 $0x0  }
0x6: {  	[smem:$0x7FF] =	sst s2;
	s4 =	sand.u32 $0x1, s4;
	s5 =	sshll.u32 s1, $0x1  }
0x7: {  	s6 =	sshrl.u32 s1, $0x1;
	s12 =	sadd.s32 $0x200, s3;
	s13 =	sadd.s32 $0xC00, s3  }
0x8: {  	s14 =	sadd.s32 $0x1600, s3;
	s9 =	sadd.s32 $0x2000, s3;
	s10 =	sadd.s32 $0x2A00, s3  }
0x9: {  	s11 =	sadd.s32 $0x3400, s3;
	_ =	strace $0x80000047;
	s5 =	sor.u32 s4, s5  }
0xa: {  	s6 =	smul.u32 $0x840, s6;
	s4 =	ssub.s32 $0x2, s4;
	s7 =	sand.u32 $0x3, s5  }
0xb: {  	s5 =	sshll.u32 s5, $0x3;
	s31 =	sshrl.u32 s4, $0x1;
	s7 =	smul.u32 $0x210, s7  }
0xc: {  	s15 =	sadd.s32 s5, s3;
	s17 =	ssub.s32 s4, s31;
	s18 =	sshrl.u32 s6, $0x3  }
0xd: {  	s8 =	sadd.s32 s11, s18;
	s15 =	sadd.s32 $0x3E00, s15;
	s7 =	sadd.s32 s6, s7  }
0xe: {  	s6 =	sadd.s32 s9, s18;
	s16 =	sshrl.u32 s7, $0x3;
	s7 =	sadd.s32 s10, s18  }
0xf: {  	s3 =	sadd.s32 s12, s16;
	s4 =	sadd.s32 s13, s16;
	s5 =	sadd.s32 s14, s16  }
0x10: {  	v58 =	vimm.s32 $0x1;
	v59 =	vimm.s32 $0x7;
	v0 =	vimm.f32 $1.000000000e+00;
	s9 =	sadd.s32 s9, s16;
	s10 =	sadd.s32 s10, s16;
	s11 =	sadd.s32 s11, s16  }
0x11: {  	v53 =	vimm.s32 $0x8;
	v20 =	vimm.s32 $0x9;
	v0 =	vand.u32 $0x7FFFFFFF, v0;
	s12 =	sadd.s32 s12, s18;
	s13 =	sadd.s32 s13, s18;
	s14 =	sadd.s32 s14, s18  }
0x12: {  	v41 =	vimm.s32 $0xA;
	v18 =	vimm.s32 $0xC;
	v42 =	vimm.s32 $0xF;
	[tilespmem:$0x1FFF0] =	vst v0;
	s16 =	smax.u32 s17, $0x1;
	s17 =	simm.s32 $0x1;
	s18 =	simm.s32 $0x280  }
.LBB2_1:
0x13: {  	[tilespmem:s2], [sflag:$0x1] =	stream.linear.gather [hbm4b:s3+s2], $0x210, $0x38;
	[tilespmem:$0x2180] =	vst v63  }
0x14: {  	_ =	swait.ge [sflag:s17], $0x210  }
0x15: {  	[sflag:s17] =	ssyncset.done $0x0  }
0x16: {  	[sflag:s17] =	ssyncadd.s32 $0xFFFFFDF0  }
0x17: {  	[tilespmem:s18], [sflag:$0x1] =	stream.linear.gather [hbm4b:s4+s2], $0x210, $0x38;
	[tilespmem:$0x2180] =	vst v63  }
0x18: {  	_ =	swait.ge [sflag:s17], $0x210  }
0x19: {  	[sflag:s17] =	ssyncset.done $0x0  }
0x1a: {  	[sflag:s17] =	ssyncadd.s32 $0xFFFFFDF0  }
0x1b: {  	[tilespmem:s19], [sflag:$0x1] =	stream.linear.gather [hbm4b:s5+s2], $0x210, $0x38;
	[tilespmem:$0x2180] =	vst v63  }
0x1c: {  	_ =	swait.ge [sflag:s17], $0x210  }
0x1d: {  	[sflag:s17] =	ssyncset.done $0x0  }
0x1e: {  	[sflag:s17] =	ssyncadd.s32 $0xFFFFFDF0  }
0x1f: {  	[tilespmem:s20], [sflag:$0x1] =	stream.linear.gather [hbm4b:s6+s2], $0x840, $0x38;
	[tilespmem:$0x2180] =	vst v63  }
0x20: {  	_ =	swait.ge [sflag:s17], $0x840  }
0x21: {  	[sflag:s17] =	ssyncset.done $0x0  }
0x22: {  	[sflag:s17] =	ssyncadd.s32 $0xFFFFF7C0  }
0x23: {  	[tilespmem:s21], [sflag:$0x1] =	stream.linear.gather [hbm4b:s7+s2], $0x840, $0x38;
	[tilespmem:$0x2180] =	vst v63  }
0x24: {  	_ =	swait.ge [sflag:s17], $0x840  }
0x25: {  	[sflag:s17] =	ssyncset.done $0x0  }
0x26: {  	[sflag:s17] =	ssyncadd.s32 $0xFFFFF7C0  }
0x27: {  	[tilespmem:s22], [sflag:$0x1] =	stream.linear.gather [hbm4b:s8+s2], $0x840, $0x38;
	[tilespmem:$0x2180] =	vst v63  }
0x28: {  	v0 =	vimm.f32 $0.0e+00;
	_ =	swait.ge [sflag:s17], $0x840  }
0x29: {  	v63 =	vimm.f32 $0.0e+00;
	[sflag:s17] =	ssyncset.done $0x0;
	[tilespmem:$0x1FFD0] =	vst v0  }
0x2a: {  	s25 =	simm.s32 $0x0;
	[tilespmem:$0x1FFE0] =	vst v63;
	[sflag:s17] =	ssyncadd.s32 $0xFFFFF7C0  }
.LBB2_2:
0x2b: {  	s28 =	simm.s32 $0x0  }
0x2c: {  	s26 =	smul.u32 $0x30, s25;
	v1 =	vld [tilespmem:s28+$0x780]  }
0x2d: {  	v0 =	vld [tilespmem:s28+$0x1000]  }
0x2e: {  	v40 =	vld [tilespmem:s26+$0x0]  }
0x2f: {  	v21 =	vld [tilespmem:s26+$0x280]  }
0x30: {  	v23 =	vld [tilespmem:s26+$0x10]  }
0x31: {  	v63 =	vld [tilespmem:s26+$0x290]  }
0x32: {  	v24 =	vld [tilespmem:s26+$0x20]  }
0x33: {  	v61 =	vld [tilespmem:s26+$0x2A0]  }
0x34: {  	v2 =	vperm.xlane v1, v42;
	v3 =	vperm.xlane v0, v42  }
0x35: {  	v9 =	vimm.s32 $0xE;
	v14 =	vimm.s32 $0xD  }
0x36: {  	v6 =	vperm.xlane v1, v9;
	v4 =	vsub.f32 v40, v2;
	v5 =	vsub.f32 v21, v3  }
0x37: {  	v9 =	vperm.xlane v0, v9;
	v7 =	vsub.f32 v23, v2;
	v8 =	vsub.f32 v63, v3  }
0x38: {  	v22 =	vimm.s32 $0xB;
	v2 =	vsub.f32 v24, v2;
	v3 =	vsub.f32 v61, v3  }
0x39: {  	v11 =	vperm.xlane v1, v14;
	v10 =	vsub.f32 v40, v6;
	v12 =	vsub.f32 v21, v9  }
0x3a: {  	v14 =	vperm.xlane v0, v14;
	v13 =	vsub.f32 v23, v6;
	v15 =	vsub.f32 v63, v9  }
0x3b: {  	v46 =	vimm.s32 $0x6;
	v6 =	vsub.f32 v24, v6;
	v9 =	vsub.f32 v61, v9  }
0x3c: {  	v17 =	vperm.xlane v1, v18;
	v16 =	vsub.f32 v40, v11;
	v19 =	vsub.f32 v21, v14  }
0x3d: {  	v18 =	vimm.s32 $0xC;
	v25 =	vsub.f32 v23, v11;
	v26 =	vsub.f32 v63, v14  }
0x3e: {  	v31 =	vperm.xlane v0, v22;
	v11 =	vsub.f32 v24, v11;
	v14 =	vsub.f32 v61, v14  }
0x3f: {  	v28 =	vperm.xlane v1, v22;
	v27 =	vsub.f32 v40, v17;
	v30 =	vsub.f32 v23, v17  }
0x40: {  	v32 =	vperm.xlane v0, v41;
	v17 =	vsub.f32 v24, v17;
	v38 =	vsub.f32 v21, v31  }
0x41: {  	v18 =	vperm.xlane v0, v18;
	v37 =	vsub.f32 v63, v31;
	v42 =	vsub.f32 v61, v31  }
0x42: {  	v31 =	vperm.xlane v1, v20;
	v43 =	vsub.f32 v21, v32;
	v47 =	vsub.f32 v63, v32  }
0x43: {  	v20 =	vimm.s32 $0x9;
	v49 =	vsub.f32 v61, v32;
	v29 =	vsub.f32 v21, v18  }
0x44: {  	v32 =	vperm.xlane v1, v46;
	v34 =	vsub.f32 v63, v18;
	v35 =	vsub.f32 v61, v18  }
0x45: {  	v18 =	vperm.xlane v1, v41;
	v33 =	vperm.xlane v0, v20;
	v20 =	vimm.s32 $0x8  }
0x46: {  	v36 =	vsub.f32 v40, v28;
	v44 =	vperm.xlane v0, v20;
	v4 =	vmul.f32 v4, v4  }
0x47: {  	v39 =	vsub.f32 v23, v28;
	v5 =	vmul.f32 v5, v5;
	v7 =	vmul.f32 v7, v7  }
0x48: {  	v28 =	vsub.f32 v24, v28;
	v8 =	vmul.f32 v8, v8;
	v2 =	vmul.f32 v2, v2  }
0x49: {  	v50 =	vsub.f32 v40, v31;
	v3 =	vmul.f32 v3, v3;
	v6 =	vmul.f32 v6, v6  }
0x4a: {  	v55 =	vsub.f32 v24, v31;
	v9 =	vmul.f32 v9, v9;
	v11 =	vmul.f32 v11, v11  }
0x4b: {  	v14 =	vmul.f32 v14, v14;
	v41 =	vsub.f32 v40, v18;
	v45 =	vsub.f32 v23, v18  }
0x4c: {  	v17 =	vmul.f32 v17, v17;
	v48 =	vsub.f32 v24, v18;
	v52 =	vsub.f32 v21, v33  }
0x4d: {  	v18 =	vperm.xlane v1, v53;
	v53 =	vsub.f32 v23, v31;
	v54 =	vsub.f32 v63, v33  }
0x4e: {  	v28 =	vmul.f32 v28, v28;
	v56 =	vsub.f32 v61, v33;
	v62 =	vsub.f32 v21, v44  }
0x4f: {  	v31 =	vperm.xlane v1, v59;
	v20 =	vsub.f32 v63, v44;
	v4 =	vadd.f32 v5, v4  }
0x50: {  	v33 =	vperm.xlane v0, v59;
	v5 =	vsub.f32 v40, v32;
	v7 =	vadd.f32 v8, v7  }
0x51: {  	v57 =	vsub.f32 v40, v18;
	[tilespmem:$0x1FE40] =	vst v4;
	v4 =	vmul.f32 v10, v10;
	v10 =	vmul.f32 v12, v12  }
0x52: {  	v35 =	vmul.f32 v35, v35;
	v22 =	vsub.f32 v23, v18;
	v60 =	vsub.f32 v24, v18  }
0x53: {  	v18 =	vsub.f32 v61, v44;
	v44 =	vimm.s32 $0x6;
	v4 =	vadd.f32 v10, v4  }
0x54: {  	v8 =	vmul.f32 v15, v15;
	v59 =	vsub.f32 v23, v31;
	v44 =	vperm.xlane v0, v44;
	[tilespmem:$0x1FE50] =	vst v7  }
0x55: {  	v6 =	vadd.f32 v9, v6;
	v9 =	vsub.f32 v24, v32;
	[tilespmem:$0x1FE60] =	vst v4;
	v4 =	vmul.f32 v13, v13  }
0x56: {  	v7 =	vimm.s32 $0x5;
	[tilespmem:$0x1FD40] =	vst v59;
	v59 =	vsub.f32 v63, v33;
	v12 =	vsub.f32 v21, v44  }
0x57: {  	[tilespmem:$0x1FE90] =	vst v6;
	v6 =	vperm.xlane v0, v7;
	v13 =	vadd.f32 v3, v2;
	v2 =	vadd.f32 v8, v4  }
0x58: {  	v10 =	vsub.f32 v23, v32;
	[tilespmem:$0x1FD50] =	vst v59;
	v59 =	vmul.f32 v37, v37;
	v3 =	vperm.xlane v1, v7  }
0x59: {  	v15 =	vsub.f32 v63, v44;
	v4 =	vmul.f32 v19, v19;
	[tilespmem:$0x1FE70] =	vst v2;
	v2 =	vmul.f32 v16, v16  }
0x5a: {  	v19 =	vmul.f32 v25, v25;
	v25 =	vmul.f32 v26, v26;
	v26 =	vsub.f32 v40, v3  }
0x5b: {  	v32 =	vadd.f32 v4, v2;
	v2 =	vmul.f32 v27, v27;
	v27 =	vmul.f32 v29, v29  }
0x5c: {  	v16 =	vsub.f32 v61, v44;
	v44 =	vmul.f32 v43, v43;
	v4 =	vadd.f32 v25, v19  }
0x5d: {  	v29 =	vmul.f32 v30, v30;
	v30 =	vmul.f32 v34, v34;
	v19 =	vadd.f32 v27, v2  }
0x5e: {  	v43 =	vmul.f32 v48, v48;
	v27 =	vsub.f32 v23, v3;
	v2 =	vadd.f32 v14, v11  }
0x5f: {  	v7 =	vadd.f32 v30, v29;
	v29 =	vmul.f32 v36, v36;
	v30 =	vmul.f32 v38, v38  }
0x60: {  	v36 =	vsub.f32 v24, v3;
	v3 =	vmul.f32 v39, v39;
	v38 =	vmul.f32 v42, v42  }
0x61: {  	[tilespmem:$0x1FEC0] =	vst v4;
	v4 =	vimm.s32 $0x4;
	v39 =	vmul.f32 v45, v45;
	v42 =	vmul.f32 v47, v47  }
0x62: {  	[tilespmem:$0x1FF00] =	vst v7;
	v7 =	vadd.f32 v35, v17;
	v17 =	vperm.xlane v0, v4;
	v34 =	vadd.f32 v30, v29  }
0x63: {  	v30 =	vmul.f32 v41, v41;
	v35 =	vadd.f32 v59, v3;
	v59 =	vmul.f32 v49, v49  }
0x64: {  	v49 =	vadd.f32 v38, v28;
	v41 =	vadd.f32 v42, v39;
	v39 =	vmul.f32 v50, v50  }
0x65: {  	v42 =	vmul.f32 v52, v52;
	v3 =	vsub.f32 v21, v17;
	v38 =	vsub.f32 v63, v17  }
0x66: {  	v11 =	vperm.xlane v1, v4;
	v52 =	vadd.f32 v59, v43;
	v45 =	vsub.f32 v61, v17  }
0x67: {  	v17 =	vmul.f32 v53, v53;
	v59 =	vmul.f32 v54, v54;
	v4 =	vadd.f32 v42, v39  }
0x68: {  	v51 =	vsub.f32 v40, v31  }
0x69: {  	v62 =	vmul.f32 v62, v62;
	v53 =	vmul.f32 v57, v57;
	[tilespmem:$0x1FCE0] =	vst v4;
	v4 =	vadd.f32 v59, v17  }
0x6a: {  	v46 =	vsub.f32 v21, v33;
	v31 =	vsub.f32 v24, v31;
	v5 =	vmul.f32 v5, v5  }
0x6b: {  	v50 =	vmul.f32 v56, v56;
	v42 =	vmul.f32 v55, v55;
	[tilespmem:$0x1FCF0] =	vst v4;
	v4 =	vadd.f32 v62, v53  }
0x6c: {  	v9 =	vmul.f32 v9, v9;
	v12 =	vmul.f32 v12, v12;
	v8 =	vld [tilespmem:$0x1FD40];
	v37 =	vadd.f32 v44, v30  }
0x6d: {  	v44 =	vmul.f32 v20, v20;
	v17 =	vmul.f32 v22, v22;
	[tilespmem:$0x1FD00] =	vst v4;
	v4 =	vadd.f32 v50, v42  }
0x6e: {  	v10 =	vmul.f32 v10, v10;
	v15 =	vmul.f32 v15, v15;
	v25 =	vsub.f32 v21, v6  }
0x6f: {  	v56 =	vmul.f32 v60, v60;
	v57 =	vmul.f32 v18, v18;
	[tilespmem:$0x1FD10] =	vst v4;
	v4 =	vadd.f32 v44, v17  }
0x70: {  	v16 =	vmul.f32 v16, v16;
	v14 =	vsub.f32 v63, v6;
	v6 =	vsub.f32 v61, v6  }
0x71: {  	v47 =	vimm.s32 $0x3;
	[tilespmem:$0x1FD20] =	vst v4;
	v4 =	vadd.f32 v57, v56;
	v57 =	vmul.f32 v8, v8;
	v8 =	vld [tilespmem:$0x1FD50]  }
0x72: {  	v33 =	vsub.f32 v61, v33;
	v28 =	vperm.xlane v1, v47;
	v14 =	vmul.f32 v14, v14  }
0x73: {  	v6 =	vmul.f32 v6, v6;
	v29 =	vsub.f32 v40, v11;
	v43 =	vperm.xlane v0, v47  }
0x74: {  	v30 =	vsub.f32 v23, v11;
	v17 =	vmul.f32 v51, v51;
	[tilespmem:$0x1FD30] =	vst v4;
	v4 =	vmul.f32 v46, v46  }
0x75: {  	v11 =	vsub.f32 v24, v11;
	v39 =	vsub.f32 v40, v28;
	v20 =	vimm.s32 $0x2  }
0x76: {  	[tilespmem:$0x1FF20] =	vst v7;
	v7 =	vsub.f32 v24, v28;
	v4 =	vadd.f32 v4, v17;
	v59 =	vmul.f32 v8, v8  }
0x77: {  	v18 =	vmul.f32 v31, v31;
	v48 =	vsub.f32 v21, v43;
	v54 =	vsub.f32 v63, v43  }
0x78: {  	v60 =	vperm.xlane v1, v20;
	v43 =	vsub.f32 v61, v43;
	[tilespmem:$0x1FD60] =	vst v4;
	v4 =	vadd.f32 v59, v57  }
0x79: {  	v11 =	vmul.f32 v11, v11;
	v62 =	vperm.xlane v0, v20;
	v50 =	vsub.f32 v23, v28  }
0x7a: {  	v28 =	vsub.f32 v40, v60;
	v17 =	vmul.f32 v33, v33;
	[tilespmem:$0x1FD70] =	vst v4;
	v4 =	vadd.f32 v12, v5  }
0x7b: {  	v7 =	vmul.f32 v7, v7;
	v31 =	vsub.f32 v21, v62;
	v5 =	vadd.f32 v15, v10  }
0x7c: {  	v51 =	vsub.f32 v23, v60;
	v8 =	vimm.s32 $0x0;
	[tilespmem:$0x1FD80] =	vst v4;
	v4 =	vadd.f32 v17, v18  }
0x7d: {  	v10 =	vperm.xlane v0, v58;
	v15 =	vmul.f32 v25, v25;
	[tilespmem:$0x1FDA0] =	vst v5;
	v5 =	vadd.f32 v16, v9  }
0x7e: {  	v25 =	vsub.f32 v61, v62;
	v0 =	vperm.xlane v0, v8;
	v9 =	vsub.f32 v63, v62;
	[tilespmem:$0x1FD90] =	vst v4  }
0x7f: {  	v17 =	vsub.f32 v24, v60;
	v4 =	vperm.xlane v1, v58;
	[tilespmem:$0x1FDB0] =	vst v5;
	v5 =	vmul.f32 v26, v26  }
0x80: {  	v62 =	vsub.f32 v61, v10;
	v26 =	vmul.f32 v27, v27;
	v27 =	vperm.xlane v1, v8  }
0x81: {  	v8 =	vmul.f32 v54, v54;
	v9 =	vmul.f32 v9, v9;
	v1 =	vadd.f32 v15, v5  }
0x82: {  	v42 =	vsub.f32 v40, v4;
	v5 =	vmul.f32 v29, v29;
	v15 =	vadd.f32 v14, v26  }
0x83: {  	v26 =	vsub.f32 v21, v10;
	v14 =	vmul.f32 v36, v36;
	v36 =	vsub.f32 v23, v4  }
0x84: {  	v29 =	vmul.f32 v38, v38;
	v38 =	vsub.f32 v63, v10;
	[tilespmem:$0x1FDC0] =	vst v1;
	v1 =	vmul.f32 v3, v3  }
0x85: {  	v60 =	vsub.f32 v24, v4;
	v10 =	vmul.f32 v39, v39;
	v12 =	vadd.f32 v6, v14  }
0x86: {  	v6 =	vmul.f32 v45, v45;
	v33 =	vadd.f32 v1, v5;
	v1 =	vmul.f32 v30, v30  }
0x87: {  	v4 =	vmul.f32 v48, v48;
	v3 =	vsub.f32 v40, v27;
	v36 =	vmul.f32 v36, v36  }
0x88: {  	v14 =	vadd.f32 v29, v1;
	v1 =	vadd.f32 v6, v11;
	v6 =	vmul.f32 v50, v50  }
0x89: {  	v38 =	vmul.f32 v38, v38;
	v58 =	vmul.f32 v3, v3  }
0x8a: {  	[tilespmem:$0x1FDD0] =	vst v40;
	v48 =	vld [tilespmem:s28+$0x1880];
	v40 =	vadd.f32 v8, v6;
	v8 =	vmul.f32 v43, v43;
	v6 =	vmul.f32 v51, v51  }
0x8b: {  	v29 =	vadd.f32 v4, v10;
	v4 =	vmul.f32 v31, v31;
	v31 =	vsub.f32 v23, v27  }
0x8c: {  	v10 =	vmul.f32 v28, v28;
	v18 =	vadd.f32 v8, v7;
	v8 =	vadd.f32 v9, v6  }
0x8d: {  	v44 =	vld [tilespmem:s26+$0x500];
	v9 =	vsub.f32 v24, v27;
	v6 =	vmul.f32 v42, v42;
	v27 =	vmul.f32 v26, v26  }
0x8e: {  	v3 =	vimm.s32 $0xE;
	v28 =	vadd.f32 v4, v10;
	v4 =	vimm.s32 $0xF  }
0x8f: {  	v26 =	vld [tilespmem:s26+$0x510];
	v51 =	vadd.f32 v27, v6;
	v6 =	vperm.xlane v48, v3;
	v3 =	vadd.f32 v38, v36  }
0x90: {  	v10 =	vperm.xlane v48, v4;
	v27 =	vld [tilespmem:s26+$0x520]  }
0x91: {  	v59 =	vmul.f32 v60, v60;
	v4 =	vmul.f32 v17, v17;
	[tilespmem:$0x1FE30] =	vst v3;
	v3 =	vld [tilespmem:$0x1FE40]  }
0x92: {  	v17 =	vmul.f32 v62, v62;
	v7 =	vmul.f32 v25, v25;
	v60 =	vsub.f32 v44, v10  }
0x93: {  	v57 =	vsub.f32 v63, v0  }
0x94: {  	[tilespmem:$0x1FE00] =	vst v63;
	v11 =	vadd.f32 v7, v4;
	v7 =	vadd.f32 v17, v59;
	v63 =	vmul.f32 v60, v60  }
0x95: {  	v62 =	vmul.f32 v9, v9;
	v17 =	vsub.f32 v26, v10;
	v9 =	vsub.f32 v27, v10;
	v10 =	vld [tilespmem:$0x1FE70]  }
0x96: {  	[tilespmem:$0x1FDF0] =	vst v23;
	v38 =	vsub.f32 v26, v6;
	v23 =	vadd.f32 v63, v3;
	v3 =	vld [tilespmem:$0x1FE50]  }
0x97: {  	v54 =	vsub.f32 v21, v0  }
0x98: {  	v42 =	vmul.f32 v38, v38  }
0x99: {  	v0 =	vsub.f32 v61, v0;
	v39 =	vmul.f32 v54, v54;
	v36 =	vmul.f32 v17, v17  }
0x9a: {  	[tilespmem:$0x1FE20] =	vst v61;
	v61 =	vmul.f32 v57, v57;
	v31 =	vmul.f32 v31, v31;
	v10 =	vadd.f32 v42, v10  }
0x9b: {  	[tilespmem:$0x1FE10] =	vst v24;
	v0 =	vmul.f32 v0, v0;
	v24 =	vadd.f32 v39, v58;
	v22 =	vadd.f32 v36, v3;
	v3 =	vld [tilespmem:$0x1FE60]  }
0x9c: {  	v25 =	vadd.f32 v61, v31;
	v31 =	vsub.f32 v44, v6;
	[tilespmem:$0x1FE80] =	vst v10;
	v10 =	vld [tilespmem:$0x1FE90]  }
0x9d: {  	v39 =	vadd.f32 v0, v62;
	v0 =	vimm.s32 $0xD;
	v6 =	vsub.f32 v27, v6  }
0x9e: {  	v0 =	vperm.xlane v48, v0;
	v31 =	vmul.f32 v31, v31  }
0x9f: {  	v6 =	vmul.f32 v6, v6  }
0xa0: {  	v4 =	vsub.f32 v44, v0;
	v62 =	vadd.f32 v31, v3;
	v3 =	vimm.s32 $0xC  }
0xa1: {  	v9 =	vmul.f32 v9, v9;
	v6 =	vadd.f32 v6, v10;
	v31 =	vperm.xlane v48, v3  }
0xa2: {  	v4 =	vmul.f32 v4, v4;
	v3 =	vsub.f32 v26, v0  }
0xa3: {  	v9 =	vadd.f32 v9, v13;
	[tilespmem:$0x1FEA0] =	vst v6;
	v6 =	vimm.s32 $0xB;
	v17 =	vsub.f32 v44, v31  }
0xa4: {  	v13 =	vperm.xlane v48, v6;
	v6 =	vmul.f32 v3, v3;
	v3 =	vadd.f32 v4, v32;
	_ =	sdelay $0x1  }
0xa5: {  	[tilespmem:$0x1FEB0] =	vst v3;
	v3 =	vmul.f32 v17, v17;
	_ =	sdelay $0x1  }
0xa6: {  	v3 =	vadd.f32 v3, v19;
	_ =	sdelay $0x1  }
0xa7: {  	v0 =	vsub.f32 v27, v0;
	v4 =	vld [tilespmem:$0x1FEC0];
	[tilespmem:$0x1FEE0] =	vst v3;
	v3 =	vsub.f32 v44, v13;
	_ =	sdelay $0x1  }
0xa8: {  	v0 =	vmul.f32 v0, v0;
	v19 =	vmul.f32 v3, v3;
	v3 =	vld [tilespmem:$0x1FF00]  }
0xa9: {  	v43 =	vsub.f32 v26, v31  }
0xaa: {  	v46 =	vimm.s32 $0x8;
	v16 =	vimm.s32 $0x0;
	v0 =	vadd.f32 v0, v2  }
0xab: {  	v5 =	vimm.s32 $0x1;
	v2 =	vmul.f32 v43, v43;
	v4 =	vadd.f32 v6, v4  }
0xac: {  	v59 =	vperm.xlane v48, v20;
	v63 =	vperm.xlane v48, v47;
	[tilespmem:$0x1FEF0] =	vst v0;
	v0 =	vsub.f32 v26, v13  }
0xad: {  	v31 =	vsub.f32 v27, v31;
	[tilespmem:$0x1FED0] =	vst v4;
	v4 =	vimm.s32 $0xA;
	v2 =	vadd.f32 v2, v3;
	v3 =	vld [tilespmem:$0x1FF20]  }
0xae: {  	v47 =	vsub.f32 v26, v59;
	v0 =	vmul.f32 v0, v0;
	v6 =	vperm.xlane v48, v4  }
0xaf: {  	v36 =	vsub.f32 v27, v63;
	v17 =	vmul.f32 v31, v31;
	v13 =	vsub.f32 v27, v13  }
0xb0: {  	v35 =	vadd.f32 v0, v35;
	v0 =	vperm.xlane v48, v46;
	[tilespmem:$0x1FF10] =	vst v2;
	v2 =	vsub.f32 v44, v6  }
0xb1: {  	v13 =	vmul.f32 v13, v13;
	v34 =	vadd.f32 v19, v34;
	v19 =	vsub.f32 v26, v6  }
0xb2: {  	v6 =	vsub.f32 v27, v6;
	v2 =	vmul.f32 v2, v2;
	v3 =	vadd.f32 v17, v3  }
0xb3: {  	v46 =	vadd.f32 v13, v49;
	v32 =	vsub.f32 v26, v0;
	v19 =	vmul.f32 v19, v19  }
0xb4: {  	v37 =	vadd.f32 v2, v37;
	v2 =	vmul.f32 v6, v6;
	[tilespmem:$0x1FF30] =	vst v3;
	v3 =	vimm.s32 $0x9  }
0xb5: {  	v41 =	vadd.f32 v19, v41;
	v6 =	vsub.f32 v44, v0;
	v31 =	vperm.xlane v48, v3  }
0xb6: {  	[tilespmem:$0x1FDE0] =	vst v21;
	v3 =	vimm.s32 $0x7;
	v21 =	vadd.f32 v2, v52;
	v2 =	vimm.s32 $0x6  }
0xb7: {  	v0 =	vsub.f32 v27, v0;
	v19 =	vperm.xlane v48, v3;
	v2 =	vperm.xlane v48, v2  }
0xb8: {  	v6 =	vmul.f32 v6, v6;
	v56 =	vsub.f32 v44, v31;
	v13 =	vsub.f32 v26, v31  }
0xb9: {  	v3 =	vimm.s32 $0x5;
	v43 =	vsub.f32 v44, v19;
	v57 =	vsub.f32 v44, v2  }
0xba: {  	v58 =	vsub.f32 v26, v2;
	v4 =	vsub.f32 v27, v2;
	v2 =	vperm.xlane v48, v5  }
0xbb: {  	v45 =	vsub.f32 v26, v19;
	v60 =	vsub.f32 v27, v19;
	v19 =	vperm.xlane v48, v3  }
0xbc: {  	v3 =	vimm.s32 $0x4;
	v50 =	vmul.f32 v4, v4;
	v4 =	vsub.f32 v44, v2  }
0xbd: {  	v31 =	vsub.f32 v27, v31;
	v61 =	vperm.xlane v48, v3;
	v3 =	vperm.xlane v48, v16  }
0xbe: {  	v16 =	vmul.f32 v32, v32;
	v32 =	vsub.f32 v44, v63;
	[tilespmem:$0x1FF40] =	vst v4;
	v4 =	vsub.f32 v26, v2  }
0xbf: {  	v20 =	vmovc v9;
	v9 =	vmul.f32 v31, v31;
	v31 =	vsub.f32 v26, v63;
	v63 =	vsub.f32 v44, v59  }
0xc0: {  	v17 =	vmul.f32 v0, v0;
	v42 =	vsub.f32 v44, v19;
	[tilespmem:$0x1FF50] =	vst v4;
	v4 =	vsub.f32 v44, v3  }
0xc1: {  	v5 =	vmul.f32 v56, v56;
	v49 =	vsub.f32 v26, v19;
	v2 =	vsub.f32 v27, v2  }
0xc2: {  	v10 =	vmul.f32 v13, v13;
	v52 =	vsub.f32 v27, v19;
	[tilespmem:$0x1FF70] =	vst v4;
	v4 =	vsub.f32 v26, v3  }
0xc3: {  	v0 =	vmul.f32 v43, v43;
	v19 =	vmul.f32 v45, v45;
	[tilespmem:$0x1FF60] =	vst v2;
	v3 =	vsub.f32 v27, v3  }
0xc4: {  	v13 =	vmul.f32 v60, v60;
	v45 =	vsub.f32 v27, v59;
	v43 =	vmul.f32 v57, v57;
	[tilespmem:$0x1FF80] =	vst v4  }
0xc5: {  	v48 =	vmul.f32 v58, v58;
	v53 =	vsub.f32 v44, v61;
	[tilespmem:$0x1FF90] =	vst v3;
	v3 =	vimm.f32 $1.000000020e+30  }
0xc6: {  	v56 =	vsub.f32 v26, v61;
	v55 =	vmul.f32 v42, v42;
	[tilespmem:$0x1FFA0] =	vst v3;
	v3 =	vimm.f32 $1.000000020e+30  }
0xc7: {  	v57 =	vmul.f32 v49, v49;
	v59 =	vmul.f32 v53, v53;
	[tilespmem:$0x1FFB0] =	vst v3;
	v3 =	vimm.f32 $1.000000020e+30  }
0xc8: {  	s26 =	simm.s32 $0x40;
	v30 =	vsub.f32 v27, v61;
	v58 =	vmul.f32 v56, v56;
	v2 =	vmul.f32 v52, v52;
	[tilespmem:$0x1FFC0] =	vst v3  }
.LBB2_3:
0xc9: {  	v3 =	vld [tilespmem:$0x1FCE0];
	_ =	sdelay $0x4  }
0xca: {  	v52 =	vadd.f32 v5, v3;
	v3 =	vld [tilespmem:$0x1FCF0];
	_ =	sdelay $0x4  }
0xcb: {  	v49 =	vadd.f32 v10, v3;
	v3 =	vld [tilespmem:$0x1FD00];
	_ =	sdelay $0x4  }
0xcc: {  	v54 =	vadd.f32 v6, v3;
	v3 =	vld [tilespmem:$0x1FD10];
	_ =	sdelay $0x4  }
0xcd: {  	v56 =	vadd.f32 v9, v3;
	v3 =	vld [tilespmem:$0x1FD20];
	_ =	sdelay $0x4  }
0xce: {  	v61 =	vmul.f32 v31, v31;
	v31 =	vadd.f32 v16, v3;
	v3 =	vld [tilespmem:$0x1FD30];
	_ =	sdelay $0x4  }
0xcf: {  	v42 =	vmul.f32 v32, v32;
	v32 =	vadd.f32 v17, v3;
	v3 =	vld [tilespmem:$0x1FD60];
	_ =	sdelay $0x4  }
0xd0: {  	v0 =	vadd.f32 v0, v3;
	v3 =	vld [tilespmem:$0x1FD70];
	_ =	sdelay $0x4  }
0xd1: {  	v19 =	vadd.f32 v19, v3;
	v3 =	vld [tilespmem:$0x1FD80];
	_ =	sdelay $0x4  }
0xd2: {  	v43 =	vadd.f32 v43, v3;
	v3 =	vld [tilespmem:$0x1FD90];
	_ =	sdelay $0x4  }
0xd3: {  	v13 =	vadd.f32 v13, v3;
	v3 =	vld [tilespmem:$0x1FDA0];
	_ =	sdelay $0x4  }
0xd4: {  	v48 =	vadd.f32 v48, v3;
	v3 =	vld [tilespmem:$0x1FDB0];
	_ =	sdelay $0x3  }
0xd5: {  	v4 =	vld [tilespmem:$0x1FF40]  }
0xd6: {  	v16 =	vadd.f32 v50, v3;
	v3 =	vld [tilespmem:$0x1FDC0];
	_ =	sdelay $0x3  }
0xd7: {  	v9 =	vld [tilespmem:$0x1FF80];
	v17 =	vmul.f32 v47, v47  }
0xd8: {  	v55 =	vadd.f32 v55, v3;
	v3 =	vadd.f32 v57, v15;
	v57 =	vmul.f32 v4, v4;
	v4 =	vld [tilespmem:$0x1FF50];
	_ =	sdelay $0x1  }
0xd9: {  	v10 =	vadd.f32 v17, v8;
	v8 =	vld [tilespmem:$0x1FF60];
	_ =	sdelay $0x1  }
0xda: {  	v38 =	vmul.f32 v36, v36;
	v36 =	vmul.f32 v9, v9;
	v9 =	vld [tilespmem:$0x1FF90]  }
0xdb: {  	v6 =	vmul.f32 v4, v4;
	v4 =	vld [tilespmem:$0x1FF70];
	_ =	sdelay $0x1  }
0xdc: {  	v17 =	vmul.f32 v8, v8  }
0xdd: {  	v60 =	vmul.f32 v30, v30  }
0xde: {  	v30 =	vadd.f32 v38, v18;
	v38 =	vmul.f32 v9, v9;
	v9 =	vadd.f32 v17, v7;
	v7 =	vld [tilespmem:$0x1FFA0]  }
0xdf: {  	v4 =	vmul.f32 v4, v4;
	_ =	sdelay $0x1  }
0xe0: {  	v4 =	vadd.f32 v4, v24  }
0xe1: {  	v8 =	vld [tilespmem:$0x1FE30];
	v50 =	vmul.f32 v45, v45  }
0xe2: {  	v2 =	vadd.f32 v2, v12;
	v63 =	vmul.f32 v63, v63;
	v4 =	vmin.f32 v7, v4;
	v7 =	vld [tilespmem:$0x1FFB0]  }
0xe3: {  	v12 =	vadd.f32 v50, v11;
	v11 =	vadd.f32 v57, v51  }
0xe4: {  	v42 =	vadd.f32 v42, v29;
	v29 =	vadd.f32 v63, v28  }
0xe5: {  	v5 =	vadd.f32 v59, v33;
	v33 =	vadd.f32 v36, v25;
	v4 =	vmin.f32 v4, v11  }
0xe6: {  	v6 =	vadd.f32 v6, v8;
	v4 =	vmin.f32 v4, v29  }
0xe7: {  	v4 =	vmin.f32 v4, v42;
	v17 =	vmin.f32 v7, v33  }
0xe8: {  	v61 =	vadd.f32 v61, v40;
	v4 =	vmin.f32 v4, v5;
	v7 =	vld [tilespmem:$0x1FFC0];
	v6 =	vmin.f32 v17, v6  }
0xe9: {  	v15 =	vadd.f32 v58, v14;
	v4 =	vmin.f32 v4, v55;
	v6 =	vmin.f32 v6, v10  }
0xea: {  	v4 =	vmin.f32 v4, v43;
	v6 =	vmin.f32 v6, v61  }
0xeb: {  	v40 =	vadd.f32 v38, v39;
	v0 =	vmin.f32 v4, v0;
	v4 =	vld [tilespmem:$0x1FEE0];
	v5 =	vmin.f32 v6, v15  }
0xec: {  	v0 =	vmin.f32 v0, v54;
	v3 =	vmin.f32 v5, v3;
	v5 =	vld [tilespmem:$0x1FEB0]  }
0xed: {  	s28 =	sshra.s32 s26, $0x2;
	v0 =	vmin.f32 v0, v52;
	v28 =	vmin.f32 v7, v40  }
0xee: {  	v14 =	vadd.f32 v60, v1;
	v1 =	vld [tilespmem:s28+$0x1880];
	v0 =	vmin.f32 v0, v37;
	v9 =	vmin.f32 v28, v9  }
0xef: {  	v3 =	vmin.f32 v3, v48;
	v0 =	vmin.f32 v0, v34;
	v9 =	vmin.f32 v9, v12  }
0xf0: {  	v3 =	vmin.f32 v3, v19;
	v4 =	vmin.f32 v0, v4;
	v0 =	vld [tilespmem:$0x1FF10];
	v9 =	vmin.f32 v9, v30  }
0xf1: {  	v3 =	vmin.f32 v3, v31;
	v6 =	vmin.f32 v9, v14;
	v4 =	vmin.f32 v4, v5;
	v5 =	vld [tilespmem:$0x1FED0]  }
0xf2: {  	v18 =	vimm.s32 $0xF;
	v3 =	vmin.f32 v3, v49;
	v2 =	vmin.f32 v6, v2;
	v6 =	vld [tilespmem:$0x1FE80]  }
0xf3: {  	v53 =	vmov v62;
	v38 =	vperm.xlane v1, v18;
	v3 =	vmin.f32 v3, v41  }
0xf4: {  	v2 =	vmin.f32 v2, v16;
	v3 =	vmin.f32 v3, v35;
	v4 =	vmin.f32 v4, v53  }
0xf5: {  	v2 =	vmin.f32 v2, v13;
	v3 =	vmin.f32 v3, v0;
	v0 =	vld [tilespmem:$0x1FF30];
	v4 =	vmin.f32 v4, v23  }
0xf6: {  	v2 =	vmin.f32 v2, v32;
	[tilespmem:$0x1FFA0] =	vst v4;
	v4 =	vsub.f32 v44, v38;
	v3 =	vmin.f32 v3, v5;
	v5 =	vld [tilespmem:$0x1FEF0]  }
0xf7: {  	v8 =	vimm.s32 $0xD;
	v2 =	vmin.f32 v2, v56;
	v3 =	vmin.f32 v3, v6;
	v6 =	vld [tilespmem:$0x1FEA0]  }
0xf8: {  	v2 =	vmin.f32 v2, v21;
	[tilespmem:$0x1F3B0] =	vst v4;
	v4 =	vperm.xlane v1, v8  }
0xf9: {  	v2 =	vmin.f32 v2, v46  }
0xfa: {  	v2 =	vmin.f32 v2, v0;
	v3 =	vmin.f32 v3, v22;
	v53 =	vsub.f32 v44, v4  }
0xfb: {  	v25 =	vld [tilespmem:$0x1FDD0];
	v11 =	vsub.f32 v26, v4;
	v4 =	vsub.f32 v27, v4;
	v5 =	vmin.f32 v2, v5  }
0xfc: {  	[tilespmem:$0x1FFB0] =	vst v3;
	v2 =	vld [tilespmem:s28+$0x1000];
	v5 =	vmin.f32 v5, v6  }
0xfd: {  	v42 =	vld [tilespmem:$0x1FE00];
	v7 =	vimm.s32 $0xE;
	v9 =	vimm.s32 $0xC;
	[tilespmem:$0x1F3E0] =	vst v4;
	v3 =	vmin.f32 v5, v20  }
0xfe: {  	v0 =	vld [tilespmem:s28+$0x780];
	v4 =	vperm.xlane v1, v9;
	v5 =	vsub.f32 v27, v38;
	[tilespmem:$0x1FFC0] =	vst v3;
	v3 =	vperm.xlane v1, v7  }
0xff: {  	v37 =	vld [tilespmem:$0x1FDE0]  }
0x100: {  	v45 =	vld [tilespmem:$0x1FE10];
	v15 =	vsub.f32 v26, v4;
	[tilespmem:$0x1F3C0] =	vst v5;
	v5 =	vsub.f32 v44, v3  }
0x101: {  	v41 =	vld [tilespmem:$0x1FDF0];
	v6 =	vsub.f32 v26, v3;
	v22 =	vsub.f32 v27, v3;
	v3 =	vperm.xlane v2, v18;
	_ =	sdelay $0x1  }
0x102: {  	v58 =	vld [tilespmem:$0x1FE20];
	v10 =	vperm.xlane v0, v18;
	v13 =	vperm.xlane v0, v7;
	[tilespmem:$0x1F420] =	vst v15;
	v14 =	vsub.f32 v42, v3  }
0x103: {  	v23 =	vsub.f32 v26, v38;
	[tilespmem:$0x1F3D0] =	vst v6;
	v12 =	vsub.f32 v37, v3  }
0x104: {  	v15 =	vsub.f32 v25, v13;
	[tilespmem:$0x1F400] =	vst v14;
	v14 =	vperm.xlane v2, v7;
	v7 =	vsub.f32 v45, v10  }
0x105: {  	v6 =	vsub.f32 v25, v10;
	[tilespmem:$0x1F3F0] =	vst v12;
	v12 =	vsub.f32 v41, v10  }
0x106: {  	v10 =	vimm.s32 $0xB;
	[tilespmem:$0x1F410] =	vst v7;
	v7 =	vsub.f32 v44, v4;
	v4 =	vsub.f32 v27, v4  }
0x107: {  	[tilespmem:$0x1F440] =	vst v15;
	v15 =	vperm.xlane v2, v8;
	v57 =	vsub.f32 v58, v3;
	v3 =	vperm.xlane v1, v10  }
0x108: {  	v38 =	vsub.f32 v42, v14;
	[tilespmem:$0x1F430] =	vst v4;
	v4 =	vperm.xlane v0, v8;
	v8 =	vsub.f32 v37, v14  }
0x109: {  	v17 =	vsub.f32 v58, v14;
	v14 =	vsub.f32 v26, v3  }
0x10a: {  	v55 =	vsub.f32 v58, v15;
	[tilespmem:$0x1F450] =	vst v8;
	v8 =	vsub.f32 v41, v13  }
0x10b: {  	v24 =	vsub.f32 v44, v3;
	v13 =	vsub.f32 v45, v13;
	[tilespmem:$0x1F480] =	vst v14  }
0x10c: {  	v46 =	vsub.f32 v27, v3;
	v3 =	vperm.xlane v2, v9;
	v18 =	vsub.f32 v25, v4;
	[tilespmem:$0x1F460] =	vst v8  }
0x10d: {  	v19 =	vsub.f32 v41, v4;
	v4 =	vsub.f32 v45, v4;
	[tilespmem:$0x1F470] =	vst v13  }
0x10e: {  	v20 =	vsub.f32 v37, v3;
	v32 =	vsub.f32 v58, v3;
	[tilespmem:$0x1F490] =	vst v18  }
0x10f: {  	v8 =	vimm.s32 $0xA;
	v13 =	vperm.xlane v0, v9;
	v18 =	vsub.f32 v37, v15;
	[tilespmem:$0x1F4B0] =	vst v19  }
0x110: {  	v9 =	vimm.s32 $0x9;
	v19 =	vsub.f32 v42, v15;
	[tilespmem:$0x1F4D0] =	vst v4;
	v16 =	vperm.xlane v1, v8  }
0x111: {  	v14 =	vperm.xlane v1, v9;
	[tilespmem:$0x1F4A0] =	vst v18;
	v18 =	vperm.xlane v0, v10;
	v4 =	vsub.f32 v41, v13  }
0x112: {  	[tilespmem:$0x1F4C0] =	vst v19;
	v19 =	vperm.xlane v2, v10;
	v10 =	vimm.s32 $0x8;
	v63 =	vsub.f32 v25, v13  }
0x113: {  	v15 =	vperm.xlane v1, v10;
	v21 =	vsub.f32 v44, v16;
	[tilespmem:$0x1F4E0] =	vst v4;
	v4 =	vsub.f32 v42, v3  }
0x114: {  	v62 =	vsub.f32 v26, v16;
	v30 =	vperm.xlane v0, v10;
	v10 =	vsub.f32 v41, v18  }
0x115: {  	v28 =	vperm.xlane v0, v8;
	v52 =	vsub.f32 v27, v16;
	[tilespmem:$0x1F4F0] =	vst v4;
	v4 =	vsub.f32 v45, v13  }
0x116: {  	v3 =	vperm.xlane v2, v9;
	v13 =	vperm.xlane v0, v9;
	v9 =	vsub.f32 v25, v18;
	[tilespmem:$0x1F530] =	vst v10  }
0x117: {  	v16 =	vperm.xlane v2, v8;
	v40 =	vsub.f32 v58, v19;
	v10 =	vsub.f32 v42, v19;
	[tilespmem:$0x1F500] =	vst v4  }
0x118: {  	v8 =	vimm.s32 $0x7;
	v54 =	vsub.f32 v44, v15;
	[tilespmem:$0x1F510] =	vst v9;
	v9 =	vsub.f32 v37, v19  }
0x119: {  	v29 =	vperm.xlane v1, v8;
	v59 =	vsub.f32 v26, v15;
	[tilespmem:$0x1F540] =	vst v10;
	v10 =	vsub.f32 v27, v15  }
0x11a: {  	v19 =	vperm.xlane v0, v8;
	v15 =	vperm.xlane v2, v8;
	v8 =	vsub.f32 v37, v16;
	[tilespmem:$0x1F520] =	vst v9  }
0x11b: {  	v9 =	vimm.s32 $0x8;
	[tilespmem:$0x1F560] =	vst v10;
	v10 =	vsub.f32 v42, v16  }
0x11c: {  	v39 =	vsub.f32 v44, v14;
	[tilespmem:$0x1F570] =	vst v8;
	v47 =	vperm.xlane v2, v9;
	v9 =	vsub.f32 v45, v18  }
0x11d: {  	v49 =	vsub.f32 v26, v14;
	[tilespmem:$0x1F590] =	vst v10;
	v10 =	vsub.f32 v45, v28  }
0x11e: {  	v60 =	vsub.f32 v27, v14;
	v8 =	vsub.f32 v41, v28;
	[tilespmem:$0x1F550] =	vst v9;
	v9 =	vimm.s32 $0x5  }
0x11f: {  	v4 =	vimm.s32 $0x6;
	v18 =	vperm.xlane v1, v9;
	[tilespmem:$0x1F5A0] =	vst v10;
	v10 =	vsub.f32 v44, v29  }
0x120: {  	[tilespmem:$0x1F580] =	vst v8;
	v35 =	vperm.xlane v0, v9;
	v36 =	vperm.xlane v2, v9;
	v9 =	vsub.f32 v45, v13  }
0x121: {  	v61 =	vsub.f32 v25, v28;
	v14 =	vperm.xlane v1, v4;
	[tilespmem:$0x1FAA0] =	vst v10;
	v10 =	vsub.f32 v58, v16  }
0x122: {  	v28 =	vperm.xlane v0, v4;
	v16 =	vperm.xlane v2, v4;
	v4 =	vsub.f32 v26, v29;
	[tilespmem:$0x1F600] =	vst v9  }
0x123: {  	v9 =	vsub.f32 v44, v14;
	[tilespmem:$0x1F5B0] =	vst v10  }
0x124: {  	[tilespmem:$0x1FAD0] =	vst v4;
	v4 =	vsub.f32 v27, v29  }
0x125: {  	v10 =	vsub.f32 v25, v13;
	[tilespmem:$0x1FB20] =	vst v9  }
0x126: {  	v9 =	vsub.f32 v26, v14;
	[tilespmem:$0x1FAE0] =	vst v4  }
0x127: {  	v4 =	vimm.s32 $0x3;
	[tilespmem:$0x1F5C0] =	vst v10;
	v10 =	vsub.f32 v37, v3  }
0x128: {  	[tilespmem:$0x1FB50] =	vst v9;
	v9 =	vsub.f32 v27, v14;
	v29 =	vperm.xlane v1, v4  }
0x129: {  	v31 =	vperm.xlane v0, v4;
	v33 =	vperm.xlane v2, v4;
	v4 =	vsub.f32 v26, v18;
	[tilespmem:$0x1F5D0] =	vst v10  }
0x12a: {  	v10 =	vsub.f32 v41, v13;
	[tilespmem:$0x1FB80] =	vst v9  }
0x12b: {  	v9 =	vsub.f32 v37, v47;
	[tilespmem:$0x1FC00] =	vst v4  }
0x12c: {  	[tilespmem:$0x1F5E0] =	vst v10;
	v10 =	vsub.f32 v42, v3  }
0x12d: {  	v3 =	vsub.f32 v58, v3;
	[tilespmem:$0x1F620] =	vst v9  }
0x12e: {  	[tilespmem:$0x1F5F0] =	vst v10;
	v10 =	vsub.f32 v42, v47  }
0x12f: {  	v9 =	vsub.f32 v41, v30;
	[tilespmem:$0x1F610] =	vst v3  }
0x130: {  	v8 =	vimm.s32 $0x4;
	[tilespmem:$0x1F640] =	vst v10;
	v10 =	vsub.f32 v45, v30  }
0x131: {  	v34 =	vperm.xlane v1, v8;
	v56 =	vperm.xlane v0, v8;
	v4 =	vsub.f32 v27, v18;
	[tilespmem:$0x1F630] =	vst v9  }
0x132: {  	v3 =	vimm.s32 $0x2;
	v9 =	vimm.s32 $0x1;
	[tilespmem:$0x1F650] =	vst v10;
	v10 =	vsub.f32 v44, v18  }
0x133: {  	[tilespmem:$0x1FC30] =	vst v4;
	v4 =	vimm.s32 $0x0;
	v13 =	vperm.xlane v1, v3;
	v51 =	vperm.xlane v1, v9  }
0x134: {  	[tilespmem:$0x1FBD0] =	vst v10;
	v10 =	vsub.f32 v58, v47;
	v47 =	vperm.xlane v1, v4;
	v1 =	vsub.f32 v37, v15  }
0x135: {  	v43 =	vperm.xlane v0, v3;
	v50 =	vperm.xlane v2, v3;
	v3 =	vsub.f32 v45, v19  }
0x136: {  	v48 =	vperm.xlane v2, v9;
	v18 =	vsub.f32 v25, v19;
	[tilespmem:$0x1F670] =	vst v1;
	v1 =	vsub.f32 v41, v19  }
0x137: {  	v19 =	vperm.xlane v0, v9;
	v9 =	vperm.xlane v0, v4;
	v0 =	vsub.f32 v37, v16;
	_ =	sdelay $0x1  }
0x138: {  	[tilespmem:$0x1F6A0] =	vst v0;
	v0 =	vsub.f32 v41, v28;
	_ =	sdelay $0x1  }
0x139: {  	[tilespmem:$0x1F6B0] =	vst v0;
	v0 =	vsub.f32 v42, v16;
	_ =	sdelay $0x1  }
0x13a: {  	[tilespmem:$0x1F6C0] =	vst v0;
	v0 =	vld [tilespmem:$0x1F3B0];
	_ =	sdelay $0x4  }
0x13b: {  	v0 =	vmul.f32 v0, v0;
	_ =	sdelay $0x1  }
0x13c: {  	[tilespmem:$0x1FAF0] =	vst v0;
	v0 =	vmul.f32 v23, v23;
	_ =	sdelay $0x1  }
0x13d: {  	[tilespmem:$0x1FB00] =	vst v0;
	v0 =	vsub.f32 v44, v29;
	_ =	sdelay $0x1  }
0x13e: {  	[tilespmem:$0x1FA90] =	vst v0;
	v0 =	vmul.f32 v5, v5;
	_ =	sdelay $0x1  }
0x13f: {  	[tilespmem:$0x1FB30] =	vst v0;
	v0 =	vld [tilespmem:$0x1F3C0];
	_ =	sdelay $0x4  }
0x140: {  	v0 =	vmul.f32 v0, v0;
	_ =	sdelay $0x1  }
0x141: {  	[tilespmem:$0x1FB40] =	vst v0;
	v0 =	vsub.f32 v26, v29;
	_ =	sdelay $0x1  }
0x142: {  	[tilespmem:$0x1FA40] =	vst v0;
	v0 =	vld [tilespmem:$0x1F3D0];
	_ =	sdelay $0x4  }
0x143: {  	v0 =	vmul.f32 v0, v0;
	_ =	sdelay $0x1  }
0x144: {  	[tilespmem:$0x1FB60] =	vst v0;
	v0 =	vmul.f32 v22, v22;
	_ =	sdelay $0x1  }
0x145: {  	[tilespmem:$0x1FB70] =	vst v0;
	v0 =	vsub.f32 v27, v29;
	_ =	sdelay $0x1  }
0x146: {  	[tilespmem:$0x1FB10] =	vst v0;
	v0 =	vmul.f32 v53, v53;
	_ =	sdelay $0x1  }
0x147: {  	[tilespmem:$0x1FB90] =	vst v0;
	v0 =	vmul.f32 v11, v11;
	_ =	sdelay $0x1  }
0x148: {  	[tilespmem:$0x1FBB0] =	vst v0;
	v0 =	vld [tilespmem:$0x1F3E0];
	_ =	sdelay $0x4  }
0x149: {  	v0 =	vmul.f32 v0, v0;
	_ =	sdelay $0x1  }
0x14a: {  	[tilespmem:$0x1FBF0] =	vst v0;
	v0 =	vld [tilespmem:$0x1F3F0];
	_ =	sdelay $0x4  }
0x14b: {  	v0 =	vmul.f32 v0, v0;
	_ =	sdelay $0x1  }
0x14c: {  	[tilespmem:$0x1F720] =	vst v0;
	v0 =	vmul.f32 v12, v12;
	_ =	sdelay $0x1  }
0x14d: {  	[tilespmem:$0x1F730] =	vst v0;
	v0 =	vsub.f32 v41, v35;
	_ =	sdelay $0x1  }
0x14e: {  	[tilespmem:$0x1F6D0] =	vst v0;
	v0 =	vld [tilespmem:$0x1F400];
	_ =	sdelay $0x4  }
0x14f: {  	v0 =	vmul.f32 v0, v0;
	_ =	sdelay $0x1  }
0x150: {  	[tilespmem:$0x1F740] =	vst v0;
	v0 =	vld [tilespmem:$0x1F410];
	_ =	sdelay $0x4  }
0x151: {  	v0 =	vmul.f32 v0, v0;
	_ =	sdelay $0x1  }
0x152: {  	[tilespmem:$0x1F770] =	vst v0;
	v0 =	vsub.f32 v42, v36;
	_ =	sdelay $0x1  }
0x153: {  	[tilespmem:$0x1F6E0] =	vst v0;
	v0 =	vmul.f32 v7, v7;
	_ =	sdelay $0x1  }
0x154: {  	[tilespmem:$0x1FBE0] =	vst v0;
	v0 =	vld [tilespmem:$0x1F420];
	_ =	sdelay $0x4  }
0x155: {  	v0 =	vmul.f32 v0, v0;
	_ =	sdelay $0x1  }
0x156: {  	[tilespmem:$0x1FC10] =	vst v0;
	v0 =	vld [tilespmem:$0x1F430];
	_ =	sdelay $0x4  }
0x157: {  	v0 =	vmul.f32 v0, v0;
	_ =	sdelay $0x1  }
0x158: {  	[tilespmem:$0x1FC20] =	vst v0;
	v0 =	vld [tilespmem:$0x1F440];
	_ =	sdelay $0x4  }
0x159: {  	v0 =	vmul.f32 v0, v0;
	_ =	sdelay $0x1  }
0x15a: {  	[tilespmem:$0x1F750] =	vst v0;
	v0 =	vld [tilespmem:$0x1F450];
	_ =	sdelay $0x4  }
0x15b: {  	v0 =	vmul.f32 v0, v0;
	_ =	sdelay $0x1  }
0x15c: {  	[tilespmem:$0x1F760] =	vst v0;
	v0 =	vsub.f32 v44, v13;
	_ =	sdelay $0x1  }
0x15d: {  	[tilespmem:$0x1FA20] =	vst v0;
	v0 =	vld [tilespmem:$0x1F460];
	_ =	sdelay $0x4  }
0x15e: {  	v0 =	vmul.f32 v0, v0;
	_ =	sdelay $0x1  }
0x15f: {  	[tilespmem:$0x1F780] =	vst v0;
	v0 =	vmul.f32 v38, v38;
	_ =	sdelay $0x1  }
0x160: {  	[tilespmem:$0x1F790] =	vst v0;
	v0 =	vsub.f32 v26, v13;
	_ =	sdelay $0x1  }
0x161: {  	[tilespmem:$0x1FBC0] =	vst v0;
	v0 =	vld [tilespmem:$0x1F470];
	_ =	sdelay $0x4  }
0x162: {  	v0 =	vmul.f32 v0, v0;
	_ =	sdelay $0x1  }
0x163: {  	[tilespmem:$0x1F7A0] =	vst v0;
	v0 =	vmul.f32 v17, v17;
	_ =	sdelay $0x1  }
0x164: {  	[tilespmem:$0x1F7B0] =	vst v0;
	v0 =	vsub.f32 v27, v13;
	_ =	sdelay $0x1  }
0x165: {  	[tilespmem:$0x1FBA0] =	vst v0;
	v0 =	vmul.f32 v24, v24;
	_ =	sdelay $0x1  }
0x166: {  	[tilespmem:$0x1FC40] =	vst v0;
	v0 =	vld [tilespmem:$0x1F480];
	_ =	sdelay $0x4  }
0x167: {  	v0 =	vmul.f32 v0, v0;
	_ =	sdelay $0x1  }
0x168: {  	[tilespmem:$0x1FC50] =	vst v0;
	v0 =	vmul.f32 v46, v46;
	_ =	sdelay $0x1  }
0x169: {  	[tilespmem:$0x1FC80] =	vst v0;
	v0 =	vld [tilespmem:$0x1F490];
	_ =	sdelay $0x4  }
0x16a: {  	v0 =	vmul.f32 v0, v0;
	_ =	sdelay $0x1  }
0x16b: {  	[tilespmem:$0x1F7C0] =	vst v0;
	v0 =	vld [tilespmem:$0x1F4A0];
	_ =	sdelay $0x4  }
0x16c: {  	v0 =	vmul.f32 v0, v0;
	_ =	sdelay $0x1  }
0x16d: {  	[tilespmem:$0x1F7D0] =	vst v0;
	v0 =	vld [tilespmem:$0x1F4B0];
	_ =	sdelay $0x4  }
0x16e: {  	v0 =	vmul.f32 v0, v0;
	_ =	sdelay $0x1  }
0x16f: {  	[tilespmem:$0x1F7E0] =	vst v0;
	v0 =	vsub.f32 v41, v56;
	_ =	sdelay $0x1  }
0x170: {  	[tilespmem:$0x1F6F0] =	vst v0;
	v0 =	vld [tilespmem:$0x1F4C0];
	_ =	sdelay $0x4  }
0x171: {  	v0 =	vmul.f32 v0, v0;
	_ =	sdelay $0x1  }
0x172: {  	[tilespmem:$0x1F7F0] =	vst v0;
	v0 =	vld [tilespmem:$0x1F4D0];
	_ =	sdelay $0x4  }
0x173: {  	v8 =	vperm.xlane v2, v8;
	v0 =	vmul.f32 v0, v0;
	_ =	sdelay $0x1  }
0x174: {  	[tilespmem:$0x1F810] =	vst v0;
	v0 =	vsub.f32 v42, v8;
	_ =	sdelay $0x1  }
0x175: {  	[tilespmem:$0x1F700] =	vst v0;
	v0 =	vmul.f32 v21, v21;
	_ =	sdelay $0x1  }
0x176: {  	[tilespmem:$0x1FC70] =	vst v0;
	v0 =	vmul.f32 v55, v55;
	_ =	sdelay $0x1  }
0x177: {  	[tilespmem:$0x1F820] =	vst v0;
	v0 =	vsub.f32 v45, v56;
	_ =	sdelay $0x1  }
0x178: {  	[tilespmem:$0x1F710] =	vst v0;
	v0 =	vmul.f32 v62, v62;
	_ =	sdelay $0x1  }
0x179: {  	[tilespmem:$0x1FCA0] =	vst v0;
	v0 =	vmul.f32 v52, v52;
	_ =	sdelay $0x1  }
0x17a: {  	[tilespmem:$0x1FCC0] =	vst v0;
	v0 =	vmul.f32 v20, v20;
	_ =	sdelay $0x1  }
0x17b: {  	[tilespmem:$0x1F800] =	vst v0;
	v0 =	vsub.f32 v44, v51;
	_ =	sdelay $0x1  }
0x17c: {  	[tilespmem:$0x1FF40] =	vst v0;
	v0 =	vld [tilespmem:$0x1F4E0];
	_ =	sdelay $0x4  }
0x17d: {  	v0 =	vmul.f32 v0, v0;
	_ =	sdelay $0x1  }
0x17e: {  	[tilespmem:$0x1F830] =	vst v0;
	v0 =	vld [tilespmem:$0x1F4F0];
	_ =	sdelay $0x4  }
0x17f: {  	v0 =	vmul.f32 v0, v0;
	_ =	sdelay $0x1  }
0x180: {  	[tilespmem:$0x1F840] =	vst v0;
	v0 =	vsub.f32 v26, v51;
	_ =	sdelay $0x1  }
0x181: {  	[tilespmem:$0x1FF50] =	vst v0;
	v0 =	vld [tilespmem:$0x1F500];
	_ =	sdelay $0x4  }
0x182: {  	v0 =	vmul.f32 v0, v0;
	_ =	sdelay $0x1  }
0x183: {  	[tilespmem:$0x1F850] =	vst v0;
	v0 =	vmul.f32 v32, v32;
	_ =	sdelay $0x1  }
0x184: {  	[tilespmem:$0x1F860] =	vst v0;
	v0 =	vsub.f32 v27, v51;
	_ =	sdelay $0x1  }
0x185: {  	[tilespmem:$0x1FF60] =	vst v0;
	v0 =	vmul.f32 v39, v39;
	_ =	sdelay $0x1  }
0x186: {  	[tilespmem:$0x1FAB0] =	vst v0;
	v0 =	vmul.f32 v49, v49;
	_ =	sdelay $0x1  }
0x187: {  	[tilespmem:$0x1FA70] =	vst v0;
	v0 =	vmul.f32 v60, v60;
	_ =	sdelay $0x1  }
0x188: {  	[tilespmem:$0x1FAC0] =	vst v0;
	v0 =	vld [tilespmem:$0x1F510];
	_ =	sdelay $0x4  }
0x189: {  	v60 =	vmul.f32 v0, v0;
	v0 =	vld [tilespmem:$0x1F520];
	_ =	sdelay $0x4  }
0x18a: {  	v0 =	vmul.f32 v0, v0;
	_ =	sdelay $0x1  }
0x18b: {  	[tilespmem:$0x1F870] =	vst v0;
	v0 =	vld [tilespmem:$0x1F530];
	_ =	sdelay $0x4  }
0x18c: {  	v0 =	vmul.f32 v0, v0;
	_ =	sdelay $0x1  }
0x18d: {  	[tilespmem:$0x1F880] =	vst v0;
	v0 =	vld [tilespmem:$0x1F540];
	_ =	sdelay $0x4  }
0x18e: {  	v0 =	vmul.f32 v0, v0;
	_ =	sdelay $0x1  }
0x18f: {  	[tilespmem:$0x1F890] =	vst v0;
	v0 =	vld [tilespmem:$0x1F550];
	_ =	sdelay $0x4  }
0x190: {  	v0 =	vmul.f32 v0, v0;
	_ =	sdelay $0x1  }
0x191: {  	[tilespmem:$0x1F8B0] =	vst v0;
	v0 =	vmul.f32 v54, v54;
	_ =	sdelay $0x1  }
0x192: {  	[tilespmem:$0x1FA80] =	vst v0;
	v0 =	vmul.f32 v40, v40;
	_ =	sdelay $0x1  }
0x193: {  	[tilespmem:$0x1F8C0] =	vst v0;
	v0 =	vmul.f32 v59, v59;
	_ =	sdelay $0x1  }
0x194: {  	[tilespmem:$0x1FA50] =	vst v0;
	v0 =	vld [tilespmem:$0x1F560];
	_ =	sdelay $0x4  }
0x195: {  	v0 =	vmul.f32 v0, v0;
	_ =	sdelay $0x1  }
0x196: {  	[tilespmem:$0x1FA30] =	vst v0;
	v0 =	vld [tilespmem:$0x1F570];
	_ =	sdelay $0x4  }
0x197: {  	v0 =	vmul.f32 v0, v0;
	_ =	sdelay $0x1  }
0x198: {  	[tilespmem:$0x1F8A0] =	vst v0;
	v0 =	vsub.f32 v44, v47;
	_ =	sdelay $0x1  }
0x199: {  	[tilespmem:$0x1FF70] =	vst v0;
	v0 =	vld [tilespmem:$0x1F580];
	_ =	sdelay $0x4  }
0x19a: {  	v0 =	vmul.f32 v0, v0;
	_ =	sdelay $0x1  }
0x19b: {  	[tilespmem:$0x1F8D0] =	vst v0;
	v0 =	vld [tilespmem:$0x1F590];
	_ =	sdelay $0x4  }
0x19c: {  	v0 =	vmul.f32 v0, v0;
	_ =	sdelay $0x1  }
0x19d: {  	[tilespmem:$0x1F8E0] =	vst v0;
	v0 =	vsub.f32 v26, v47;
	_ =	sdelay $0x1  }
0x19e: {  	[tilespmem:$0x1FF80] =	vst v0;
	v0 =	vld [tilespmem:$0x1F5A0];
	_ =	sdelay $0x4  }
0x19f: {  	v0 =	vmul.f32 v0, v0;
	_ =	sdelay $0x1  }
0x1a0: {  	[tilespmem:$0x1F8F0] =	vst v0;
	v0 =	vld [tilespmem:$0x1F5B0];
	_ =	sdelay $0x4  }
0x1a1: {  	v0 =	vmul.f32 v0, v0;
	_ =	sdelay $0x1  }
0x1a2: {  	[tilespmem:$0x1F900] =	vst v0;
	v0 =	vsub.f32 v27, v47;
	_ =	sdelay $0x1  }
0x1a3: {  	[tilespmem:$0x1FF90] =	vst v0;
	v0 =	vld [tilespmem:$0x1F5C0];
	_ =	sdelay $0x4  }
0x1a4: {  	v0 =	vmul.f32 v0, v0;
	_ =	sdelay $0x1  }
0x1a5: {  	[tilespmem:$0x1F910] =	vst v0;
	v0 =	vld [tilespmem:$0x1F5D0];
	_ =	sdelay $0x4  }
0x1a6: {  	v0 =	vmul.f32 v0, v0;
	_ =	sdelay $0x1  }
0x1a7: {  	[tilespmem:$0x1F920] =	vst v0;
	v0 =	vld [tilespmem:$0x1F5E0];
	_ =	sdelay $0x4  }
0x1a8: {  	v0 =	vmul.f32 v0, v0;
	_ =	sdelay $0x1  }
0x1a9: {  	[tilespmem:$0x1F930] =	vst v0;
	v0 =	vld [tilespmem:$0x1F5F0];
	_ =	sdelay $0x4  }
0x1aa: {  	v0 =	vmul.f32 v0, v0;
	_ =	sdelay $0x1  }
0x1ab: {  	[tilespmem:$0x1F940] =	vst v0;
	v0 =	vld [tilespmem:$0x1F600];
	_ =	sdelay $0x4  }
0x1ac: {  	v0 =	vmul.f32 v0, v0;
	_ =	sdelay $0x1  }
0x1ad: {  	[tilespmem:$0x1F970] =	vst v0;
	v0 =	vld [tilespmem:$0x1F610];
	_ =	sdelay $0x4  }
0x1ae: {  	v14 =	vsub.f32 v25, v30;
	v0 =	vmul.f32 v0, v0;
	_ =	sdelay $0x1  }
0x1af: {  	[tilespmem:$0x1F980] =	vst v0;
	v0 =	vmul.f32 v14, v14;
	_ =	sdelay $0x1  }
0x1b0: {  	[tilespmem:$0x1F950] =	vst v0;
	v0 =	vld [tilespmem:$0x1F620];
	_ =	sdelay $0x4  }
0x1b1: {  	v0 =	vmul.f32 v0, v0;
	_ =	sdelay $0x1  }
0x1b2: {  	[tilespmem:$0x1F960] =	vst v0;
	v0 =	vld [tilespmem:$0x1F630];
	_ =	sdelay $0x4  }
0x1b3: {  	v0 =	vmul.f32 v0, v0;
	_ =	sdelay $0x1  }
0x1b4: {  	[tilespmem:$0x1F990] =	vst v0;
	v0 =	vld [tilespmem:$0x1F640];
	_ =	sdelay $0x4  }
0x1b5: {  	v0 =	vmul.f32 v0, v0;
	_ =	sdelay $0x1  }
0x1b6: {  	[tilespmem:$0x1F9A0] =	vst v0;
	v0 =	vld [tilespmem:$0x1F650];
	_ =	sdelay $0x4  }
0x1b7: {  	v0 =	vmul.f32 v0, v0  }
0x1b8: {  	[tilespmem:$0x1F660] =	vst v10  }
0x1b9: {  	[tilespmem:$0x1F9B0] =	vst v0;
	v0 =	vld [tilespmem:$0x1F660];
	_ =	sdelay $0x4  }
0x1ba: {  	v0 =	vmul.f32 v0, v0  }
0x1bb: {  	[tilespmem:$0x1F680] =	vst v1;
	v1 =	vsub.f32 v42, v15  }
0x1bc: {  	[tilespmem:$0x1F9C0] =	vst v0;
	v0 =	vmul.f32 v18, v18  }
0x1bd: {  	[tilespmem:$0x1F690] =	vst v1  }
0x1be: {  	v1 =	vsub.f32 v44, v34;
	[tilespmem:$0x1F9D0] =	vst v0;
	v0 =	vld [tilespmem:$0x1F670];
	_ =	sdelay $0x1  }
0x1bf: {  	[tilespmem:$0x1FC60] =	vst v1;
	v1 =	vsub.f32 v26, v34  }
0x1c0: {  	v30 =	vsub.f32 v41, v43  }
0x1c1: {  	v10 =	vperm.xlane v2, v4;
	v2 =	vsub.f32 v45, v28;
	[tilespmem:$0x1FC90] =	vst v1;
	v1 =	vsub.f32 v27, v34  }
0x1c2: {  	v4 =	vsub.f32 v58, v16;
	v15 =	vsub.f32 v58, v15;
	v0 =	vmul.f32 v0, v0  }
0x1c3: {  	v16 =	vsub.f32 v42, v50;
	[tilespmem:$0x1FA60] =	vst v1;
	v1 =	vsub.f32 v25, v28  }
0x1c4: {  	v23 =	vsub.f32 v41, v19;
	v5 =	vsub.f32 v25, v35;
	[tilespmem:$0x1F9E0] =	vst v0;
	v0 =	vld [tilespmem:$0x1F680]  }
0x1c5: {  	v22 =	vsub.f32 v37, v50;
	v50 =	vsub.f32 v58, v50  }
0x1c6: {  	v53 =	vmul.f32 v6, v6;
	v6 =	vsub.f32 v37, v36;
	v12 =	vsub.f32 v42, v48  }
0x1c7: {  	v35 =	vsub.f32 v45, v35;
	v36 =	vsub.f32 v58, v36  }
0x1c8: {  	v38 =	vsub.f32 v37, v8;
	v13 =	vsub.f32 v41, v9  }
0x1c9: {  	v34 =	vld [tilespmem:$0x1F740];
	v46 =	vsub.f32 v25, v19;
	v19 =	vsub.f32 v45, v19;
	v0 =	vmul.f32 v0, v0  }
0x1ca: {  	v62 =	vsub.f32 v25, v31;
	v39 =	vsub.f32 v41, v31;
	v41 =	vld [tilespmem:$0x1F750]  }
0x1cb: {  	v52 =	vsub.f32 v58, v8;
	v51 =	vsub.f32 v45, v31;
	[tilespmem:$0x1F9F0] =	vst v0;
	v0 =	vld [tilespmem:$0x1F690]  }
0x1cc: {  	v31 =	vsub.f32 v25, v43;
	v43 =	vsub.f32 v45, v43;
	v54 =	vld [tilespmem:$0x1F7B0]  }
0x1cd: {  	v14 =	vsub.f32 v25, v9;
	v9 =	vsub.f32 v45, v9;
	v45 =	vld [tilespmem:$0x1F770]  }
0x1ce: {  	v57 =	vmul.f32 v57, v57;
	v17 =	vsub.f32 v25, v56;
	v21 =	vsub.f32 v37, v10;
	v59 =	vld [tilespmem:$0x1F730]  }
0x1cf: {  	v55 =	vsub.f32 v58, v33;
	v20 =	vsub.f32 v37, v48;
	v47 =	vld [tilespmem:$0x1F780];
	v25 =	vmul.f32 v52, v52  }
0x1d0: {  	v48 =	vsub.f32 v58, v48;
	v52 =	vld [tilespmem:$0x1F790];
	v40 =	vmul.f32 v0, v0;
	v0 =	vmul.f32 v3, v3  }
0x1d1: {  	v3 =	vmul.f32 v17, v17;
	v17 =	vsub.f32 v42, v10;
	v10 =	vsub.f32 v58, v10;
	v58 =	vld [tilespmem:$0x1F720]  }
0x1d2: {  	v24 =	vmul.f32 v2, v2;
	v2 =	vmul.f32 v38, v38;
	v38 =	vadd.f32 v57, v45;
	v57 =	vld [tilespmem:$0x1F7C0]  }
0x1d3: {  	v18 =	vmul.f32 v5, v5;
	v5 =	vmul.f32 v36, v36;
	v36 =	vadd.f32 v34, v59;
	v59 =	vld [tilespmem:$0x1F7E0]  }
0x1d4: {  	v49 =	vsub.f32 v42, v33;
	v42 =	vld [tilespmem:$0x1F760]  }
0x1d5: {  	v34 =	vld [tilespmem:$0x1F7F0]  }
0x1d6: {  	v8 =	vmul.f32 v35, v35;
	v35 =	vadd.f32 v58, v53;
	v58 =	vld [tilespmem:$0x1F7D0]  }
0x1d7: {  	v53 =	vld [tilespmem:$0x1F7A0];
	_ =	sdelay $0x1  }
0x1d8: {  	v56 =	vmul.f32 v63, v63;
	v63 =	vsub.f32 v37, v33;
	v37 =	vadd.f32 v42, v41  }
0x1d9: {  	v41 =	vadd.f32 v52, v47;
	v47 =	vadd.f32 v34, v59;
	v34 =	vld [tilespmem:$0x1F840]  }
0x1da: {  	v45 =	vadd.f32 v58, v57;
	v57 =	vld [tilespmem:$0x1F800]  }
0x1db: {  	v42 =	vadd.f32 v54, v53;
	v54 =	vld [tilespmem:$0x1F830];
	_ =	sdelay $0x3  }
0x1dc: {  	v52 =	vadd.f32 v57, v56;
	v56 =	vld [tilespmem:$0x1F850]  }
0x1dd: {  	v54 =	vadd.f32 v34, v54;
	v34 =	vld [tilespmem:$0x1F860];
	_ =	sdelay $0x2  }
0x1de: {  	v59 =	vld [tilespmem:$0x1F820]  }
0x1df: {  	v58 =	vld [tilespmem:$0x1F810]  }
0x1e0: {  	v56 =	vadd.f32 v34, v56;
	v34 =	vld [tilespmem:$0x1F870];
	_ =	sdelay $0x4  }
0x1e1: {  	v53 =	vadd.f32 v59, v58;
	v58 =	vadd.f32 v34, v60;
	v60 =	vld [tilespmem:$0x1F880]  }
0x1e2: {  	v34 =	vld [tilespmem:$0x1F890];
	_ =	sdelay $0x3  }
0x1e3: {  	v57 =	vld [tilespmem:$0x1F8B0]  }
0x1e4: {  	v59 =	vadd.f32 v34, v60;
	v60 =	vld [tilespmem:$0x1F8A0]  }
0x1e5: {  	v34 =	vld [tilespmem:$0x1F8C0];
	_ =	sdelay $0x2  }
0x1e6: {  	v61 =	vmul.f32 v61, v61;
	_ =	sdelay $0x1  }
0x1e7: {  	v60 =	vadd.f32 v60, v61;
	v61 =	vadd.f32 v34, v57;
	v57 =	vld [tilespmem:$0x1F8D0]  }
0x1e8: {  	v34 =	vld [tilespmem:$0x1F8E0];
	_ =	sdelay $0x4  }
0x1e9: {  	v34 =	vadd.f32 v34, v57  }
0x1ea: {  	v57 =	vld [tilespmem:$0x1F900]  }
0x1eb: {  	[tilespmem:$0x1FCB0] =	vst v34;
	v34 =	vld [tilespmem:$0x1F8F0];
	_ =	sdelay $0x4  }
0x1ec: {  	v34 =	vadd.f32 v57, v34  }
0x1ed: {  	v57 =	vld [tilespmem:$0x1F920]  }
0x1ee: {  	[tilespmem:$0x1FCD0] =	vst v34;
	v34 =	vld [tilespmem:$0x1F910];
	_ =	sdelay $0x4  }
0x1ef: {  	v57 =	vadd.f32 v57, v34  }
0x1f0: {  	v34 =	vld [tilespmem:$0x1F930]  }
0x1f1: {  	[tilespmem:$0x1FCE0] =	vst v57;
	v57 =	vld [tilespmem:$0x1F940];
	_ =	sdelay $0x4  }
0x1f2: {  	v57 =	vadd.f32 v57, v34  }
0x1f3: {  	v34 =	vld [tilespmem:$0x1F950]  }
0x1f4: {  	[tilespmem:$0x1FCF0] =	vst v57;
	v57 =	vld [tilespmem:$0x1F960];
	_ =	sdelay $0x4  }
0x1f5: {  	v57 =	vadd.f32 v57, v34  }
0x1f6: {  	v34 =	vld [tilespmem:$0x1F970]  }
0x1f7: {  	[tilespmem:$0x1FD00] =	vst v57;
	v57 =	vld [tilespmem:$0x1F980];
	_ =	sdelay $0x4  }
0x1f8: {  	v57 =	vadd.f32 v57, v34  }
0x1f9: {  	v34 =	vld [tilespmem:$0x1F990]  }
0x1fa: {  	[tilespmem:$0x1FD10] =	vst v57;
	v57 =	vld [tilespmem:$0x1F9A0];
	_ =	sdelay $0x4  }
0x1fb: {  	v57 =	vadd.f32 v57, v34  }
0x1fc: {  	v34 =	vld [tilespmem:$0x1F9B0]  }
0x1fd: {  	[tilespmem:$0x1FD20] =	vst v57;
	v57 =	vld [tilespmem:$0x1F9C0]  }
0x1fe: {  	[tilespmem:$0x1FA00] =	vst v0;
	v0 =	vmul.f32 v15, v15;
	_ =	sdelay $0x1  }
0x1ff: {  	[tilespmem:$0x1FA10] =	vst v0;
	v0 =	vld [tilespmem:$0x1F6A0];
	_ =	sdelay $0x1  }
0x200: {  	v57 =	vadd.f32 v57, v34  }
0x201: {  	v34 =	vld [tilespmem:$0x1F9D0]  }
0x202: {  	[tilespmem:$0x1FD30] =	vst v57;
	v57 =	vld [tilespmem:$0x1F9E0]  }
0x203: {  	v29 =	vmul.f32 v0, v0;
	v0 =	vld [tilespmem:$0x1F6B0];
	_ =	sdelay $0x3  }
0x204: {  	v57 =	vadd.f32 v57, v34  }
0x205: {  	v32 =	vmul.f32 v0, v0;
	v0 =	vld [tilespmem:$0x1F6C0]  }
0x206: {  	[tilespmem:$0x1FD60] =	vst v57;
	v57 =	vld [tilespmem:$0x1F9F0];
	_ =	sdelay $0x2  }
0x207: {  	v33 =	vmul.f32 v1, v1  }
0x208: {  	v28 =	vmul.f32 v0, v0;
	v0 =	vld [tilespmem:$0x1F6D0]  }
0x209: {  	v40 =	vadd.f32 v40, v57;
	v57 =	vmul.f32 v12, v12;
	v12 =	vadd.f32 v29, v33  }
0x20a: {  	v29 =	vld [tilespmem:$0x1FA10]  }
0x20b: {  	[tilespmem:$0x1FD80] =	vst v12;
	v12 =	vld [tilespmem:$0x1FA00];
	_ =	sdelay $0x1  }
0x20c: {  	v7 =	vmul.f32 v0, v0;
	v0 =	vld [tilespmem:$0x1F6E0];
	_ =	sdelay $0x2  }
0x20d: {  	v12 =	vadd.f32 v29, v12  }
0x20e: {  	v11 =	vmul.f32 v6, v6  }
0x20f: {  	v15 =	vmul.f32 v4, v4;
	v6 =	vmul.f32 v0, v0;
	[tilespmem:$0x1FD90] =	vst v12;
	v12 =	vadd.f32 v28, v32  }
0x210: {  	v0 =	vld [tilespmem:$0x1F6F0];
	v33 =	vadd.f32 v2, v3;
	v2 =	vmul.f32 v21, v21  }
0x211: {  	[tilespmem:$0x1FDA0] =	vst v12;
	v12 =	vadd.f32 v15, v24;
	v15 =	vadd.f32 v6, v7;
	v6 =	vmul.f32 v14, v14;
	_ =	sdelay $0x1  }
0x212: {  	v24 =	vadd.f32 v2, v6;
	v2 =	vld [tilespmem:$0x1FAD0];
	_ =	sdelay $0x1  }
0x213: {  	v4 =	vmul.f32 v0, v0;
	v0 =	vld [tilespmem:$0x1F700]  }
0x214: {  	v19 =	vmul.f32 v19, v19;
	v32 =	vmul.f32 v48, v48;
	_ =	sdelay $0x1  }
0x215: {  	v7 =	vadd.f32 v32, v19;
	v19 =	vmul.f32 v2, v2;
	v2 =	vld [tilespmem:$0x1FAE0];
	_ =	sdelay $0x1  }
0x216: {  	v1 =	vmul.f32 v0, v0;
	v0 =	vld [tilespmem:$0x1F710];
	_ =	sdelay $0x2  }
0x217: {  	v3 =	vmul.f32 v13, v13;
	v13 =	vmul.f32 v2, v2;
	v2 =	vld [tilespmem:$0x1FAF0];
	_ =	sdelay $0x1  }
0x218: {  	v0 =	vmul.f32 v0, v0  }
0x219: {  	v23 =	vmul.f32 v23, v23  }
0x21a: {  	v14 =	vadd.f32 v1, v4;
	v1 =	vadd.f32 v25, v0  }
0x21b: {  	v0 =	vadd.f32 v57, v23;
	v23 =	vadd.f32 v2, v35;
	v2 =	vld [tilespmem:$0x1FB00];
	_ =	sdelay $0x2  }
0x21c: {  	v22 =	vmul.f32 v22, v22;
	v31 =	vmul.f32 v31, v31;
	_ =	sdelay $0x1  }
0x21d: {  	v28 =	vadd.f32 v22, v31;
	v22 =	vadd.f32 v2, v36;
	v2 =	vld [tilespmem:$0x1FB20];
	_ =	sdelay $0x2  }
0x21e: {  	v50 =	vmul.f32 v50, v50;
	v43 =	vmul.f32 v43, v43;
	v11 =	vadd.f32 v11, v18;
	_ =	sdelay $0x1  }
0x21f: {  	[tilespmem:$0x1FDC0] =	vst v11;
	v11 =	vadd.f32 v50, v43;
	v43 =	vmul.f32 v2, v2;
	v2 =	vld [tilespmem:$0x1FB30];
	_ =	sdelay $0x2  }
0x220: {  	v63 =	vmul.f32 v63, v63;
	v62 =	vmul.f32 v62, v62;
	_ =	sdelay $0x1  }
0x221: {  	v29 =	vadd.f32 v63, v62;
	v62 =	vadd.f32 v2, v37;
	v2 =	vld [tilespmem:$0x1FB40];
	_ =	sdelay $0x1  }
0x222: {  	v55 =	vmul.f32 v55, v55;
	v51 =	vmul.f32 v51, v51  }
0x223: {  	v46 =	vmul.f32 v46, v46;
	v20 =	vmul.f32 v20, v20  }
0x224: {  	v18 =	vadd.f32 v55, v51  }
0x225: {  	v51 =	vadd.f32 v20, v46;
	v20 =	vadd.f32 v2, v38;
	v2 =	vld [tilespmem:$0x1FB50];
	_ =	sdelay $0x4  }
0x226: {  	v48 =	vmul.f32 v2, v2;
	v2 =	vld [tilespmem:$0x1FB60];
	_ =	sdelay $0x4  }
0x227: {  	v2 =	vadd.f32 v2, v41;
	_ =	sdelay $0x1  }
0x228: {  	[tilespmem:$0x1FE80] =	vst v2;
	v2 =	vld [tilespmem:$0x1FB70];
	_ =	sdelay $0x4  }
0x229: {  	v2 =	vadd.f32 v2, v42;
	_ =	sdelay $0x1  }
0x22a: {  	[tilespmem:$0x1FEA0] =	vst v2;
	v2 =	vld [tilespmem:$0x1FB80];
	_ =	sdelay $0x4  }
0x22b: {  	v50 =	vmul.f32 v2, v2;
	v2 =	vld [tilespmem:$0x1FB90];
	_ =	sdelay $0x4  }
0x22c: {  	v2 =	vadd.f32 v2, v45;
	_ =	sdelay $0x1  }
0x22d: {  	[tilespmem:$0x1FEB0] =	vst v2;
	v2 =	vld [tilespmem:$0x1FBB0];
	_ =	sdelay $0x3  }
0x22e: {  	v4 =	vmul.f32 v17, v17  }
0x22f: {  	v2 =	vadd.f32 v2, v47  }
0x230: {  	v25 =	vadd.f32 v4, v3;
	v3 =	vld [tilespmem:$0x1FC40]  }
0x231: {  	[tilespmem:$0x1FED0] =	vst v2;
	v2 =	vld [tilespmem:$0x1FBD0];
	_ =	sdelay $0x3  }
0x232: {  	v34 =	vadd.f32 v3, v58;
	v3 =	vld [tilespmem:$0x1FC50]  }
0x233: {  	v55 =	vmul.f32 v2, v2;
	v2 =	vld [tilespmem:$0x1FBE0];
	_ =	sdelay $0x4  }
0x234: {  	v35 =	vadd.f32 v3, v59;
	v3 =	vld [tilespmem:$0x1FC60];
	v2 =	vadd.f32 v2, v52;
	_ =	sdelay $0x1  }
0x235: {  	[tilespmem:$0x1FEE0] =	vst v2;
	v2 =	vld [tilespmem:$0x1FBF0];
	_ =	sdelay $0x2  }
0x236: {  	v59 =	vmul.f32 v3, v3;
	v3 =	vld [tilespmem:$0x1FC70];
	_ =	sdelay $0x1  }
0x237: {  	v2 =	vadd.f32 v2, v53;
	_ =	sdelay $0x1  }
0x238: {  	[tilespmem:$0x1FEF0] =	vst v2;
	v2 =	vld [tilespmem:$0x1FC00]  }
0x239: {  	v37 =	vadd.f32 v3, v60;
	v3 =	vld [tilespmem:$0x1FC80];
	_ =	sdelay $0x1  }
0x23a: {  	v63 =	vld [tilespmem:$0x1FA20]  }
0x23b: {  	v31 =	vld [tilespmem:$0x1FA40]  }
0x23c: {  	v57 =	vmul.f32 v2, v2;
	v2 =	vld [tilespmem:$0x1FC10]  }
0x23d: {  	v46 =	vadd.f32 v3, v61;
	v3 =	vld [tilespmem:$0x1FC90]  }
0x23e: {  	v30 =	vmul.f32 v30, v30;
	v16 =	vmul.f32 v16, v16;
	v17 =	vld [tilespmem:$0x1FA30]  }
0x23f: {  	v32 =	vld [tilespmem:$0x1FA90]  }
0x240: {  	[tilespmem:$0x1FDB0] =	vst v12;
	v12 =	vadd.f32 v5, v8;
	v8 =	vadd.f32 v16, v30;
	v16 =	vld [tilespmem:$0x1FA50]  }
0x241: {  	v4 =	vld [tilespmem:$0x1FCB0];
	v2 =	vadd.f32 v2, v54  }
0x242: {  	v58 =	vmul.f32 v3, v3;
	v3 =	vld [tilespmem:$0x1FCA0]  }
0x243: {  	[tilespmem:$0x1FF10] =	vst v2;
	v2 =	vld [tilespmem:$0x1FC20]  }
0x244: {  	v30 =	vld [tilespmem:$0x1FA60]  }
0x245: {  	v5 =	vmul.f32 v9, v9;
	v9 =	vmul.f32 v10, v10;
	v10 =	vld [tilespmem:$0x1FA70]  }
0x246: {  	v6 =	vld [tilespmem:$0x1FA80]  }
0x247: {  	[tilespmem:$0x1FE30] =	vst v0;
	v0 =	vld [tilespmem:$0x1FAA0]  }
0x248: {  	v41 =	vadd.f32 v3, v4;
	v3 =	vld [tilespmem:$0x1FCC0];
	v2 =	vadd.f32 v2, v56  }
0x249: {  	v39 =	vmul.f32 v39, v39;
	v49 =	vmul.f32 v49, v49;
	v4 =	vld [tilespmem:$0x1FCD0]  }
0x24a: {  	p0 =	sne.s32 s26, $0x20C0;
	[tilespmem:$0x1FF30] =	vst v2;
	v2 =	vld [tilespmem:$0x1FC30]  }
.Ltmp0:
0x24b: {  	[tilespmem:$0x1FD70] =	vst v40;
	v40 =	vadd.f32 v49, v39;
	v39 =	vadd.f32 v9, v5;
	v5 =	vld [tilespmem:$0x1FAB0];
	(pc) =	sbr.rel @p0 .LBB2_3-.Ltmp0, $4  }
0x24c: {  	v9 =	vld [tilespmem:$0x1FAC0]  }
0x24d: {  	v36 =	vld [tilespmem:$0x1FB10]  }
0x24e: {  	v0 =	vmul.f32 v0, v0;
	v45 =	vld [tilespmem:$0x1FBA0]  }
0x24f: {  	s26 =	sadd.s32 $0x40, s26;
	v21 =	vadd.f32 v3, v4;
	v47 =	vld [tilespmem:$0x1FBC0];
	v53 =	vimm.s32 $0x8;
	v2 =	vmul.f32 v2, v2  }
0x250: {  	v3 =	vld [tilespmem:$0x1FCE0]  }
0x251: {  	v26 =	vld [tilespmem:$0x1FD00]  }
0x252: {  	v27 =	vld [tilespmem:$0x1FD10]  }
0x253: {  	v38 =	vld [tilespmem:$0x1FD20];
	_ =	sdelay $0x3  }
0x254: {  	v3 =	vadd.f32 v5, v3;
	v5 =	vadd.f32 v6, v26  }
0x255: {  	v6 =	vadd.f32 v9, v27;
	v9 =	vadd.f32 v16, v38;
	v16 =	vld [tilespmem:$0x1FD60];
	_ =	sdelay $0x3  }
0x256: {  	v4 =	vld [tilespmem:$0x1FCF0]  }
0x257: {  	v0 =	vadd.f32 v0, v16;
	v16 =	vld [tilespmem:$0x1FD70]  }
0x258: {  	v42 =	vld [tilespmem:$0x1FD30];
	_ =	sdelay $0x2  }
0x259: {  	v56 =	vld [tilespmem:$0x1FF40]  }
0x25a: {  	v16 =	vadd.f32 v19, v16;
	v19 =	vld [tilespmem:$0x1FD90]  }
0x25b: {  	v4 =	vadd.f32 v10, v4;
	v10 =	vadd.f32 v17, v42;
	v17 =	vld [tilespmem:$0x1FD80]  }
0x25c: {  	v38 =	vmov v22;
	v22 =	vld [tilespmem:$0x1FDC0]  }
0x25d: {  	v15 =	vadd.f32 v57, v15;
	v57 =	vld [tilespmem:$0x1FF80]  }
0x25e: {  	v42 =	vmov v23;
	v23 =	vadd.f32 v59, v33;
	v59 =	vld [tilespmem:$0x1FF90]  }
0x25f: {  	v13 =	vadd.f32 v13, v19;
	v19 =	vld [tilespmem:$0x1FDA0]  }
0x260: {  	v44 =	vadd.f32 v58, v14;
	v49 =	vmul.f32 v31, v31;
	v17 =	vadd.f32 v43, v17;
	v43 =	vmovc v20;
	v20 =	vld [tilespmem:$0x1FDB0]  }
0x261: {  	v54 =	vmul.f32 v45, v45;
	v52 =	vmul.f32 v47, v47;
	v22 =	vadd.f32 v55, v22;
	v55 =	vld [tilespmem:$0x1FF70]  }
0x262: {  	v58 =	vld [tilespmem:$0x1FF50];
	v2 =	vadd.f32 v2, v12;
	v26 =	vmul.f32 v30, v30;
	v27 =	vmul.f32 v63, v63  }
0x263: {  	v60 =	vld [tilespmem:$0x1FF60];
	v11 =	vadd.f32 v54, v11;
	v30 =	vmul.f32 v57, v57;
	v8 =	vadd.f32 v52, v8  }
0x264: {  	v61 =	vld [tilespmem:$0x1FE30];
	v1 =	vadd.f32 v26, v1;
	v19 =	vadd.f32 v48, v19;
	v48 =	vmul.f32 v32, v32  }
0x265: {  	v63 =	vld [tilespmem:$0x1FFA0];
	v27 =	vadd.f32 v27, v28;
	v31 =	vmul.f32 v59, v59;
	v20 =	vadd.f32 v50, v20  }
0x266: {  	v50 =	vmul.f32 v36, v36;
	v36 =	vld [tilespmem:$0x1FFB0];
	v14 =	vadd.f32 v48, v29;
	v29 =	vmul.f32 v55, v55  }
0x267: {  	v28 =	vmul.f32 v56, v56;
	v25 =	vadd.f32 v30, v25;
	v31 =	vadd.f32 v31, v39;
	v39 =	vld [tilespmem:$0x1FFC0]  }
0x268: {  	v30 =	vmul.f32 v60, v60;
	v24 =	vadd.f32 v29, v24;
	v29 =	vmul.f32 v58, v58  }
0x269: {  	v26 =	vadd.f32 v49, v40;
	v28 =	vadd.f32 v28, v51  }
0x26a: {  	v7 =	vadd.f32 v30, v7;
	v29 =	vadd.f32 v29, v61;
	v24 =	vmin.f32 v63, v24  }
0x26b: {  	v18 =	vadd.f32 v50, v18;
	v25 =	vmin.f32 v36, v25;
	v24 =	vmin.f32 v24, v28  }
0x26c: {  	v28 =	vmin.f32 v39, v31;
	v25 =	vmin.f32 v25, v29;
	v24 =	vmin.f32 v24, v27  }
0x26d: {  	v7 =	vmin.f32 v28, v7;
	v8 =	vmin.f32 v25, v8;
	v14 =	vmin.f32 v24, v14  }
0x26e: {  	v54 =	vld [tilespmem:$0x1FEF0];
	v7 =	vmin.f32 v7, v11;
	v8 =	vmin.f32 v8, v26;
	v40 =	vmin.f32 v14, v23  }
0x26f: {  	v52 =	vld [tilespmem:$0x1FED0];
	v7 =	vmin.f32 v7, v18;
	v8 =	vmin.f32 v8, v44;
	v11 =	vmin.f32 v40, v22  }
0x270: {  	v49 =	vld [tilespmem:$0x1FF10];
	v1 =	vmin.f32 v7, v1;
	v44 =	vmin.f32 v8, v15;
	v45 =	vmin.f32 v11, v17  }
0x271: {  	v48 =	vld [tilespmem:$0x1FEE0];
	v1 =	vmin.f32 v1, v2;
	v47 =	vmin.f32 v44, v19;
	v0 =	vmin.f32 v45, v0  }
0x272: {  	v50 =	vld [tilespmem:$0x1FEB0];
	v1 =	vmin.f32 v1, v20;
	v2 =	vmin.f32 v47, v16;
	v0 =	vmin.f32 v0, v5  }
0x273: {  	v51 =	vld [tilespmem:$0x1FF30];
	v1 =	vmin.f32 v1, v13;
	v2 =	vmin.f32 v2, v9;
	v0 =	vmin.f32 v0, v3  }
0x274: {  	v55 =	vld [tilespmem:$0x1FE80];
	v1 =	vmin.f32 v1, v10;
	v2 =	vmin.f32 v2, v4;
	v0 =	vmin.f32 v0, v37  }
0x275: {  	v57 =	vld [tilespmem:$0x1FEA0];
	v1 =	vmin.f32 v1, v6;
	v2 =	vmin.f32 v2, v41;
	v0 =	vmin.f32 v0, v34  }
0x276: {  	v59 =	vld [tilespmem:$0x1FFE0];
	v1 =	vmin.f32 v1, v21;
	v2 =	vmin.f32 v2, v35;
	v0 =	vmin.f32 v0, v48  }
0x277: {  	v58 =	vld [tilespmem:$0x1FFF0];
	v1 =	vmin.f32 v1, v46;
	v2 =	vmin.f32 v2, v49;
	v0 =	vmin.f32 v0, v50  }
0x278: {  	v1 =	vmin.f32 v1, v51;
	v2 =	vmin.f32 v2, v52;
	v0 =	vmin.f32 v0, v62  }
0x279: {  	v1 =	vmin.f32 v1, v54;
	v2 =	vmin.f32 v2, v55;
	v0 =	vmin.f32 v0, v42  }
0x27a: {  	v61 =	vld [tilespmem:$0x1FFD0];
	v1 =	vmin.f32 v1, v57;
	v56 =	vand.u32 $0x80000000, v0;
	vm0 =	vlt.f32 v0, $0.0e+00  }
0x27b: {  	vm1 =	vgt.f32 v0, $0.0e+00;
	v2 =	vmin.f32 v2, v38;
	v4 =	vadd.f32 v0, v59  }
0x27c: {  	v1 =	vmin.f32 v1, v43;
	v3 =	vor.u32 v56, v58;
	vm0 =	vmor vm1, vm0  }
0x27d: {  	v60 =	vand.u32 $0x80000000, v2;
	vm12 =	vlt.f32 v2, $0.0e+00;
	vm13 =	vgt.f32 v2, $0.0e+00  }
0x27e: {  	v62 =	vand.u32 $0x80000000, v1;
	vm14 =	vlt.f32 v1, $0.0e+00;
	v0 =	vsel vm0, v3, v0  }
0x27f: {  	s25 =	sadd.s32 $0x1, s25;
	v3 =	vor.u32 v60, v58;
	vm0 =	vmor vm13, vm12;
	v0 =	vadd.f32 v0, v61  }
0x280: {  	p0 =	sne.s32 s25, $0xB;
	vm15 =	vgt.f32 v1, $0.0e+00;
	v4 =	vadd.f32 v2, v4;
	v2 =	vsel vm0, v3, v2  }
.Ltmp1:
0x281: {  	v63 =	vor.u32 v62, v58;
	vm0 =	vmor vm15, vm14;
	v0 =	vadd.f32 v2, v0;
	(pc) =	sbr.rel @p0 .LBB2_2-.Ltmp1, $4  }
0x282: {  	v2 =	vsel vm0, v63, v1;
	v1 =	vadd.f32 v1, v4  }
0x283: {  	v0 =	vadd.f32 v2, v0  }
0x284: {  	v18 =	vimm.s32 $0xC;
	v20 =	vimm.s32 $0x9;
	v41 =	vimm.s32 $0xA;
	[tilespmem:$0x1FFE0] =	vst v1  }
0x285: {  	v42 =	vimm.s32 $0xF;
	v59 =	vimm.s32 $0x7;
	v58 =	vimm.s32 $0x1;
	[tilespmem:$0x1FFD0] =	vst v0  }
0x286: {  	s25 =	simm.s32 $0x0  }
0x287: {  	[tilespmem:s25], [sflag:$0x1] =	stream.linear.gather [hbm4b:s9+s25], $0x210, $0x38;
	[tilespmem:$0x2180] =	vst v63  }
0x288: {  	_ =	swait.ge [sflag:s17], $0x210  }
0x289: {  	[sflag:s17] =	ssyncset.done $0x0  }
0x28a: {  	[sflag:s17] =	ssyncadd.s32 $0xFFFFFDF0  }
0x28b: {  	[tilespmem:s18], [sflag:$0x1] =	stream.linear.gather [hbm4b:s10+s25], $0x210, $0x38;
	[tilespmem:$0x2180] =	vst v63  }
0x28c: {  	_ =	swait.ge [sflag:s17], $0x210  }
0x28d: {  	[sflag:s17] =	ssyncset.done $0x0  }
0x28e: {  	[sflag:s17] =	ssyncadd.s32 $0xFFFFFDF0  }
0x28f: {  	[tilespmem:s19], [sflag:$0x1] =	stream.linear.gather [hbm4b:s11+s25], $0x210, $0x38;
	[tilespmem:$0x2180] =	vst v63  }
0x290: {  	_ =	swait.ge [sflag:s17], $0x210  }
0x291: {  	[sflag:s17] =	ssyncset.done $0x0  }
0x292: {  	[sflag:s17] =	ssyncadd.s32 $0xFFFFFDF0  }
0x293: {  	[tilespmem:s20], [sflag:$0x1] =	stream.linear.gather [hbm4b:s12+s25], $0x840, $0x38;
	[tilespmem:$0x2180] =	vst v63  }
0x294: {  	_ =	swait.ge [sflag:s17], $0x840  }
0x295: {  	[sflag:s17] =	ssyncset.done $0x0  }
0x296: {  	[sflag:s17] =	ssyncadd.s32 $0xFFFFF7C0  }
0x297: {  	[tilespmem:s21], [sflag:$0x1] =	stream.linear.gather [hbm4b:s13+s25], $0x840, $0x38;
	[tilespmem:$0x2180] =	vst v63  }
0x298: {  	_ =	swait.ge [sflag:s17], $0x840  }
0x299: {  	[sflag:s17] =	ssyncset.done $0x0  }
0x29a: {  	[sflag:s17] =	ssyncadd.s32 $0xFFFFF7C0  }
0x29b: {  	[tilespmem:s22], [sflag:$0x1] =	stream.linear.gather [hbm4b:s14+s25], $0x840, $0x38;
	[tilespmem:$0x2180] =	vst v63  }
0x29c: {  	_ =	swait.ge [sflag:s17], $0x840  }
0x29d: {  	[sflag:s17] =	ssyncset.done $0x0  }
0x29e: {  	v1 =	vimm.f32 $0.0e+00;
	v3 =	vimm.f32 $0.0e+00;
	v49 =	vimm.s32 $0x6;
	[sflag:s17] =	ssyncadd.s32 $0xFFFFF7C0  }
.LBB2_6:
0x29f: {  	s28 =	simm.s32 $0x0  }
0x2a0: {  	[tilespmem:$0x1F090] =	vst v1;
	s26 =	smul.u32 $0x30, s25;
	v1 =	vld [tilespmem:s28+$0x780]  }
0x2a1: {  	v0 =	vld [tilespmem:s28+$0x1000]  }
0x2a2: {  	v25 =	vld [tilespmem:s26+$0x0]  }
0x2a3: {  	v40 =	vld [tilespmem:s26+$0x280]  }
0x2a4: {  	v63 =	vld [tilespmem:s26+$0x10]  }
0x2a5: {  	v22 =	vld [tilespmem:s26+$0x290]  }
0x2a6: {  	v60 =	vld [tilespmem:s26+$0x20]  }
0x2a7: {  	v9 =	vimm.s32 $0xE;
	v62 =	vld [tilespmem:s26+$0x2A0];
	v2 =	vperm.xlane v1, v42  }
0x2a8: {  	[tilespmem:$0x1F080] =	vst v3;
	v14 =	vimm.s32 $0xD;
	v23 =	vimm.s32 $0xB;
	v3 =	vperm.xlane v0, v42  }
0x2a9: {  	v6 =	vperm.xlane v1, v9;
	v9 =	vperm.xlane v0, v9;
	v4 =	vsub.f32 v25, v2  }
0x2aa: {  	v11 =	vperm.xlane v1, v14;
	v5 =	vsub.f32 v40, v3;
	v7 =	vsub.f32 v63, v2  }
0x2ab: {  	v14 =	vperm.xlane v0, v14;
	v8 =	vsub.f32 v22, v3;
	v2 =	vsub.f32 v60, v2  }
0x2ac: {  	v28 =	vperm.xlane v1, v23;
	v3 =	vsub.f32 v62, v3;
	v10 =	vsub.f32 v25, v6  }
0x2ad: {  	v31 =	vperm.xlane v0, v23;
	v12 =	vsub.f32 v40, v9;
	v13 =	vsub.f32 v63, v6  }
0x2ae: {  	v23 =	vimm.s32 $0x9;
	v15 =	vsub.f32 v22, v9;
	v16 =	vsub.f32 v60, v6  }
0x2af: {  	v48 =	vperm.xlane v1, v49;
	v9 =	vsub.f32 v62, v9;
	v17 =	vsub.f32 v25, v11  }
0x2b0: {  	v33 =	vperm.xlane v1, v23;
	v19 =	vsub.f32 v40, v14;
	v20 =	vsub.f32 v63, v11  }
0x2b1: {  	v34 =	vperm.xlane v0, v23;
	v21 =	vsub.f32 v22, v14;
	v11 =	vsub.f32 v60, v11  }
0x2b2: {  	v6 =	vperm.xlane v1, v18;
	v14 =	vsub.f32 v62, v14;
	v38 =	vsub.f32 v25, v28  }
0x2b3: {  	v18 =	vimm.s32 $0xC;
	v50 =	vsub.f32 v25, v33;
	v51 =	vsub.f32 v40, v34  }
0x2b4: {  	v18 =	vperm.xlane v0, v18;
	v52 =	vsub.f32 v63, v33;
	v54 =	vsub.f32 v22, v34  }
0x2b5: {  	v55 =	vsub.f32 v60, v33;
	v56 =	vsub.f32 v62, v34;
	v33 =	vperm.xlane v1, v59  }
0x2b6: {  	v34 =	vperm.xlane v0, v59;
	v27 =	vsub.f32 v25, v6;
	v30 =	vsub.f32 v63, v6  }
0x2b7: {  	v35 =	vsub.f32 v60, v6;
	v6 =	vperm.xlane v1, v41;
	v4 =	vmul.f32 v4, v4  }
0x2b8: {  	v37 =	vsub.f32 v40, v31;
	v5 =	vmul.f32 v5, v5;
	v7 =	vmul.f32 v7, v7  }
0x2b9: {  	v39 =	vsub.f32 v63, v28;
	v8 =	vmul.f32 v8, v8;
	v2 =	vmul.f32 v2, v2  }
0x2ba: {  	v28 =	vsub.f32 v60, v28;
	v3 =	vmul.f32 v3, v3;
	v9 =	vmul.f32 v9, v9  }
0x2bb: {  	v11 =	vmul.f32 v11, v11;
	v29 =	vsub.f32 v40, v18;
	v32 =	vsub.f32 v22, v18  }
0x2bc: {  	v36 =	vsub.f32 v62, v18;
	v18 =	vperm.xlane v0, v41;
	v41 =	vsub.f32 v22, v31  }
0x2bd: {  	v14 =	vmul.f32 v14, v14;
	v31 =	vsub.f32 v62, v31;
	v47 =	vsub.f32 v25, v6  }
0x2be: {  	v28 =	vmul.f32 v28, v28;
	v44 =	vsub.f32 v63, v6;
	v46 =	vsub.f32 v60, v6  }
0x2bf: {  	v6 =	vperm.xlane v1, v53;
	v4 =	vadd.f32 v5, v4;
	v5 =	vsub.f32 v25, v48  }
0x2c0: {  	v7 =	vadd.f32 v8, v7;
	v8 =	vmul.f32 v13, v13;
	v2 =	vadd.f32 v3, v2  }
0x2c1: {  	v13 =	vmul.f32 v16, v16;
	v43 =	vsub.f32 v40, v18;
	v45 =	vsub.f32 v22, v18  }
0x2c2: {  	v26 =	vsub.f32 v62, v18;
	v18 =	vperm.xlane v0, v53;
	v57 =	vsub.f32 v25, v6  }
0x2c3: {  	v36 =	vmul.f32 v36, v36;
	v24 =	vsub.f32 v63, v6;
	v53 =	vsub.f32 v60, v6  }
0x2c4: {  	v6 =	vsub.f32 v25, v33;
	[tilespmem:$0x1F200] =	vst v4;
	v4 =	vmul.f32 v10, v10;
	v10 =	vmul.f32 v12, v12  }
0x2c5: {  	v16 =	vsub.f32 v60, v48;
	v12 =	vmul.f32 v15, v15;
	v15 =	vmul.f32 v19, v19  }
0x2c6: {  	v13 =	vadd.f32 v9, v13;
	v19 =	vmul.f32 v20, v20;
	[tilespmem:$0x1F110] =	vst v6;
	v6 =	vsub.f32 v63, v33  }
0x2c7: {  	[tilespmem:$0x1F240] =	vst v2;
	v20 =	vmul.f32 v21, v21;
	v21 =	vmul.f32 v27, v27;
	v23 =	vsub.f32 v40, v18  }
0x2c8: {  	v27 =	vmul.f32 v29, v29;
	v61 =	vsub.f32 v62, v18;
	[tilespmem:$0x1F120] =	vst v6;
	v6 =	vsub.f32 v22, v34  }
0x2c9: {  	v31 =	vmul.f32 v31, v31;
	[tilespmem:$0x1F0C0] =	vst v24;
	v24 =	vsub.f32 v22, v18;
	v2 =	vadd.f32 v12, v8  }
0x2ca: {  	v18 =	vsub.f32 v40, v34;
	v21 =	vadd.f32 v27, v21;
	[tilespmem:$0x1F130] =	vst v6;
	v6 =	vimm.s32 $0x6  }
0x2cb: {  	[tilespmem:$0x1F260] =	vst v2;
	v2 =	vmul.f32 v17, v17;
	v49 =	vperm.xlane v0, v6;
	v6 =	vsub.f32 v60, v33  }
0x2cc: {  	v33 =	vsub.f32 v62, v34;
	v34 =	vadd.f32 v10, v4;
	v4 =	vimm.s32 $0x5  }
0x2cd: {  	v2 =	vadd.f32 v15, v2;
	v10 =	vsub.f32 v63, v48;
	v3 =	vperm.xlane v1, v4  }
0x2ce: {  	v9 =	vperm.xlane v0, v4;
	v4 =	vadd.f32 v20, v19;
	v19 =	vmul.f32 v30, v30  }
0x2cf: {  	v48 =	vadd.f32 v14, v11;
	v30 =	vmul.f32 v32, v32;
	v32 =	vmul.f32 v35, v35  }
0x2d0: {  	v35 =	vmul.f32 v43, v43;
	v15 =	vsub.f32 v25, v3;
	v27 =	vsub.f32 v63, v3  }
0x2d1: {  	[tilespmem:$0x1F2A0] =	vst v4;
	v4 =	vimm.s32 $0x4;
	v8 =	vadd.f32 v30, v19;
	v19 =	vmul.f32 v38, v38  }
0x2d2: {  	v30 =	vmul.f32 v37, v37;
	v38 =	vsub.f32 v60, v3;
	v3 =	vmul.f32 v39, v39  }
0x2d3: {  	v11 =	vperm.xlane v1, v4;
	[tilespmem:$0x1F2E0] =	vst v8;
	v8 =	vadd.f32 v36, v32;
	v32 =	vperm.xlane v0, v4  }
0x2d4: {  	v4 =	vmul.f32 v41, v41;
	v36 =	vadd.f32 v30, v19;
	v19 =	vmul.f32 v47, v47  }
0x2d5: {  	v41 =	vmul.f32 v45, v45;
	v45 =	vmul.f32 v26, v26  }
0x2d6: {  	v37 =	vadd.f32 v4, v3;
	v43 =	vadd.f32 v35, v19;
	v19 =	vmul.f32 v44, v44  }
0x2d7: {  	v44 =	vmul.f32 v46, v46;
	v35 =	vadd.f32 v31, v28;
	v4 =	vimm.s32 $0x3  }
0x2d8: {  	v26 =	vadd.f32 v41, v19;
	v19 =	vmul.f32 v50, v50;
	v41 =	vmul.f32 v51, v51  }
0x2d9: {  	v28 =	vperm.xlane v1, v4;
	v51 =	vadd.f32 v45, v44;
	v44 =	vperm.xlane v0, v4  }
0x2da: {  	v45 =	vmul.f32 v52, v52;
	v4 =	vmul.f32 v54, v54;
	v19 =	vadd.f32 v41, v19  }
0x2db: {  	v52 =	vmul.f32 v57, v57;
	v54 =	vmul.f32 v23, v23  }
0x2dc: {  	v50 =	vmul.f32 v56, v56;
	[tilespmem:$0x1F0A0] =	vst v19;
	v19 =	vmul.f32 v55, v55  }
0x2dd: {  	v5 =	vmul.f32 v5, v5;
	v20 =	vadd.f32 v54, v52  }
0x2de: {  	[tilespmem:$0x1F220] =	vst v7;
	v39 =	vmul.f32 v61, v61;
	v56 =	vmul.f32 v53, v53;
	v19 =	vadd.f32 v50, v19  }
0x2df: {  	v16 =	vmul.f32 v16, v16;
	v7 =	vsub.f32 v40, v49;
	v12 =	vsub.f32 v22, v49;
	[tilespmem:$0x1F0D0] =	vst v20  }
0x2e0: {  	v18 =	vmul.f32 v18, v18;
	v17 =	vsub.f32 v62, v49;
	v20 =	vld [tilespmem:$0x1F120];
	[tilespmem:$0x1F0E0] =	vst v19;
	v19 =	vadd.f32 v39, v56  }
0x2e1: {  	v6 =	vmul.f32 v6, v6;
	v29 =	vsub.f32 v40, v9;
	v4 =	vadd.f32 v4, v45  }
0x2e2: {  	v10 =	vmul.f32 v10, v10;
	v14 =	vsub.f32 v22, v9;
	v9 =	vsub.f32 v62, v9;
	[tilespmem:$0x1F100] =	vst v19;
	v19 =	vld [tilespmem:$0x1F110]  }
0x2e3: {  	v7 =	vmul.f32 v7, v7;
	v12 =	vmul.f32 v12, v12;
	v47 =	vimm.s32 $0x2;
	[tilespmem:$0x1F0B0] =	vst v4;
	v4 =	vld [tilespmem:$0x1F0C0]  }
0x2e4: {  	v14 =	vmul.f32 v14, v14;
	v9 =	vmul.f32 v9, v9;
	v30 =	vsub.f32 v25, v11  }
0x2e5: {  	v5 =	vadd.f32 v7, v5;
	v3 =	vsub.f32 v40, v32;
	v61 =	vmul.f32 v20, v20;
	v20 =	vld [tilespmem:$0x1F130]  }
0x2e6: {  	v7 =	vmul.f32 v29, v29;
	[tilespmem:$0x1F300] =	vst v8;
	v8 =	vsub.f32 v63, v11;
	v31 =	vsub.f32 v22, v32  }
0x2e7: {  	v11 =	vsub.f32 v60, v11;
	v32 =	vsub.f32 v62, v32;
	v19 =	vmul.f32 v19, v19  }
0x2e8: {  	v41 =	vsub.f32 v25, v28;
	v55 =	vmul.f32 v24, v24;
	v4 =	vmul.f32 v4, v4  }
0x2e9: {  	v45 =	vsub.f32 v40, v44;
	v18 =	vadd.f32 v18, v19;
	v19 =	vmul.f32 v33, v33  }
0x2ea: {  	v54 =	vsub.f32 v22, v44;
	v4 =	vadd.f32 v55, v4;
	v39 =	vmul.f32 v20, v20  }
0x2eb: {  	[tilespmem:$0x1F160] =	vst v5;
	v52 =	vperm.xlane v1, v47;
	v44 =	vsub.f32 v62, v44;
	v5 =	vadd.f32 v19, v6  }
0x2ec: {  	v50 =	vsub.f32 v63, v28;
	[tilespmem:$0x1F0F0] =	vst v4;
	v4 =	vperm.xlane v0, v47;
	v20 =	vadd.f32 v39, v61  }
0x2ed: {  	v46 =	vmul.f32 v17, v17;
	v28 =	vsub.f32 v60, v28;
	[tilespmem:$0x1F170] =	vst v5;
	v5 =	vadd.f32 v12, v10  }
0x2ee: {  	v11 =	vmul.f32 v11, v11;
	v29 =	vsub.f32 v62, v4;
	v61 =	vsub.f32 v63, v52;
	[tilespmem:$0x1F150] =	vst v20  }
0x2ef: {  	v33 =	vsub.f32 v40, v4;
	v6 =	vperm.xlane v1, v58;
	[tilespmem:$0x1F180] =	vst v5;
	v5 =	vadd.f32 v46, v16  }
0x2f0: {  	v20 =	vsub.f32 v22, v4;
	v4 =	vimm.s32 $0x0;
	[tilespmem:$0x1F140] =	vst v18;
	v18 =	vsub.f32 v25, v52  }
0x2f1: {  	v10 =	vperm.xlane v0, v58;
	v53 =	vsub.f32 v25, v6;
	[tilespmem:$0x1F190] =	vst v5;
	v5 =	vmul.f32 v15, v15  }
0x2f2: {  	v55 =	vsub.f32 v63, v6;
	v58 =	vmul.f32 v61, v61;
	v15 =	vmul.f32 v27, v27  }
0x2f3: {  	v12 =	vadd.f32 v7, v5;
	v5 =	vmul.f32 v30, v30;
	v7 =	vmul.f32 v3, v3  }
0x2f4: {  	v16 =	vsub.f32 v60, v52;
	v24 =	vadd.f32 v14, v15;
	v14 =	vmul.f32 v38, v38  }
0x2f5: {  	v27 =	vmul.f32 v31, v31;
	v15 =	vmul.f32 v8, v8;
	v23 =	vadd.f32 v7, v5  }
0x2f6: {  	v52 =	vperm.xlane v1, v4;
	v31 =	vadd.f32 v9, v14;
	v5 =	vsub.f32 v60, v6  }
0x2f7: {  	v14 =	vadd.f32 v27, v15;
	v27 =	vmul.f32 v50, v50;
	v6 =	vmul.f32 v54, v54  }
0x2f8: {  	v17 =	vsub.f32 v40, v10;
	v8 =	vmul.f32 v45, v45;
	v45 =	vld [tilespmem:s28+$0x1880];
	v7 =	vmul.f32 v32, v32  }
0x2f9: {  	v39 =	vadd.f32 v6, v27;
	v27 =	vmul.f32 v28, v28;
	v28 =	vmul.f32 v44, v44  }
0x2fa: {  	v46 =	vld [tilespmem:s26+$0x500];
	v1 =	vadd.f32 v7, v11;
	v7 =	vmul.f32 v18, v18;
	v18 =	vmul.f32 v33, v33  }
0x2fb: {  	v3 =	vmul.f32 v20, v20;
	v30 =	vadd.f32 v28, v27;
	v28 =	vmul.f32 v16, v16  }
0x2fc: {  	v20 =	vadd.f32 v18, v7;
	v16 =	vmul.f32 v53, v53;
	v7 =	vmul.f32 v17, v17  }
0x2fd: {  	v6 =	vadd.f32 v3, v58;
	v3 =	vimm.s32 $0xE;
	v18 =	vperm.xlane v45, v42  }
0x2fe: {  	v42 =	vadd.f32 v7, v16;
	v16 =	vperm.xlane v45, v3;
	v3 =	vld [tilespmem:$0x1F200]  }
0x2ff: {  	v29 =	vmul.f32 v29, v29;
	v9 =	vsub.f32 v22, v10;
	v56 =	vsub.f32 v46, v18  }
0x300: {  	v0 =	vperm.xlane v0, v4;
	v19 =	vsub.f32 v62, v10;
	v38 =	vmul.f32 v55, v55  }
0x301: {  	v9 =	vmul.f32 v9, v9;
	v11 =	vadd.f32 v29, v28;
	v28 =	vld [tilespmem:s26+$0x510];
	v58 =	vmul.f32 v56, v56  }
0x302: {  	v10 =	vmul.f32 v41, v41;
	v33 =	vsub.f32 v63, v52;
	v5 =	vmul.f32 v5, v5  }
0x303: {  	v55 =	vadd.f32 v9, v38;
	v9 =	vmul.f32 v19, v19;
	v3 =	vadd.f32 v58, v3  }
0x304: {  	[tilespmem:$0x1F1A0] =	vst v25;
	v61 =	vsub.f32 v22, v0;
	v15 =	vsub.f32 v25, v52  }
0x305: {  	v25 =	vadd.f32 v8, v10;
	v33 =	vmul.f32 v33, v33;
	v8 =	vadd.f32 v9, v5;
	[tilespmem:$0x1F210] =	vst v3;
	v3 =	vld [tilespmem:$0x1F220]  }
0x306: {  	v7 =	vmul.f32 v61, v61;
	v57 =	vsub.f32 v46, v16;
	v5 =	vsub.f32 v28, v18;
	_ =	sdelay $0x1  }
0x307: {  	v9 =	vadd.f32 v7, v33;
	v33 =	vmul.f32 v57, v57;
	v5 =	vmul.f32 v5, v5  }
0x308: {  	v29 =	vld [tilespmem:s26+$0x520]  }
0x309: {  	[tilespmem:$0x1F1D0] =	vst v22;
	v22 =	vadd.f32 v5, v3;
	v3 =	vadd.f32 v33, v34;
	_ =	sdelay $0x1  }
0x30a: {  	[tilespmem:$0x1F230] =	vst v3;
	v3 =	vimm.s32 $0xC  }
0x30b: {  	v61 =	vperm.xlane v45, v3;
	v3 =	vld [tilespmem:$0x1F240]  }
0x30c: {  	v18 =	vsub.f32 v29, v18;
	_ =	sdelay $0x1  }
0x30d: {  	v18 =	vmul.f32 v18, v18;
	_ =	sdelay $0x1  }
0x30e: {  	v3 =	vadd.f32 v18, v3  }
0x30f: {  	[tilespmem:$0x1F1C0] =	vst v63  }
0x310: {  	[tilespmem:$0x1F250] =	vst v3;
	v3 =	vld [tilespmem:$0x1F260]  }
0x311: {  	[tilespmem:$0x1F1E0] =	vst v60;
	v63 =	vsub.f32 v60, v52;
	v60 =	vsub.f32 v28, v16  }
0x312: {  	v41 =	vsub.f32 v40, v0  }
0x313: {  	[tilespmem:$0x1F1F0] =	vst v62;
	v0 =	vsub.f32 v62, v0;
	v16 =	vsub.f32 v29, v16;
	v62 =	vmul.f32 v60, v60;
	_ =	sdelay $0x1  }
0x314: {  	v18 =	vmul.f32 v16, v16;
	v3 =	vadd.f32 v62, v3  }
0x315: {  	v0 =	vmul.f32 v0, v0;
	v44 =	vmul.f32 v63, v63  }
0x316: {  	[tilespmem:$0x1F270] =	vst v3;
	v3 =	vadd.f32 v18, v13  }
0x317: {  	v27 =	vadd.f32 v0, v44;
	v0 =	vimm.s32 $0xD  }
0x318: {  	v0 =	vperm.xlane v45, v0;
	[tilespmem:$0x1F280] =	vst v3;
	v3 =	vimm.s32 $0xB  }
0x319: {  	v13 =	vperm.xlane v45, v3;
	v3 =	vld [tilespmem:$0x1F2A0]  }
0x31a: {  	v7 =	vsub.f32 v46, v0;
	v5 =	vsub.f32 v28, v0  }
0x31b: {  	v32 =	vmul.f32 v15, v15;
	v0 =	vsub.f32 v29, v0  }
0x31c: {  	v7 =	vmul.f32 v7, v7;
	v5 =	vmul.f32 v5, v5;
	v15 =	vsub.f32 v46, v61  }
0x31d: {  	v0 =	vmul.f32 v0, v0  }
0x31e: {  	v2 =	vadd.f32 v7, v2;
	v7 =	vmul.f32 v15, v15;
	v3 =	vadd.f32 v5, v3  }
0x31f: {  	v0 =	vadd.f32 v0, v48  }
0x320: {  	[tilespmem:$0x1F2B0] =	vst v3;
	v3 =	vadd.f32 v7, v21  }
0x321: {  	[tilespmem:$0x1F2D0] =	vst v0;
	v0 =	vsub.f32 v28, v13  }
0x322: {  	v49 =	vimm.s32 $0x6;
	v41 =	vmul.f32 v41, v41;
	[tilespmem:$0x1F2C0] =	vst v3;
	v3 =	vld [tilespmem:$0x1F2E0]  }
0x323: {  	v4 =	vimm.s32 $0x0;
	[tilespmem:$0x1F290] =	vst v2;
	v2 =	vsub.f32 v28, v61;
	v0 =	vmul.f32 v0, v0  }
0x324: {  	v38 =	vadd.f32 v41, v32;
	v41 =	vimm.s32 $0xA;
	v7 =	vsub.f32 v46, v13  }
0x325: {  	v2 =	vmul.f32 v2, v2;
	v48 =	vadd.f32 v0, v37;
	v0 =	vimm.s32 $0x8  }
0x326: {  	v13 =	vsub.f32 v29, v13;
	v0 =	vperm.xlane v45, v0;
	v21 =	vmul.f32 v7, v7  }
0x327: {  	v15 =	vsub.f32 v29, v61;
	v5 =	vperm.xlane v45, v41;
	v2 =	vadd.f32 v2, v3  }
0x328: {  	v13 =	vmul.f32 v13, v13;
	v34 =	vsub.f32 v28, v0;
	v36 =	vadd.f32 v21, v36  }
0x329: {  	v44 =	vperm.xlane v45, v49;
	v21 =	vsub.f32 v28, v5;
	v3 =	vld [tilespmem:$0x1F300];
	[tilespmem:$0x1F2F0] =	vst v2;
	v2 =	vsub.f32 v46, v5  }
0x32a: {  	v15 =	vmul.f32 v15, v15;
	v37 =	vadd.f32 v13, v35;
	v13 =	vsub.f32 v46, v0  }
0x32b: {  	v0 =	vsub.f32 v29, v0;
	v5 =	vsub.f32 v29, v5;
	v2 =	vmul.f32 v2, v2  }
0x32c: {  	v60 =	vsub.f32 v28, v44;
	v21 =	vmul.f32 v21, v21;
	v17 =	vmul.f32 v13, v13  }
0x32d: {  	[tilespmem:$0x1F1B0] =	vst v40;
	v18 =	vmul.f32 v0, v0;
	v40 =	vadd.f32 v2, v43;
	v2 =	vmul.f32 v5, v5  }
0x32e: {  	v53 =	vadd.f32 v15, v3;
	v43 =	vadd.f32 v21, v26;
	v21 =	vperm.xlane v45, v59  }
0x32f: {  	v3 =	vimm.s32 $0x9;
	v15 =	vmul.f32 v34, v34;
	v26 =	vadd.f32 v2, v51  }
0x330: {  	v19 =	vsub.f32 v46, v21;
	v50 =	vsub.f32 v28, v21;
	v2 =	vimm.s32 $0x5  }
0x331: {  	v52 =	vsub.f32 v29, v21;
	v21 =	vperm.xlane v45, v2;
	v2 =	vimm.s32 $0x4  }
0x332: {  	v63 =	vperm.xlane v45, v3;
	v32 =	vperm.xlane v45, v2;
	v2 =	vimm.s32 $0x3  }
0x333: {  	v61 =	vsub.f32 v29, v44;
	v57 =	vperm.xlane v45, v2;
	v2 =	vperm.xlane v45, v47  }
0x334: {  	v3 =	vimm.s32 $0x1;
	v54 =	vsub.f32 v46, v63;
	v58 =	vsub.f32 v28, v63  }
0x335: {  	v5 =	vperm.xlane v45, v4;
	v33 =	vsub.f32 v29, v63;
	v63 =	vsub.f32 v46, v2  }
0x336: {  	v16 =	vperm.xlane v45, v3;
	v3 =	vsub.f32 v28, v2;
	v2 =	vsub.f32 v29, v2  }
0x337: {  	v59 =	vsub.f32 v46, v44;
	v4 =	vmul.f32 v54, v54;
	v7 =	vmul.f32 v58, v58  }
0x338: {  	v10 =	vmul.f32 v33, v33;
	v44 =	vsub.f32 v46, v21;
	[tilespmem:$0x1F320] =	vst v2;
	v2 =	vsub.f32 v46, v16  }
0x339: {  	v0 =	vmul.f32 v19, v19;
	v47 =	vsub.f32 v28, v21;
	[tilespmem:$0x1F310] =	vst v3;
	v3 =	vsub.f32 v46, v5  }
0x33a: {  	v13 =	vmul.f32 v52, v52;
	v51 =	vsub.f32 v29, v21;
	[tilespmem:$0x1F330] =	vst v2;
	v2 =	vsub.f32 v28, v16  }
0x33b: {  	v52 =	vmul.f32 v61, v61;
	v54 =	vsub.f32 v46, v32;
	[tilespmem:$0x1F360] =	vst v3;
	v3 =	vsub.f32 v28, v5  }
0x33c: {  	v21 =	vmul.f32 v50, v50;
	v58 =	vsub.f32 v28, v32;
	[tilespmem:$0x1F340] =	vst v2;
	v2 =	vsub.f32 v29, v16  }
0x33d: {  	v45 =	vmul.f32 v59, v59;
	v32 =	vsub.f32 v29, v32;
	[tilespmem:$0x1F370] =	vst v3;
	v3 =	vsub.f32 v29, v5  }
0x33e: {  	v50 =	vmul.f32 v60, v60;
	v35 =	vsub.f32 v46, v57;
	v33 =	vsub.f32 v28, v57;
	[tilespmem:$0x1F350] =	vst v2  }
0x33f: {  	v34 =	vsub.f32 v29, v57;
	v57 =	vmul.f32 v44, v44;
	[tilespmem:$0x1F380] =	vst v3;
	v3 =	vimm.f32 $1.000000020e+30  }
0x340: {  	v59 =	vmul.f32 v47, v47;
	v61 =	vmul.f32 v54, v54;
	[tilespmem:$0x1F390] =	vst v3;
	v3 =	vimm.f32 $1.000000020e+30  }
0x341: {  	s26 =	simm.s32 $0x40;
	v47 =	vimm.f32 $1.000000020e+30;
	v60 =	vmul.f32 v58, v58;
	v2 =	vmul.f32 v51, v51;
	[tilespmem:$0x1F3A0] =	vst v3  }
.LBB2_7:
0x342: {  	v3 =	vld [tilespmem:$0x1F0A0];
	_ =	sdelay $0x4  }
0x343: {  	v54 =	vadd.f32 v4, v3;
	v3 =	vld [tilespmem:$0x1F0B0];
	_ =	sdelay $0x4  }
0x344: {  	v51 =	vadd.f32 v7, v3;
	v3 =	vld [tilespmem:$0x1F0D0];
	_ =	sdelay $0x4  }
0x345: {  	v44 =	vmul.f32 v35, v35;
	v35 =	vadd.f32 v17, v3;
	v3 =	vld [tilespmem:$0x1F0E0];
	_ =	sdelay $0x4  }
0x346: {  	v58 =	vadd.f32 v10, v3;
	v3 =	vld [tilespmem:$0x1F0F0];
	_ =	sdelay $0x4  }
0x347: {  	v17 =	vmul.f32 v33, v33;
	v33 =	vadd.f32 v15, v3;
	v3 =	vld [tilespmem:$0x1F100];
	_ =	sdelay $0x4  }
0x348: {  	v56 =	vadd.f32 v18, v3;
	v3 =	vld [tilespmem:$0x1F140];
	_ =	sdelay $0x4  }
0x349: {  	v0 =	vadd.f32 v0, v3;
	v3 =	vld [tilespmem:$0x1F150];
	_ =	sdelay $0x4  }
0x34a: {  	v21 =	vadd.f32 v21, v3;
	v3 =	vld [tilespmem:$0x1F160];
	_ =	sdelay $0x4  }
0x34b: {  	v45 =	vadd.f32 v45, v3;
	v3 =	vld [tilespmem:$0x1F170];
	_ =	sdelay $0x4  }
0x34c: {  	v13 =	vadd.f32 v13, v3;
	v3 =	vld [tilespmem:$0x1F310];
	_ =	sdelay $0x4  }
0x34d: {  	v16 =	vmul.f32 v3, v3;
	v3 =	vld [tilespmem:$0x1F180];
	_ =	sdelay $0x4  }
0x34e: {  	v50 =	vadd.f32 v50, v3;
	v3 =	vld [tilespmem:$0x1F190];
	_ =	sdelay $0x2  }
0x34f: {  	v4 =	vld [tilespmem:$0x1F330]  }
0x350: {  	v10 =	vld [tilespmem:$0x1F370]  }
0x351: {  	v19 =	vadd.f32 v52, v3;
	v3 =	vld [tilespmem:$0x1F320];
	_ =	sdelay $0x3  }
0x352: {  	v5 =	vadd.f32 v61, v23;
	v61 =	vmul.f32 v10, v10;
	v10 =	vld [tilespmem:$0x1F380]  }
0x353: {  	v52 =	vmul.f32 v3, v3;
	v3 =	vadd.f32 v59, v24;
	v59 =	vmul.f32 v4, v4;
	v4 =	vld [tilespmem:$0x1F340];
	_ =	sdelay $0x1  }
0x354: {  	v62 =	vmul.f32 v32, v32  }
0x355: {  	v15 =	vadd.f32 v60, v14  }
0x356: {  	v14 =	vadd.f32 v62, v1;
	v62 =	vmul.f32 v10, v10;
	v10 =	vadd.f32 v16, v6;
	v6 =	vld [tilespmem:$0x1F350]  }
0x357: {  	v7 =	vmul.f32 v4, v4;
	v4 =	vld [tilespmem:$0x1F360];
	_ =	sdelay $0x3  }
0x358: {  	v16 =	vmul.f32 v6, v6;
	v6 =	vld [tilespmem:$0x1F390]  }
0x359: {  	v4 =	vmul.f32 v4, v4;
	_ =	sdelay $0x1  }
0x35a: {  	v4 =	vadd.f32 v4, v38  }
0x35b: {  	v57 =	vadd.f32 v57, v12  }
0x35c: {  	v2 =	vadd.f32 v2, v31;
	v63 =	vmul.f32 v63, v63;
	v4 =	vmin.f32 v6, v4;
	v6 =	vld [tilespmem:$0x1F3A0]  }
0x35d: {  	v12 =	vadd.f32 v52, v11;
	v11 =	vadd.f32 v59, v42  }
0x35e: {  	v44 =	vadd.f32 v44, v25;
	v31 =	vadd.f32 v63, v20  }
0x35f: {  	v18 =	vmul.f32 v34, v34;
	v34 =	vadd.f32 v61, v9;
	v4 =	vmin.f32 v4, v11  }
0x360: {  	v7 =	vadd.f32 v7, v55;
	v4 =	vmin.f32 v4, v31  }
0x361: {  	v9 =	vadd.f32 v16, v8;
	v4 =	vmin.f32 v4, v44;
	v16 =	vmin.f32 v6, v34  }
0x362: {  	v17 =	vadd.f32 v17, v39;
	v4 =	vmin.f32 v4, v5;
	v7 =	vmin.f32 v16, v7  }
0x363: {  	v4 =	vmin.f32 v4, v57;
	v7 =	vmin.f32 v7, v10  }
0x364: {  	v4 =	vmin.f32 v4, v45;
	v7 =	vmin.f32 v7, v17  }
0x365: {  	v0 =	vmin.f32 v4, v0;
	v4 =	vld [tilespmem:$0x1F2C0];
	v5 =	vmin.f32 v7, v15  }
0x366: {  	v32 =	vadd.f32 v62, v27;
	v0 =	vmin.f32 v0, v35;
	v3 =	vmin.f32 v5, v3;
	v5 =	vld [tilespmem:$0x1F290]  }
0x367: {  	v6 =	vld [tilespmem:$0x1F230];
	v0 =	vmin.f32 v0, v54  }
0x368: {  	v18 =	vadd.f32 v18, v30;
	v30 =	vmin.f32 v47, v32;
	v0 =	vmin.f32 v0, v40  }
0x369: {  	v9 =	vmin.f32 v30, v9;
	v3 =	vmin.f32 v3, v50;
	v0 =	vmin.f32 v0, v36  }
0x36a: {  	v9 =	vmin.f32 v9, v12;
	v3 =	vmin.f32 v3, v21;
	v4 =	vmin.f32 v0, v4;
	v0 =	vld [tilespmem:$0x1F2F0]  }
0x36b: {  	v9 =	vmin.f32 v9, v18;
	v3 =	vmin.f32 v3, v33;
	v4 =	vmin.f32 v4, v5;
	v5 =	vld [tilespmem:$0x1F2B0]  }
0x36c: {  	v7 =	vmin.f32 v9, v14;
	v3 =	vmin.f32 v3, v51;
	v4 =	vmin.f32 v4, v6;
	v6 =	vld [tilespmem:$0x1F270]  }
0x36d: {  	v2 =	vmin.f32 v7, v2;
	v3 =	vmin.f32 v3, v43  }
0x36e: {  	v2 =	vmin.f32 v2, v19;
	v3 =	vmin.f32 v3, v48  }
0x36f: {  	v2 =	vmin.f32 v2, v13;
	v3 =	vmin.f32 v3, v0  }
0x370: {  	v2 =	vmin.f32 v2, v56;
	v3 =	vmin.f32 v3, v5;
	v5 =	vld [tilespmem:$0x1F2D0]  }
0x371: {  	v2 =	vmin.f32 v2, v58;
	v3 =	vmin.f32 v3, v6;
	v6 =	vld [tilespmem:$0x1F280]  }
0x372: {  	v2 =	vmin.f32 v2, v26  }
0x373: {  	v2 =	vmin.f32 v2, v37  }
0x374: {  	s28 =	sshra.s32 s26, $0x2;
	v2 =	vmin.f32 v2, v53  }
0x375: {  	v1 =	vld [tilespmem:s28+$0x1880];
	v5 =	vmin.f32 v2, v5  }
0x376: {  	v3 =	vmin.f32 v3, v22;
	v5 =	vmin.f32 v5, v6;
	v6 =	vld [tilespmem:$0x1F210]  }
0x377: {  	[tilespmem:$0x1F3A0] =	vst v3;
	v3 =	vld [tilespmem:$0x1F250];
	_ =	sdelay $0x1  }
0x378: {  	v20 =	vimm.s32 $0xF  }
0x379: {  	v63 =	vperm.xlane v1, v20  }
0x37a: {  	v0 =	vld [tilespmem:s28+$0x780];
	v4 =	vmin.f32 v4, v6  }
0x37b: {  	v2 =	vld [tilespmem:s28+$0x1000];
	v3 =	vmin.f32 v5, v3;
	v6 =	vimm.s32 $0xE;
	[tilespmem:$0x1F390] =	vst v4;
	v4 =	vsub.f32 v46, v63  }
0x37c: {  	v27 =	vld [tilespmem:$0x1F1A0];
	v7 =	vimm.s32 $0xD;
	v5 =	vsub.f32 v29, v63;
	[tilespmem:$0x1EF60] =	vst v3;
	v3 =	vperm.xlane v1, v6  }
0x37d: {  	v43 =	vld [tilespmem:$0x1F1B0];
	[tilespmem:$0x1E730] =	vst v4;
	v4 =	vperm.xlane v1, v7  }
0x37e: {  	v60 =	vld [tilespmem:$0x1F1E0];
	[tilespmem:$0x1E740] =	vst v5;
	v5 =	vsub.f32 v46, v3;
	v8 =	vsub.f32 v28, v3  }
0x37f: {  	v44 =	vld [tilespmem:$0x1F1C0];
	v10 =	vperm.xlane v0, v20;
	v23 =	vsub.f32 v29, v3;
	v48 =	vsub.f32 v46, v4  }
0x380: {  	v3 =	vperm.xlane v2, v20;
	v37 =	vsub.f32 v28, v4;
	v4 =	vsub.f32 v29, v4  }
0x381: {  	[tilespmem:$0x1E750] =	vst v8;
	v8 =	vimm.s32 $0xC  }
0x382: {  	v12 =	vsub.f32 v27, v10;
	v9 =	vsub.f32 v43, v3;
	[tilespmem:$0x1E760] =	vst v4;
	v4 =	vperm.xlane v1, v8  }
0x383: {  	v47 =	vld [tilespmem:$0x1F1D0];
	v11 =	vperm.xlane v0, v6;
	v13 =	vperm.xlane v2, v6;
	v6 =	vsub.f32 v60, v10  }
0x384: {  	[tilespmem:$0x1E770] =	vst v9;
	v9 =	vsub.f32 v44, v10;
	v38 =	vsub.f32 v46, v4  }
0x385: {  	v10 =	vsub.f32 v28, v4;
	v4 =	vsub.f32 v29, v4;
	_ =	sdelay $0x1  }
0x386: {  	v61 =	vld [tilespmem:$0x1F1F0];
	v14 =	vperm.xlane v2, v7;
	[tilespmem:$0x1E7B0] =	vst v4;
	v4 =	vperm.xlane v0, v7;
	v7 =	vsub.f32 v43, v13  }
0x387: {  	[tilespmem:$0x1E780] =	vst v9;
	v9 =	vsub.f32 v47, v3  }
0x388: {  	[tilespmem:$0x1E7D0] =	vst v7;
	v7 =	vsub.f32 v44, v11  }
0x389: {  	[tilespmem:$0x1E790] =	vst v9  }
0x38a: {  	v9 =	vimm.s32 $0xB;
	[tilespmem:$0x1E7E0] =	vst v7;
	v7 =	vsub.f32 v47, v13  }
0x38b: {  	v57 =	vsub.f32 v61, v3;
	[tilespmem:$0x1E7A0] =	vst v10;
	v3 =	vperm.xlane v1, v9  }
0x38c: {  	v10 =	vsub.f32 v27, v11;
	[tilespmem:$0x1E7F0] =	vst v7;
	v7 =	vsub.f32 v60, v11  }
0x38d: {  	v25 =	vsub.f32 v46, v3;
	v42 =	vsub.f32 v29, v3;
	v11 =	vperm.xlane v0, v8  }
0x38e: {  	[tilespmem:$0x1E800] =	vst v7;
	v7 =	vsub.f32 v28, v3;
	v3 =	vperm.xlane v2, v8;
	v8 =	vsub.f32 v27, v4;
	_ =	sdelay $0x1  }
0x38f: {  	[tilespmem:$0x1E820] =	vst v8;
	v8 =	vsub.f32 v43, v14;
	_ =	sdelay $0x1  }
0x390: {  	[tilespmem:$0x1E830] =	vst v8;
	v8 =	vsub.f32 v44, v4;
	_ =	sdelay $0x1  }
0x391: {  	v15 =	vperm.xlane v1, v41;
	[tilespmem:$0x1E840] =	vst v8;
	v8 =	vsub.f32 v47, v14;
	_ =	sdelay $0x1  }
0x392: {  	v16 =	vsub.f32 v61, v13;
	v17 =	vperm.xlane v0, v9;
	[tilespmem:$0x1E850] =	vst v8;
	v8 =	vsub.f32 v28, v15  }
0x393: {  	v18 =	vperm.xlane v2, v9;
	[tilespmem:$0x1E810] =	vst v7;
	v22 =	vsub.f32 v43, v3;
	v9 =	vsub.f32 v47, v3  }
0x394: {  	v7 =	vimm.s32 $0x9;
	v35 =	vsub.f32 v61, v3;
	[tilespmem:$0x1E870] =	vst v8;
	v8 =	vsub.f32 v27, v11  }
0x395: {  	v13 =	vperm.xlane v1, v7;
	v3 =	vperm.xlane v2, v7;
	[tilespmem:$0x1E8A0] =	vst v9;
	v9 =	vsub.f32 v60, v11  }
0x396: {  	[tilespmem:$0x1E880] =	vst v8;
	v8 =	vsub.f32 v44, v11;
	v11 =	vperm.xlane v0, v7;
	v7 =	vsub.f32 v27, v17;
	_ =	sdelay $0x1  }
0x397: {  	[tilespmem:$0x1E8C0] =	vst v7;
	v7 =	vsub.f32 v43, v18  }
0x398: {  	[tilespmem:$0x1E7C0] =	vst v10;
	v4 =	vsub.f32 v60, v4  }
0x399: {  	[tilespmem:$0x1E8D0] =	vst v7;
	v7 =	vsub.f32 v44, v17  }
0x39a: {  	v39 =	vsub.f32 v46, v15;
	[tilespmem:$0x1E860] =	vst v4;
	v4 =	vimm.s32 $0x8  }
0x39b: {  	v55 =	vsub.f32 v61, v14;
	v14 =	vperm.xlane v1, v4;
	[tilespmem:$0x1E8E0] =	vst v7;
	v7 =	vsub.f32 v47, v18  }
0x39c: {  	[tilespmem:$0x1E8B0] =	vst v9;
	v21 =	vperm.xlane v0, v4;
	v30 =	vperm.xlane v2, v4;
	v4 =	vsub.f32 v60, v17  }
0x39d: {  	v54 =	vsub.f32 v29, v15;
	v15 =	vperm.xlane v2, v41;
	[tilespmem:$0x1E8F0] =	vst v7;
	v7 =	vsub.f32 v29, v14  }
0x39e: {  	[tilespmem:$0x1E900] =	vst v4;
	v10 =	vsub.f32 v47, v30  }
0x39f: {  	[tilespmem:$0x1E910] =	vst v7;
	v7 =	vsub.f32 v43, v15  }
0x3a0: {  	v19 =	vperm.xlane v0, v41;
	v26 =	vsub.f32 v46, v13;
	v51 =	vsub.f32 v28, v13;
	[tilespmem:$0x1E9D0] =	vst v10  }
0x3a1: {  	v59 =	vsub.f32 v29, v13;
	v13 =	vperm.xlane v1, v49;
	[tilespmem:$0x1E920] =	vst v7;
	v7 =	vsub.f32 v47, v15  }
0x3a2: {  	v4 =	vimm.s32 $0x5;
	v10 =	vsub.f32 v60, v21;
	[tilespmem:$0x1E890] =	vst v8;
	v8 =	vimm.s32 $0x7  }
0x3a3: {  	v32 =	vperm.xlane v0, v4;
	v20 =	vperm.xlane v1, v8;
	[tilespmem:$0x1E930] =	vst v7;
	v7 =	vsub.f32 v60, v19  }
0x3a4: {  	v36 =	vperm.xlane v2, v4;
	[tilespmem:$0x1E9E0] =	vst v10;
	v17 =	vperm.xlane v1, v4;
	v4 =	vsub.f32 v46, v13  }
0x3a5: {  	[tilespmem:$0x1E940] =	vst v7;
	v7 =	vsub.f32 v46, v20  }
0x3a6: {  	[tilespmem:$0x1EE90] =	vst v4;
	v4 =	vsub.f32 v28, v13  }
0x3a7: {  	[tilespmem:$0x1EE00] =	vst v7;
	v7 =	vsub.f32 v61, v15  }
0x3a8: {  	v10 =	vsub.f32 v46, v17;
	[tilespmem:$0x1EEE0] =	vst v4  }
0x3a9: {  	[tilespmem:$0x1E950] =	vst v7;
	v7 =	vsub.f32 v28, v20  }
0x3aa: {  	v4 =	vsub.f32 v29, v13;
	[tilespmem:$0x1EF40] =	vst v10  }
0x3ab: {  	v24 =	vsub.f32 v28, v63;
	[tilespmem:$0x1EE30] =	vst v7;
	v7 =	vsub.f32 v29, v20  }
0x3ac: {  	v62 =	vsub.f32 v27, v19;
	[tilespmem:$0x1EF10] =	vst v4;
	v4 =	vsub.f32 v43, v30  }
0x3ad: {  	v63 =	vsub.f32 v44, v19;
	v9 =	vimm.s32 $0x3;
	[tilespmem:$0x1EE40] =	vst v7;
	v7 =	vsub.f32 v27, v11  }
0x3ae: {  	v40 =	vsub.f32 v61, v18;
	v33 =	vperm.xlane v0, v9;
	[tilespmem:$0x1E9B0] =	vst v4;
	v4 =	vsub.f32 v44, v21  }
0x3af: {  	v34 =	vperm.xlane v2, v9;
	v56 =	vsub.f32 v46, v14;
	[tilespmem:$0x1E960] =	vst v7;
	v7 =	vsub.f32 v43, v3  }
0x3b0: {  	v41 =	vsub.f32 v28, v14;
	[tilespmem:$0x1E9C0] =	vst v4;
	v20 =	vperm.xlane v1, v9;
	v9 =	vsub.f32 v28, v17  }
0x3b1: {  	v18 =	vperm.xlane v0, v8;
	v14 =	vperm.xlane v2, v8;
	[tilespmem:$0x1E970] =	vst v7;
	v7 =	vsub.f32 v44, v11  }
0x3b2: {  	v8 =	vimm.s32 $0x4;
	v13 =	vsub.f32 v27, v21;
	[tilespmem:$0x1EF80] =	vst v9;
	v9 =	vsub.f32 v29, v17  }
0x3b3: {  	v19 =	vperm.xlane v0, v49;
	[tilespmem:$0x1E980] =	vst v7;
	v7 =	vsub.f32 v47, v3;
	v3 =	vsub.f32 v61, v3  }
0x3b4: {  	v4 =	vimm.s32 $0x1;
	v15 =	vperm.xlane v2, v49;
	[tilespmem:$0x1EFB0] =	vst v9;
	v9 =	vimm.s32 $0x0  }
0x3b5: {  	v21 =	vperm.xlane v0, v4;
	v10 =	vperm.xlane v0, v9;
	[tilespmem:$0x1E9A0] =	vst v3;
	v3 =	vimm.s32 $0x2  }
0x3b6: {  	[tilespmem:$0x1E990] =	vst v7;
	v7 =	vperm.xlane v0, v8;
	v45 =	vperm.xlane v0, v3;
	v0 =	vsub.f32 v47, v15;
	_ =	sdelay $0x1  }
0x3b7: {  	[tilespmem:$0x1EA30] =	vst v0;
	v0 =	vld [tilespmem:$0x1E730];
	_ =	sdelay $0x4  }
0x3b8: {  	v0 =	vmul.f32 v0, v0;
	_ =	sdelay $0x1  }
0x3b9: {  	[tilespmem:$0x1EE50] =	vst v0;
	v0 =	vmul.f32 v24, v24;
	_ =	sdelay $0x1  }
0x3ba: {  	[tilespmem:$0x1EE70] =	vst v0;
	v0 =	vsub.f32 v46, v20;
	_ =	sdelay $0x1  }
0x3bb: {  	[tilespmem:$0x1EED0] =	vst v0;
	v0 =	vmul.f32 v5, v5;
	_ =	sdelay $0x1  }
0x3bc: {  	[tilespmem:$0x1EEA0] =	vst v0;
	v0 =	vld [tilespmem:$0x1E740];
	_ =	sdelay $0x4  }
0x3bd: {  	v0 =	vmul.f32 v0, v0;
	_ =	sdelay $0x1  }
0x3be: {  	[tilespmem:$0x1EEC0] =	vst v0;
	v0 =	vsub.f32 v28, v20;
	_ =	sdelay $0x1  }
0x3bf: {  	[tilespmem:$0x1EE80] =	vst v0;
	v0 =	vld [tilespmem:$0x1E750];
	_ =	sdelay $0x4  }
0x3c0: {  	v0 =	vmul.f32 v0, v0;
	_ =	sdelay $0x1  }
0x3c1: {  	[tilespmem:$0x1EEF0] =	vst v0;
	v0 =	vmul.f32 v23, v23;
	_ =	sdelay $0x1  }
0x3c2: {  	[tilespmem:$0x1EF00] =	vst v0;
	v0 =	vsub.f32 v29, v20;
	_ =	sdelay $0x1  }
0x3c3: {  	[tilespmem:$0x1EEB0] =	vst v0;
	v0 =	vmul.f32 v48, v48;
	_ =	sdelay $0x1  }
0x3c4: {  	[tilespmem:$0x1EF20] =	vst v0;
	v0 =	vmul.f32 v37, v37;
	_ =	sdelay $0x1  }
0x3c5: {  	[tilespmem:$0x1EF30] =	vst v0;
	v0 =	vld [tilespmem:$0x1E760];
	_ =	sdelay $0x4  }
0x3c6: {  	v0 =	vmul.f32 v0, v0;
	_ =	sdelay $0x1  }
0x3c7: {  	[tilespmem:$0x1EF70] =	vst v0;
	v0 =	vsub.f32 v43, v36;
	_ =	sdelay $0x1  }
0x3c8: {  	[tilespmem:$0x1EA40] =	vst v0;
	v0 =	vld [tilespmem:$0x1E770];
	_ =	sdelay $0x4  }
0x3c9: {  	v0 =	vmul.f32 v0, v0;
	_ =	sdelay $0x1  }
0x3ca: {  	[tilespmem:$0x1EAC0] =	vst v0;
	v0 =	vld [tilespmem:$0x1E780];
	_ =	sdelay $0x4  }
0x3cb: {  	v0 =	vmul.f32 v0, v0;
	_ =	sdelay $0x1  }
0x3cc: {  	[tilespmem:$0x1EAD0] =	vst v0;
	v0 =	vsub.f32 v44, v32;
	_ =	sdelay $0x1  }
0x3cd: {  	[tilespmem:$0x1EA50] =	vst v0;
	v0 =	vld [tilespmem:$0x1E790];
	_ =	sdelay $0x4  }
0x3ce: {  	v0 =	vmul.f32 v0, v0;
	_ =	sdelay $0x1  }
0x3cf: {  	[tilespmem:$0x1EAE0] =	vst v0;
	v0 =	vmul.f32 v6, v6;
	_ =	sdelay $0x1  }
0x3d0: {  	[tilespmem:$0x1EB10] =	vst v0;
	v0 =	vmul.f32 v38, v38;
	_ =	sdelay $0x1  }
0x3d1: {  	[tilespmem:$0x1EF50] =	vst v0;
	v0 =	vld [tilespmem:$0x1E7A0];
	_ =	sdelay $0x4  }
0x3d2: {  	v0 =	vmul.f32 v0, v0;
	_ =	sdelay $0x1  }
0x3d3: {  	[tilespmem:$0x1EF90] =	vst v0;
	v0 =	vld [tilespmem:$0x1E7B0];
	_ =	sdelay $0x4  }
0x3d4: {  	v0 =	vmul.f32 v0, v0;
	_ =	sdelay $0x1  }
0x3d5: {  	[tilespmem:$0x1EFA0] =	vst v0;
	v0 =	vsub.f32 v61, v36;
	_ =	sdelay $0x1  }
0x3d6: {  	[tilespmem:$0x1EA60] =	vst v0;
	v0 =	vld [tilespmem:$0x1E7C0];
	_ =	sdelay $0x4  }
0x3d7: {  	v0 =	vmul.f32 v0, v0;
	_ =	sdelay $0x1  }
0x3d8: {  	[tilespmem:$0x1EAF0] =	vst v0;
	v0 =	vld [tilespmem:$0x1E7D0];
	_ =	sdelay $0x4  }
0x3d9: {  	v58 =	vperm.xlane v1, v3;
	v0 =	vmul.f32 v0, v0;
	_ =	sdelay $0x1  }
0x3da: {  	[tilespmem:$0x1EB00] =	vst v0;
	v0 =	vsub.f32 v46, v58;
	_ =	sdelay $0x1  }
0x3db: {  	[tilespmem:$0x1F000] =	vst v0;
	v0 =	vld [tilespmem:$0x1E7E0];
	_ =	sdelay $0x4  }
0x3dc: {  	v0 =	vmul.f32 v0, v0;
	_ =	sdelay $0x1  }
0x3dd: {  	[tilespmem:$0x1EB20] =	vst v0;
	v0 =	vld [tilespmem:$0x1E7F0];
	_ =	sdelay $0x4  }
0x3de: {  	v0 =	vmul.f32 v0, v0;
	_ =	sdelay $0x1  }
0x3df: {  	[tilespmem:$0x1EB30] =	vst v0;
	v0 =	vsub.f32 v28, v58;
	_ =	sdelay $0x1  }
0x3e0: {  	[tilespmem:$0x1F310] =	vst v0;
	v0 =	vld [tilespmem:$0x1E800];
	_ =	sdelay $0x4  }
0x3e1: {  	v0 =	vmul.f32 v0, v0;
	_ =	sdelay $0x1  }
0x3e2: {  	[tilespmem:$0x1EB40] =	vst v0;
	v0 =	vmul.f32 v16, v16;
	_ =	sdelay $0x1  }
0x3e3: {  	[tilespmem:$0x1EB50] =	vst v0;
	v0 =	vsub.f32 v29, v58;
	_ =	sdelay $0x1  }
0x3e4: {  	[tilespmem:$0x1F320] =	vst v0;
	v0 =	vmul.f32 v25, v25;
	_ =	sdelay $0x1  }
0x3e5: {  	[tilespmem:$0x1EFC0] =	vst v0;
	v0 =	vld [tilespmem:$0x1E810];
	_ =	sdelay $0x4  }
0x3e6: {  	v0 =	vmul.f32 v0, v0;
	_ =	sdelay $0x1  }
0x3e7: {  	[tilespmem:$0x1EFD0] =	vst v0;
	v0 =	vmul.f32 v42, v42;
	_ =	sdelay $0x1  }
0x3e8: {  	[tilespmem:$0x1F010] =	vst v0;
	v0 =	vld [tilespmem:$0x1E820];
	_ =	sdelay $0x2  }
0x3e9: {  	v31 =	vperm.xlane v1, v8;
	v8 =	vperm.xlane v2, v8;
	_ =	sdelay $0x1  }
0x3ea: {  	v58 =	vmul.f32 v0, v0;
	v0 =	vsub.f32 v43, v8;
	_ =	sdelay $0x1  }
0x3eb: {  	[tilespmem:$0x1EA70] =	vst v0;
	v0 =	vld [tilespmem:$0x1E830];
	_ =	sdelay $0x4  }
0x3ec: {  	v0 =	vmul.f32 v0, v0;
	_ =	sdelay $0x1  }
0x3ed: {  	[tilespmem:$0x1EB60] =	vst v0;
	v0 =	vld [tilespmem:$0x1E840];
	_ =	sdelay $0x4  }
0x3ee: {  	v0 =	vmul.f32 v0, v0;
	_ =	sdelay $0x1  }
0x3ef: {  	[tilespmem:$0x1EB70] =	vst v0;
	v0 =	vsub.f32 v44, v7;
	_ =	sdelay $0x1  }
0x3f0: {  	[tilespmem:$0x1EA80] =	vst v0;
	v0 =	vld [tilespmem:$0x1E850];
	_ =	sdelay $0x4  }
0x3f1: {  	v0 =	vmul.f32 v0, v0;
	_ =	sdelay $0x1  }
0x3f2: {  	[tilespmem:$0x1EB80] =	vst v0;
	v0 =	vld [tilespmem:$0x1E860];
	_ =	sdelay $0x4  }
0x3f3: {  	v0 =	vmul.f32 v0, v0;
	_ =	sdelay $0x1  }
0x3f4: {  	[tilespmem:$0x1EBB0] =	vst v0;
	v0 =	vsub.f32 v47, v8;
	_ =	sdelay $0x1  }
0x3f5: {  	[tilespmem:$0x1EA90] =	vst v0;
	v0 =	vmul.f32 v39, v39;
	_ =	sdelay $0x1  }
0x3f6: {  	[tilespmem:$0x1EFF0] =	vst v0;
	v0 =	vmul.f32 v55, v55;
	_ =	sdelay $0x1  }
0x3f7: {  	[tilespmem:$0x1EBC0] =	vst v0;
	v0 =	vsub.f32 v60, v7;
	_ =	sdelay $0x1  }
0x3f8: {  	[tilespmem:$0x1EAA0] =	vst v0;
	v0 =	vld [tilespmem:$0x1E870];
	_ =	sdelay $0x4  }
0x3f9: {  	v0 =	vmul.f32 v0, v0;
	_ =	sdelay $0x1  }
0x3fa: {  	[tilespmem:$0x1F040] =	vst v0;
	v0 =	vmul.f32 v54, v54;
	_ =	sdelay $0x1  }
0x3fb: {  	[tilespmem:$0x1F060] =	vst v0;
	v0 =	vsub.f32 v61, v8;
	_ =	sdelay $0x1  }
0x3fc: {  	[tilespmem:$0x1EAB0] =	vst v0;
	v0 =	vld [tilespmem:$0x1E880];
	_ =	sdelay $0x4  }
0x3fd: {  	v0 =	vmul.f32 v0, v0;
	_ =	sdelay $0x1  }
0x3fe: {  	v53 =	vperm.xlane v1, v4;
	[tilespmem:$0x1EB90] =	vst v0;
	v0 =	vmul.f32 v22, v22;
	_ =	sdelay $0x1  }
0x3ff: {  	[tilespmem:$0x1EBA0] =	vst v0;
	v0 =	vsub.f32 v46, v53;
	_ =	sdelay $0x1  }
0x400: {  	[tilespmem:$0x1F330] =	vst v0;
	v0 =	vld [tilespmem:$0x1E890];
	_ =	sdelay $0x4  }
0x401: {  	v0 =	vmul.f32 v0, v0;
	_ =	sdelay $0x1  }
0x402: {  	[tilespmem:$0x1EBD0] =	vst v0;
	v0 =	vld [tilespmem:$0x1E8A0];
	_ =	sdelay $0x4  }
0x403: {  	v0 =	vmul.f32 v0, v0;
	_ =	sdelay $0x1  }
0x404: {  	[tilespmem:$0x1EBE0] =	vst v0;
	v0 =	vsub.f32 v28, v53;
	_ =	sdelay $0x1  }
0x405: {  	[tilespmem:$0x1F340] =	vst v0;
	v0 =	vld [tilespmem:$0x1E8B0];
	_ =	sdelay $0x4  }
0x406: {  	v0 =	vmul.f32 v0, v0;
	_ =	sdelay $0x1  }
0x407: {  	[tilespmem:$0x1EBF0] =	vst v0;
	v0 =	vmul.f32 v35, v35;
	_ =	sdelay $0x1  }
0x408: {  	[tilespmem:$0x1EC00] =	vst v0;
	v0 =	vsub.f32 v29, v53;
	_ =	sdelay $0x1  }
0x409: {  	[tilespmem:$0x1F350] =	vst v0;
	v0 =	vmul.f32 v26, v26;
	_ =	sdelay $0x1  }
0x40a: {  	[tilespmem:$0x1EE10] =	vst v0;
	v0 =	vmul.f32 v51, v51;
	_ =	sdelay $0x1  }
0x40b: {  	[tilespmem:$0x1EDF0] =	vst v0;
	v0 =	vmul.f32 v59, v59;
	_ =	sdelay $0x1  }
0x40c: {  	[tilespmem:$0x1EE20] =	vst v0;
	v0 =	vld [tilespmem:$0x1E8C0];
	_ =	sdelay $0x4  }
0x40d: {  	v0 =	vmul.f32 v0, v0;
	_ =	sdelay $0x1  }
0x40e: {  	[tilespmem:$0x1EC10] =	vst v0;
	v0 =	vld [tilespmem:$0x1E8D0];
	_ =	sdelay $0x4  }
0x40f: {  	v0 =	vmul.f32 v0, v0;
	_ =	sdelay $0x1  }
0x410: {  	[tilespmem:$0x1EC20] =	vst v0;
	v0 =	vld [tilespmem:$0x1E8E0];
	_ =	sdelay $0x4  }
0x411: {  	v0 =	vmul.f32 v0, v0;
	_ =	sdelay $0x1  }
0x412: {  	[tilespmem:$0x1EC30] =	vst v0;
	v0 =	vld [tilespmem:$0x1E8F0];
	_ =	sdelay $0x4  }
0x413: {  	v0 =	vmul.f32 v0, v0;
	_ =	sdelay $0x1  }
0x414: {  	[tilespmem:$0x1EC40] =	vst v0;
	v0 =	vld [tilespmem:$0x1E900];
	_ =	sdelay $0x4  }
0x415: {  	v0 =	vmul.f32 v0, v0;
	_ =	sdelay $0x1  }
0x416: {  	[tilespmem:$0x1EC60] =	vst v0;
	v0 =	vmul.f32 v56, v56;
	_ =	sdelay $0x1  }
0x417: {  	[tilespmem:$0x1EDE0] =	vst v0;
	v0 =	vmul.f32 v40, v40;
	_ =	sdelay $0x1  }
0x418: {  	[tilespmem:$0x1EC70] =	vst v0;
	v0 =	vmul.f32 v41, v41;
	_ =	sdelay $0x1  }
0x419: {  	[tilespmem:$0x1EDC0] =	vst v0;
	v0 =	vld [tilespmem:$0x1E910];
	_ =	sdelay $0x4  }
0x41a: {  	v0 =	vmul.f32 v0, v0;
	_ =	sdelay $0x1  }
0x41b: {  	[tilespmem:$0x1EDD0] =	vst v0;
	v0 =	vld [tilespmem:$0x1E920];
	_ =	sdelay $0x4  }
0x41c: {  	v49 =	vperm.xlane v1, v9;
	v0 =	vmul.f32 v0, v0;
	_ =	sdelay $0x1  }
0x41d: {  	[tilespmem:$0x1EC50] =	vst v0;
	v0 =	vsub.f32 v46, v49;
	_ =	sdelay $0x1  }
0x41e: {  	[tilespmem:$0x1F360] =	vst v0;
	v0 =	vmul.f32 v63, v63;
	_ =	sdelay $0x1  }
0x41f: {  	[tilespmem:$0x1EC80] =	vst v0;
	v0 =	vld [tilespmem:$0x1E930];
	_ =	sdelay $0x4  }
0x420: {  	v0 =	vmul.f32 v0, v0;
	_ =	sdelay $0x1  }
0x421: {  	[tilespmem:$0x1EC90] =	vst v0;
	v0 =	vsub.f32 v28, v49;
	_ =	sdelay $0x1  }
0x422: {  	[tilespmem:$0x1F370] =	vst v0;
	v0 =	vld [tilespmem:$0x1E940];
	_ =	sdelay $0x4  }
0x423: {  	v0 =	vmul.f32 v0, v0;
	_ =	sdelay $0x1  }
0x424: {  	[tilespmem:$0x1ECA0] =	vst v0;
	v0 =	vld [tilespmem:$0x1E950];
	_ =	sdelay $0x4  }
0x425: {  	v0 =	vmul.f32 v0, v0;
	_ =	sdelay $0x1  }
0x426: {  	[tilespmem:$0x1ECB0] =	vst v0;
	v0 =	vsub.f32 v29, v49;
	_ =	sdelay $0x1  }
0x427: {  	[tilespmem:$0x1F380] =	vst v0;
	v0 =	vld [tilespmem:$0x1E960];
	_ =	sdelay $0x4  }
0x428: {  	v0 =	vmul.f32 v0, v0;
	_ =	sdelay $0x1  }
0x429: {  	[tilespmem:$0x1ECC0] =	vst v0;
	v0 =	vld [tilespmem:$0x1E970];
	_ =	sdelay $0x4  }
0x42a: {  	v0 =	vmul.f32 v0, v0;
	_ =	sdelay $0x1  }
0x42b: {  	[tilespmem:$0x1ECD0] =	vst v0;
	v0 =	vld [tilespmem:$0x1E980];
	_ =	sdelay $0x4  }
0x42c: {  	v0 =	vmul.f32 v0, v0;
	_ =	sdelay $0x1  }
0x42d: {  	[tilespmem:$0x1ECE0] =	vst v0;
	v0 =	vld [tilespmem:$0x1E990];
	_ =	sdelay $0x4  }
0x42e: {  	v11 =	vsub.f32 v60, v11;
	v0 =	vmul.f32 v0, v0;
	_ =	sdelay $0x1  }
0x42f: {  	[tilespmem:$0x1ECF0] =	vst v0;
	v0 =	vmul.f32 v11, v11;
	_ =	sdelay $0x1  }
0x430: {  	[tilespmem:$0x1ED20] =	vst v0;
	v0 =	vld [tilespmem:$0x1E9A0];
	_ =	sdelay $0x4  }
0x431: {  	v0 =	vmul.f32 v0, v0;
	_ =	sdelay $0x1  }
0x432: {  	[tilespmem:$0x1ED30] =	vst v0;
	v0 =	vmul.f32 v13, v13;
	_ =	sdelay $0x1  }
0x433: {  	[tilespmem:$0x1ED00] =	vst v0;
	v0 =	vld [tilespmem:$0x1E9B0];
	_ =	sdelay $0x4  }
0x434: {  	v0 =	vmul.f32 v0, v0;
	_ =	sdelay $0x1  }
0x435: {  	[tilespmem:$0x1ED10] =	vst v0;
	v0 =	vld [tilespmem:$0x1E9C0];
	_ =	sdelay $0x4  }
0x436: {  	v0 =	vmul.f32 v0, v0;
	_ =	sdelay $0x1  }
0x437: {  	[tilespmem:$0x1ED40] =	vst v0;
	v0 =	vld [tilespmem:$0x1E9D0];
	_ =	sdelay $0x4  }
0x438: {  	v0 =	vmul.f32 v0, v0;
	_ =	sdelay $0x1  }
0x439: {  	[tilespmem:$0x1ED50] =	vst v0;
	v0 =	vld [tilespmem:$0x1E9E0];
	_ =	sdelay $0x4  }
0x43a: {  	v30 =	vsub.f32 v61, v30;
	v0 =	vmul.f32 v0, v0  }
0x43b: {  	v1 =	vsub.f32 v27, v18  }
0x43c: {  	[tilespmem:$0x1ED60] =	vst v0;
	v0 =	vmul.f32 v30, v30  }
0x43d: {  	[tilespmem:$0x1E9F0] =	vst v1  }
0x43e: {  	[tilespmem:$0x1ED70] =	vst v0;
	v0 =	vld [tilespmem:$0x1E9F0];
	_ =	sdelay $0x1  }
0x43f: {  	v1 =	vsub.f32 v43, v14;
	_ =	sdelay $0x1  }
0x440: {  	[tilespmem:$0x1EA00] =	vst v1;
	v1 =	vsub.f32 v44, v18  }
0x441: {  	v0 =	vmul.f32 v0, v0  }
0x442: {  	[tilespmem:$0x1EA10] =	vst v1  }
0x443: {  	v1 =	vsub.f32 v47, v14;
	[tilespmem:$0x1ED80] =	vst v0;
	v0 =	vld [tilespmem:$0x1EA00]  }
0x444: {  	v50 =	vperm.xlane v2, v4  }
0x445: {  	v4 =	vsub.f32 v44, v19;
	v9 =	vperm.xlane v2, v9;
	[tilespmem:$0x1EA20] =	vst v1;
	v1 =	vsub.f32 v46, v31  }
0x446: {  	v52 =	vperm.xlane v2, v3;
	v3 =	vsub.f32 v60, v18;
	v2 =	vsub.f32 v60, v19  }
0x447: {  	v17 =	vsub.f32 v44, v45;
	[tilespmem:$0x1EFE0] =	vst v1;
	v1 =	vsub.f32 v28, v31  }
0x448: {  	v18 =	vsub.f32 v43, v15;
	v15 =	vsub.f32 v61, v15;
	v0 =	vmul.f32 v0, v0  }
0x449: {  	v14 =	vsub.f32 v61, v14;
	[tilespmem:$0x1F030] =	vst v1;
	v1 =	vsub.f32 v29, v31  }
0x44a: {  	v24 =	vmul.f32 v18, v18;
	v18 =	vsub.f32 v43, v9;
	v5 =	vsub.f32 v27, v32;
	[tilespmem:$0x1ED90] =	vst v0;
	v0 =	vld [tilespmem:$0x1EA10]  }
0x44b: {  	[tilespmem:$0x1EE60] =	vst v1;
	v1 =	vsub.f32 v27, v19;
	v19 =	vsub.f32 v47, v52  }
0x44c: {  	v20 =	vsub.f32 v43, v52;
	v52 =	vsub.f32 v61, v52  }
0x44d: {  	v48 =	vsub.f32 v27, v21;
	v32 =	vsub.f32 v60, v32;
	v59 =	vmul.f32 v62, v62;
	v62 =	vld [tilespmem:$0x1EB10]  }
0x44e: {  	v57 =	vmul.f32 v57, v57;
	v6 =	vsub.f32 v47, v36;
	v16 =	vsub.f32 v27, v7  }
0x44f: {  	v25 =	vsub.f32 v47, v50;
	v42 =	vmul.f32 v14, v14;
	v0 =	vmul.f32 v0, v0  }
0x450: {  	v14 =	vmul.f32 v15, v15;
	v15 =	vsub.f32 v27, v10;
	v35 =	vsub.f32 v44, v33  }
0x451: {  	v55 =	vsub.f32 v27, v45;
	v45 =	vsub.f32 v60, v45;
	[tilespmem:$0x1EDA0] =	vst v0;
	v0 =	vld [tilespmem:$0x1EA20]  }
0x452: {  	v54 =	vsub.f32 v60, v33;
	v36 =	vmul.f32 v35, v35;
	v35 =	vadd.f32 v57, v62;
	v57 =	vld [tilespmem:$0x1EB60]  }
0x453: {  	v22 =	vsub.f32 v44, v21;
	v21 =	vsub.f32 v60, v21;
	v62 =	vld [tilespmem:$0x1EBA0]  }
0x454: {  	v56 =	vsub.f32 v61, v34;
	v40 =	vsub.f32 v43, v50;
	v49 =	vld [tilespmem:$0x1EAE0]  }
0x455: {  	v50 =	vsub.f32 v61, v50;
	v13 =	vsub.f32 v44, v10;
	v44 =	vld [tilespmem:$0x1EAC0]  }
0x456: {  	v10 =	vsub.f32 v60, v10;
	v60 =	vld [tilespmem:$0x1EAF0];
	v39 =	vmul.f32 v0, v0;
	v0 =	vmul.f32 v3, v3  }
0x457: {  	v3 =	vmul.f32 v16, v16;
	v16 =	vsub.f32 v47, v9;
	v9 =	vsub.f32 v61, v9;
	v61 =	vld [tilespmem:$0x1EB00]  }
0x458: {  	v51 =	vsub.f32 v47, v34;
	v47 =	vld [tilespmem:$0x1EAD0]  }
0x459: {  	v37 =	vmul.f32 v12, v12;
	v38 =	vsub.f32 v43, v34;
	v43 =	vadd.f32 v57, v58;
	v58 =	vld [tilespmem:$0x1EB70]  }
0x45a: {  	v63 =	vld [tilespmem:$0x1EB20]  }
0x45b: {  	v8 =	vmul.f32 v32, v32;
	v32 =	vadd.f32 v44, v37;
	v44 =	vld [tilespmem:$0x1EB30]  }
0x45c: {  	v34 =	vadd.f32 v61, v60;
	v60 =	vld [tilespmem:$0x1EB80]  }
0x45d: {  	v53 =	vsub.f32 v27, v33;
	v33 =	vadd.f32 v49, v47;
	v47 =	vld [tilespmem:$0x1EB40]  }
0x45e: {  	v49 =	vld [tilespmem:$0x1EB50]  }
0x45f: {  	v61 =	vld [tilespmem:$0x1EB90]  }
0x460: {  	v37 =	vadd.f32 v44, v63;
	v63 =	vld [tilespmem:$0x1EBB0]  }
0x461: {  	v44 =	vadd.f32 v60, v58;
	v60 =	vld [tilespmem:$0x1EBC0];
	_ =	sdelay $0x1  }
0x462: {  	v57 =	vld [tilespmem:$0x1EBF0]  }
0x463: {  	v41 =	vadd.f32 v49, v47;
	v47 =	vadd.f32 v62, v61;
	v61 =	vld [tilespmem:$0x1EBD0]  }
0x464: {  	v62 =	vld [tilespmem:$0x1EBE0]  }
0x465: {  	v49 =	vadd.f32 v60, v63;
	v60 =	vld [tilespmem:$0x1EC00];
	_ =	sdelay $0x3  }
0x466: {  	v58 =	vadd.f32 v62, v61;
	v61 =	vld [tilespmem:$0x1EC20]  }
0x467: {  	v60 =	vadd.f32 v60, v57;
	v57 =	vld [tilespmem:$0x1EC10];
	_ =	sdelay $0x2  }
0x468: {  	v62 =	vld [tilespmem:$0x1EC40]  }
0x469: {  	v63 =	vld [tilespmem:$0x1EC50]  }
0x46a: {  	v61 =	vadd.f32 v61, v57;
	v57 =	vld [tilespmem:$0x1EC30];
	_ =	sdelay $0x3  }
0x46b: {  	v63 =	vadd.f32 v63, v59;
	v59 =	vld [tilespmem:$0x1EC70]  }
0x46c: {  	v62 =	vadd.f32 v62, v57;
	v57 =	vld [tilespmem:$0x1EC60];
	_ =	sdelay $0x4  }
0x46d: {  	v57 =	vadd.f32 v59, v57  }
0x46e: {  	v59 =	vld [tilespmem:$0x1EC90]  }
0x46f: {  	[tilespmem:$0x1F020] =	vst v57;
	v57 =	vld [tilespmem:$0x1EC80];
	_ =	sdelay $0x4  }
0x470: {  	v57 =	vadd.f32 v59, v57  }
0x471: {  	v59 =	vld [tilespmem:$0x1ECB0]  }
0x472: {  	[tilespmem:$0x1F050] =	vst v57;
	v57 =	vld [tilespmem:$0x1ECA0];
	_ =	sdelay $0x4  }
0x473: {  	v57 =	vadd.f32 v59, v57  }
0x474: {  	v59 =	vld [tilespmem:$0x1ECD0]  }
0x475: {  	[tilespmem:$0x1F070] =	vst v57;
	v57 =	vld [tilespmem:$0x1ECC0];
	_ =	sdelay $0x4  }
0x476: {  	v57 =	vadd.f32 v59, v57  }
0x477: {  	v59 =	vld [tilespmem:$0x1ECF0]  }
0x478: {  	[tilespmem:$0x1F0A0] =	vst v57;
	v57 =	vld [tilespmem:$0x1ECE0];
	_ =	sdelay $0x4  }
0x479: {  	[tilespmem:$0x1EDB0] =	vst v0;
	v0 =	vld [tilespmem:$0x1EA30];
	v57 =	vadd.f32 v59, v57  }
0x47a: {  	v59 =	vld [tilespmem:$0x1ED10]  }
0x47b: {  	[tilespmem:$0x1F0B0] =	vst v57;
	v57 =	vld [tilespmem:$0x1ED00];
	_ =	sdelay $0x4  }
0x47c: {  	v26 =	vmul.f32 v0, v0;
	v0 =	vld [tilespmem:$0x1EA40];
	v57 =	vadd.f32 v59, v57  }
0x47d: {  	v59 =	vld [tilespmem:$0x1ED30]  }
0x47e: {  	[tilespmem:$0x1F0D0] =	vst v57;
	v57 =	vld [tilespmem:$0x1ED20];
	_ =	sdelay $0x4  }
0x47f: {  	v11 =	vmul.f32 v0, v0;
	v0 =	vld [tilespmem:$0x1EA50];
	v57 =	vadd.f32 v59, v57  }
0x480: {  	v59 =	vld [tilespmem:$0x1ED50]  }
0x481: {  	[tilespmem:$0x1F0E0] =	vst v57;
	v57 =	vld [tilespmem:$0x1ED40];
	_ =	sdelay $0x3  }
0x482: {  	v30 =	vmul.f32 v1, v1  }
0x483: {  	v7 =	vmul.f32 v0, v0;
	v0 =	vld [tilespmem:$0x1EA60];
	v57 =	vadd.f32 v59, v57  }
0x484: {  	v24 =	vadd.f32 v24, v30;
	v59 =	vld [tilespmem:$0x1ED70]  }
0x485: {  	[tilespmem:$0x1F0F0] =	vst v57;
	v57 =	vld [tilespmem:$0x1ED60]  }
0x486: {  	[tilespmem:$0x1F160] =	vst v24;
	v24 =	vld [tilespmem:$0x1EDB0];
	_ =	sdelay $0x2  }
0x487: {  	v12 =	vmul.f32 v5, v5;
	v5 =	vmul.f32 v0, v0;
	v0 =	vld [tilespmem:$0x1EA70]  }
0x488: {  	v57 =	vadd.f32 v59, v57  }
0x489: {  	v31 =	vmul.f32 v4, v4;
	v24 =	vadd.f32 v42, v24;
	v59 =	vld [tilespmem:$0x1ED90]  }
0x48a: {  	[tilespmem:$0x1F100] =	vst v57;
	v57 =	vld [tilespmem:$0x1ED80]  }
0x48b: {  	v23 =	vmul.f32 v2, v2;
	v6 =	vmul.f32 v6, v6;
	[tilespmem:$0x1F170] =	vst v24;
	v24 =	vadd.f32 v26, v31  }
0x48c: {  	v38 =	vmul.f32 v38, v38;
	v2 =	vmul.f32 v0, v0  }
0x48d: {  	v14 =	vadd.f32 v14, v23;
	v53 =	vmul.f32 v53, v53;
	[tilespmem:$0x1F180] =	vst v24;
	v24 =	vadd.f32 v6, v7  }
0x48e: {  	v7 =	vmul.f32 v15, v15;
	v23 =	vadd.f32 v2, v3;
	v2 =	vmul.f32 v18, v18  }
0x48f: {  	v57 =	vadd.f32 v59, v57  }
0x490: {  	v59 =	vmul.f32 v25, v25;
	v25 =	vadd.f32 v38, v53;
	v38 =	vadd.f32 v2, v7;
	v2 =	vld [tilespmem:$0x1EE30];
	_ =	sdelay $0x2  }
0x491: {  	v21 =	vmul.f32 v21, v21;
	v26 =	vmul.f32 v50, v50;
	_ =	sdelay $0x1  }
0x492: {  	v31 =	vadd.f32 v5, v8;
	v8 =	vadd.f32 v26, v21;
	v21 =	vmul.f32 v2, v2;
	v2 =	vld [tilespmem:$0x1EE40];
	_ =	sdelay $0x4  }
0x493: {  	v3 =	vmul.f32 v13, v13;
	v13 =	vmul.f32 v2, v2;
	v2 =	vld [tilespmem:$0x1EE50];
	_ =	sdelay $0x4  }
0x494: {  	v2 =	vadd.f32 v2, v32;
	_ =	sdelay $0x1  }
0x495: {  	[tilespmem:$0x1F210] =	vst v2;
	v2 =	vld [tilespmem:$0x1EE70];
	_ =	sdelay $0x1  }
0x496: {  	v20 =	vmul.f32 v20, v20;
	v55 =	vmul.f32 v55, v55  }
0x497: {  	v22 =	vmul.f32 v22, v22  }
0x498: {  	v20 =	vadd.f32 v20, v55  }
0x499: {  	v55 =	vadd.f32 v59, v22;
	v22 =	vadd.f32 v2, v33;
	v2 =	vld [tilespmem:$0x1EE90];
	_ =	sdelay $0x2  }
0x49a: {  	v52 =	vmul.f32 v52, v52;
	v45 =	vmul.f32 v45, v45;
	_ =	sdelay $0x1  }
0x49b: {  	v12 =	vadd.f32 v11, v12;
	v11 =	vadd.f32 v52, v45;
	v45 =	vmul.f32 v2, v2;
	v2 =	vld [tilespmem:$0x1EEA0];
	_ =	sdelay $0x4  }
0x49c: {  	v2 =	vadd.f32 v2, v34;
	_ =	sdelay $0x1  }
0x49d: {  	[tilespmem:$0x1F230] =	vst v2;
	v2 =	vld [tilespmem:$0x1EEC0];
	_ =	sdelay $0x4  }
0x49e: {  	v2 =	vadd.f32 v2, v35;
	_ =	sdelay $0x1  }
0x49f: {  	[tilespmem:$0x1F250] =	vst v2;
	v2 =	vld [tilespmem:$0x1EEE0];
	_ =	sdelay $0x4  }
0x4a0: {  	v50 =	vmul.f32 v2, v2;
	v2 =	vld [tilespmem:$0x1EEF0];
	_ =	sdelay $0x4  }
0x4a1: {  	v2 =	vadd.f32 v2, v37;
	_ =	sdelay $0x1  }
0x4a2: {  	[tilespmem:$0x1F270] =	vst v2;
	v2 =	vld [tilespmem:$0x1EF00];
	_ =	sdelay $0x4  }
0x4a3: {  	v2 =	vadd.f32 v2, v41;
	_ =	sdelay $0x1  }
0x4a4: {  	[tilespmem:$0x1F280] =	vst v2;
	v2 =	vld [tilespmem:$0x1EF10];
	_ =	sdelay $0x4  }
0x4a5: {  	v52 =	vmul.f32 v2, v2;
	v2 =	vld [tilespmem:$0x1EF20];
	_ =	sdelay $0x3  }
0x4a6: {  	v0 =	vld [tilespmem:$0x1EA80]  }
0x4a7: {  	v2 =	vadd.f32 v2, v43;
	_ =	sdelay $0x1  }
0x4a8: {  	[tilespmem:$0x1F290] =	vst v2;
	v2 =	vld [tilespmem:$0x1EF30];
	_ =	sdelay $0x1  }
0x4a9: {  	v4 =	vmul.f32 v0, v0;
	v0 =	vld [tilespmem:$0x1EA90];
	_ =	sdelay $0x2  }
0x4aa: {  	v2 =	vadd.f32 v2, v44  }
0x4ab: {  	[tilespmem:$0x1F140] =	vst v57;
	v57 =	vld [tilespmem:$0x1EDA0]  }
0x4ac: {  	v1 =	vmul.f32 v0, v0;
	[tilespmem:$0x1F2B0] =	vst v2;
	v2 =	vld [tilespmem:$0x1EF40];
	_ =	sdelay $0x1  }
0x4ad: {  	[tilespmem:$0x1F190] =	vst v14;
	v14 =	vadd.f32 v1, v4;
	v4 =	vmul.f32 v16, v16;
	_ =	sdelay $0x1  }
0x4ae: {  	v5 =	vmul.f32 v10, v10;
	v10 =	vmul.f32 v9, v9;
	v9 =	vadd.f32 v4, v3;
	v3 =	vld [tilespmem:$0x1EFC0]  }
0x4af: {  	v39 =	vadd.f32 v39, v57;
	v57 =	vmul.f32 v2, v2;
	v2 =	vld [tilespmem:$0x1EF50];
	_ =	sdelay $0x1  }
0x4b0: {  	v51 =	vmul.f32 v51, v51;
	_ =	sdelay $0x1  }
0x4b1: {  	[tilespmem:$0x1F150] =	vst v39;
	v39 =	vadd.f32 v51, v36  }
0x4b2: {  	v36 =	vadd.f32 v3, v61;
	v3 =	vld [tilespmem:$0x1EFD0];
	v2 =	vadd.f32 v2, v47;
	_ =	sdelay $0x1  }
0x4b3: {  	[tilespmem:$0x1F2C0] =	vst v2;
	v2 =	vld [tilespmem:$0x1EF70]  }
0x4b4: {  	v48 =	vmul.f32 v48, v48;
	v40 =	vmul.f32 v40, v40  }
0x4b5: {  	v27 =	vld [tilespmem:$0x1EAB0]  }
0x4b6: {  	v42 =	vadd.f32 v40, v48;
	v48 =	vadd.f32 v3, v62;
	v3 =	vld [tilespmem:$0x1EFE0]  }
0x4b7: {  	v0 =	vld [tilespmem:$0x1EAA0]  }
0x4b8: {  	v2 =	vadd.f32 v2, v49;
	_ =	sdelay $0x1  }
0x4b9: {  	[tilespmem:$0x1F2D0] =	vst v2;
	v2 =	vld [tilespmem:$0x1EF80]  }
0x4ba: {  	v61 =	vmul.f32 v3, v3;
	v3 =	vld [tilespmem:$0x1EFF0]  }
0x4bb: {  	v27 =	vmul.f32 v27, v27;
	v0 =	vmul.f32 v0, v0;
	_ =	sdelay $0x1  }
0x4bc: {  	v1 =	vadd.f32 v27, v0;
	v27 =	vadd.f32 v10, v5;
	v5 =	vld [tilespmem:$0x1F020]  }
0x4bd: {  	v59 =	vmul.f32 v2, v2;
	v2 =	vld [tilespmem:$0x1EF90]  }
0x4be: {  	v40 =	vadd.f32 v3, v63;
	v3 =	vld [tilespmem:$0x1F010];
	_ =	sdelay $0x1  }
0x4bf: {  	v17 =	vmul.f32 v17, v17;
	v19 =	vmul.f32 v19, v19  }
0x4c0: {  	v15 =	vld [tilespmem:$0x1EDC0]  }
0x4c1: {  	v6 =	vadd.f32 v19, v17;
	v17 =	vld [tilespmem:$0x1EDE0];
	v2 =	vadd.f32 v2, v58  }
0x4c2: {  	v37 =	vadd.f32 v3, v5;
	v3 =	vld [tilespmem:$0x1F030]  }
0x4c3: {  	[tilespmem:$0x1F2F0] =	vst v2;
	v2 =	vld [tilespmem:$0x1EFA0]  }
0x4c4: {  	v18 =	vld [tilespmem:$0x1EDD0]  }
0x4c5: {  	v4 =	vld [tilespmem:$0x1EE10]  }
0x4c6: {  	v0 =	vld [tilespmem:$0x1EE00]  }
0x4c7: {  	v5 =	vld [tilespmem:$0x1F050]  }
0x4c8: {  	v53 =	vadd.f32 v2, v60;
	v60 =	vmul.f32 v3, v3;
	v3 =	vld [tilespmem:$0x1F040]  }
0x4c9: {  	v10 =	vld [tilespmem:$0x1EE20]  }
0x4ca: {  	v7 =	vld [tilespmem:$0x1EDF0]  }
0x4cb: {  	v32 =	vld [tilespmem:$0x1EE60]  }
0x4cc: {  	v2 =	vld [tilespmem:$0x1EFB0]  }
0x4cd: {  	v43 =	vadd.f32 v3, v5;
	v3 =	vld [tilespmem:$0x1F060]  }
0x4ce: {  	p0 =	sne.s32 s26, $0x20C0;
	v5 =	vld [tilespmem:$0x1F070]  }
.Ltmp2:
0x4cf: {  	v33 =	vld [tilespmem:$0x1EE80];
	(pc) =	sbr.rel @p0 .LBB2_7-.Ltmp2, $4  }
0x4d0: {  	v54 =	vmul.f32 v54, v54;
	v56 =	vmul.f32 v56, v56;
	v63 =	vld [tilespmem:$0x1F000]  }
0x4d1: {  	v34 =	vld [tilespmem:$0x1EEB0]  }
0x4d2: {  	v30 =	vadd.f32 v56, v54;
	v0 =	vmul.f32 v0, v0;
	v35 =	vld [tilespmem:$0x1EED0];
	v41 =	vimm.s32 $0xA  }
0x4d3: {  	s26 =	sadd.s32 $0x40, s26;
	v47 =	vld [tilespmem:$0x1EF60];
	v49 =	vimm.s32 $0x6;
	v2 =	vmul.f32 v2, v2;
	v26 =	vadd.f32 v3, v5  }
0x4d4: {  	v3 =	vld [tilespmem:$0x1F0A0];
	_ =	sdelay $0x2  }
0x4d5: {  	v62 =	vld [tilespmem:$0x1F0E0]  }
0x4d6: {  	v28 =	vld [tilespmem:$0x1F0F0]  }
0x4d7: {  	v3 =	vadd.f32 v4, v3;
	v4 =	vld [tilespmem:$0x1F0B0]  }
0x4d8: {  	v29 =	vld [tilespmem:$0x1F100];
	_ =	sdelay $0x3  }
0x4d9: {  	v4 =	vadd.f32 v7, v4;
	v7 =	vadd.f32 v10, v62  }
0x4da: {  	v10 =	vadd.f32 v15, v28;
	v15 =	vadd.f32 v18, v29;
	v18 =	vld [tilespmem:$0x1F170]  }
0x4db: {  	v16 =	vld [tilespmem:$0x1F140]  }
0x4dc: {  	v5 =	vld [tilespmem:$0x1F0D0];
	_ =	sdelay $0x1  }
0x4dd: {  	v19 =	vld [tilespmem:$0x1F190]  }
0x4de: {  	v13 =	vadd.f32 v13, v18;
	v18 =	vld [tilespmem:$0x1F180]  }
0x4df: {  	v0 =	vadd.f32 v0, v16;
	v16 =	vld [tilespmem:$0x1F150]  }
0x4e0: {  	v5 =	vadd.f32 v17, v5;
	v17 =	vld [tilespmem:$0x1F160]  }
0x4e1: {  	v29 =	vld [tilespmem:$0x1F310]  }
0x4e2: {  	v46 =	vld [tilespmem:$0x1F320]  }
0x4e3: {  	v18 =	vadd.f32 v50, v18;
	v50 =	vld [tilespmem:$0x1F360]  }
0x4e4: {  	v51 =	vld [tilespmem:$0x1F330]  }
0x4e5: {  	v35 =	vmul.f32 v35, v35;
	v19 =	vadd.f32 v52, v19;
	v52 =	vld [tilespmem:$0x1F370];
	v28 =	vmul.f32 v63, v63  }
0x4e6: {  	v54 =	vld [tilespmem:$0x1F340];
	v16 =	vadd.f32 v21, v16;
	v17 =	vadd.f32 v45, v17;
	v29 =	vmul.f32 v29, v29  }
0x4e7: {  	v58 =	vld [tilespmem:$0x1F390];
	v21 =	vadd.f32 v59, v24;
	v20 =	vadd.f32 v28, v20;
	v28 =	vmul.f32 v46, v46  }
0x4e8: {  	v45 =	vmul.f32 v34, v34;
	v6 =	vadd.f32 v29, v6;
	v29 =	vmul.f32 v50, v50  }
0x4e9: {  	v24 =	vadd.f32 v35, v25;
	v59 =	vld [tilespmem:$0x1F3A0];
	v11 =	vadd.f32 v28, v11;
	v28 =	vmul.f32 v51, v51  }
0x4ea: {  	v25 =	vadd.f32 v45, v30;
	v30 =	vmul.f32 v52, v52;
	v29 =	vadd.f32 v29, v38  }
0x4eb: {  	v56 =	vld [tilespmem:$0x1F380];
	v2 =	vadd.f32 v2, v31;
	v31 =	vmul.f32 v54, v54;
	v28 =	vadd.f32 v28, v42  }
0x4ec: {  	v12 =	vadd.f32 v57, v12;
	v57 =	vld [tilespmem:$0x1F350];
	v9 =	vadd.f32 v30, v9;
	v29 =	vmin.f32 v58, v29  }
0x4ed: {  	v44 =	vmovc v22;
	v22 =	vadd.f32 v61, v23;
	v31 =	vadd.f32 v31, v55;
	v28 =	vmin.f32 v29, v28  }
0x4ee: {  	v23 =	vmul.f32 v32, v32;
	v9 =	vmin.f32 v59, v9;
	v20 =	vmin.f32 v28, v20  }
0x4ef: {  	v14 =	vadd.f32 v60, v14;
	v9 =	vmin.f32 v9, v31;
	v60 =	vmin.f32 v20, v24  }
0x4f0: {  	v32 =	vmul.f32 v56, v56;
	v6 =	vmin.f32 v9, v6;
	v9 =	vmin.f32 v60, v22  }
0x4f1: {  	v1 =	vadd.f32 v23, v1;
	v30 =	vmul.f32 v57, v57;
	v9 =	vmin.f32 v9, v12  }
0x4f2: {  	v23 =	vmul.f32 v33, v33;
	v27 =	vadd.f32 v32, v27;
	v61 =	vmin.f32 v9, v17  }
0x4f3: {  	v8 =	vadd.f32 v30, v8;
	v0 =	vmin.f32 v61, v0  }
0x4f4: {  	v23 =	vadd.f32 v23, v39;
	v27 =	vmin.f32 v47, v27;
	v0 =	vmin.f32 v0, v5  }
0x4f5: {  	v8 =	vmin.f32 v27, v8;
	v0 =	vmin.f32 v0, v3;
	v3 =	vld [tilespmem:$0x1F2C0]  }
0x4f6: {  	v8 =	vmin.f32 v8, v11;
	v6 =	vmin.f32 v6, v23  }
0x4f7: {  	v8 =	vmin.f32 v8, v25;
	v6 =	vmin.f32 v6, v14  }
0x4f8: {  	v1 =	vmin.f32 v8, v1;
	v6 =	vmin.f32 v6, v21;
	v0 =	vmin.f32 v0, v40  }
0x4f9: {  	v1 =	vmin.f32 v1, v2;
	v2 =	vmin.f32 v6, v18;
	v0 =	vmin.f32 v0, v36  }
0x4fa: {  	v2 =	vmin.f32 v2, v16;
	v0 =	vmin.f32 v0, v3;
	v3 =	vld [tilespmem:$0x1F2F0]  }
0x4fb: {  	v2 =	vmin.f32 v2, v10  }
0x4fc: {  	v2 =	vmin.f32 v2, v4  }
0x4fd: {  	v2 =	vmin.f32 v2, v43  }
0x4fe: {  	v2 =	vmin.f32 v2, v48  }
0x4ff: {  	v2 =	vmin.f32 v2, v3;
	v3 =	vld [tilespmem:$0x1F290];
	_ =	sdelay $0x4  }
0x500: {  	v0 =	vmin.f32 v0, v3;
	v3 =	vld [tilespmem:$0x1F2B0];
	_ =	sdelay $0x4  }
0x501: {  	v2 =	vmin.f32 v2, v3;
	v3 =	vld [tilespmem:$0x1F230];
	_ =	sdelay $0x2  }
0x502: {  	v1 =	vmin.f32 v1, v19  }
0x503: {  	v1 =	vmin.f32 v1, v13  }
0x504: {  	v1 =	vmin.f32 v1, v15;
	v0 =	vmin.f32 v0, v3;
	v3 =	vld [tilespmem:$0x1F2D0]  }
0x505: {  	v1 =	vmin.f32 v1, v7  }
0x506: {  	v1 =	vmin.f32 v1, v26  }
0x507: {  	v1 =	vmin.f32 v1, v37  }
0x508: {  	v1 =	vmin.f32 v1, v53  }
0x509: {  	v1 =	vmin.f32 v1, v3;
	v3 =	vld [tilespmem:$0x1F270];
	_ =	sdelay $0x1  }
0x50a: {  	v4 =	vld [tilespmem:$0x1F280]  }
0x50b: {  	v62 =	vld [tilespmem:$0x1F250];
	_ =	sdelay $0x1  }
0x50c: {  	v2 =	vmin.f32 v2, v3;
	v3 =	vld [tilespmem:$0x1F210];
	_ =	sdelay $0x1  }
0x50d: {  	v5 =	vld [tilespmem:$0x1FFF0];
	v1 =	vmin.f32 v1, v4  }
0x50e: {  	v59 =	vimm.s32 $0x7;
	v42 =	vimm.s32 $0xF;
	v4 =	vld [tilespmem:$0x1F080];
	v1 =	vmin.f32 v1, v62  }
0x50f: {  	v63 =	vld [tilespmem:$0x1F090];
	v18 =	vimm.s32 $0xC;
	vm14 =	vlt.f32 v1, $0.0e+00;
	v2 =	vmin.f32 v2, v44  }
0x510: {  	vm15 =	vgt.f32 v1, $0.0e+00;
	vm12 =	vlt.f32 v2, $0.0e+00;
	v0 =	vmin.f32 v0, v3  }
0x511: {  	v3 =	vand.u32 $0x80000000, v0;
	vm0 =	vlt.f32 v0, $0.0e+00;
	vm1 =	vgt.f32 v0, $0.0e+00  }
0x512: {  	s25 =	sadd.s32 $0x1, s25;
	vm13 =	vgt.f32 v2, $0.0e+00;
	v3 =	vor.u32 v3, v5;
	vm0 =	vmor vm1, vm0  }
0x513: {  	p0 =	sne.s32 s25, $0xB;
	v4 =	vadd.f32 v0, v4;
	v0 =	vsel vm0, v3, v0;
	v3 =	vand.u32 $0x80000000, v2  }
.Ltmp3:
0x514: {  	vm0 =	vmor vm13, vm12;
	v3 =	vor.u32 v3, v5;
	v0 =	vadd.f32 v0, v63;
	(pc) =	sbr.rel @p0 .LBB2_6-.Ltmp3, $4  }
0x515: {  	v4 =	vadd.f32 v2, v4;
	v2 =	vsel vm0, v3, v2;
	v3 =	vand.u32 $0x80000000, v1  }
0x516: {  	vm0 =	vmor vm15, vm14;
	v0 =	vadd.f32 v2, v0;
	v2 =	vor.u32 v3, v5  }
0x517: {  	v58 =	vimm.s32 $0x1;
	v53 =	vimm.s32 $0x8;
	v2 =	vsel vm0, v2, v1  }
0x518: {  	v20 =	vimm.s32 $0x9;
	v3 =	vadd.f32 v1, v4;
	v1 =	vadd.f32 v2, v0  }
0x519: {  	v0 =	vld [tilespmem:$0x1FFE0]  }
0x51a: {  	v63 =	vld [tilespmem:$0x1FFD0];
	_ =	sdelay $0x1  }
0x51b: {  	[tilespmem:$0x2120] =	vst v3  }
0x51c: {  	s24 =	sadd.s32 $0x1, s24;
	[tilespmem:$0x2130] =	vst v1  }
0x51d: {  	p0 =	sne.s32 s24, s16;
	[tilespmem:$0x2100] =	vst v0  }
.Ltmp4:
0x51e: {  	[tilespmem:$0x2110] =	vst v63;
	(pc) =	sbr.rel @p0 .LBB2_1-.Ltmp4, $4  }
0x51f: {  	[hbm4b:s15+s2] =	stream.linear.scatter [tilespmem:s23], [sflag:$0x1], $0x40, $0x38;
	[tilespmem:$0x2180] =	vst v63  }
0x520: {  	_ =	swait.ge [sflag:s17], $0x40  }
0x521: {  	[sflag:s17] =	ssyncset.done $0x0  }
0x522: {  	[sflag:s17] =	ssyncadd.s32 $0xFFFFFFC0  }
0x523: {  	_ =	sfence.sel $0x180000  }
0x524: {  	[bflag:$0x0] =	sbarrier.arrive $0xFFFF  }
0x525: {  	p0 =	sne.s32 s1, $0x0;
	_ =	strace $0x90000047  }
0x526: {  	s0 =	sadd.s32 @!p0 $0x100000, s0;
	[bflag:$0x2] =	sbarrier.arrive $0xFFFF  }
0x527: {  	[sflag:s0] =	ssyncadd.tile.s32 @!p0 $0x1;
	_ =	shalt  }
.Lfunc_end2:
_tile_overlayer_lowered:
.L_overlay_start_2:
0x528: {  	(tag) =	ssettag $0x2  }
0x529: {  	s0 =	rddreg [dreg:$0x0];
	s2 =	stileid.u32  }
0x52a: {  	s1 =	rddreg [dreg:$0x1];
	p0 =	sne.s32 s2, $0x0  }
0x52b: {  	s3 =	rddreg [dreg:$0x2];
	[bflag:$0x3] =	sbarrier.arrive $0xFFFF;
	s2 =	simm.s32 @!p0 $0x1C01  }
0x52c: {  	[timem:s3], [sflag:s2] =	dma.local @!p0 [hbm:s0], s1  }
0x52d: {  	s0 =	simm.s32 @!p0 $0x1  }
0x52e: {  	_ =	swait.ge @!p0 [sflag:s0], s1  }
0x52f: {  	s1 =	ssub.s32 @!p0 $0x0, s1;
	[sflag:s0] =	ssyncset.done @!p0 $0x0  }
0x530: {  	[sflag:s0] =	ssyncadd.s32 @!p0 s1  }
0x531: {  	[bflag:$0x3] =	sbarrier.arrive $0xFFFF  }
0x532: {  	_ =	shalt  }

</sc_bundles>
